<compile_context>
chip_gen: v7x
topology: tpu7x:2x2x1
jax: 0.10.2.dev20260603
libtpu: 0.0.44.dev20260713+nightly
codegen_flags: <defaults>
</compile_context>

<pallas_src>
import functools

import jax
import jax.numpy as jnp
from jax import lax
from jax.experimental import pallas as pl
from jax.experimental.pallas import tpu as pltpu
from jax.experimental.pallas import tpu_sc as plsc

_CHUNK = 2048
_BB = 1


def _add_kernel(x_ref, p_ref, o_ref):
    o_ref[...] = x_ref[...] + p_ref[...][None, :, :]


def kernel(inputs, pos_table):
    b, s, d = inputs.shape
    chunk = min(_CHUNK, s)
    bb = min(_BB, b)
    return pl.pallas_call(
        _add_kernel,
        grid=(s // chunk, b // bb),
        in_specs=[
            pl.BlockSpec((bb, chunk, d), lambda i, j: (j, i, 0)),
            pl.BlockSpec((chunk, d), lambda i, j: (i, 0)),
        ],
        out_specs=pl.BlockSpec((bb, chunk, d), lambda i, j: (j, i, 0)),
        out_shape=jax.ShapeDtypeStruct((b, s, d), inputs.dtype),
    )(inputs, pos_table)


_tc_kernel = kernel


_NC = 2
_NS = 16
_NW = _NC * _NS
_CH_SC = 32


def _kernel_sc(inputs, pos_table):
    b, s, d = inputs.shape
    spw = s // _NW
    nv = _CH_SC * d // 16
    mesh = plsc.VectorSubcoreMesh(
        core_axis_name="c", subcore_axis_name="s", num_cores=_NC, num_subcores=_NS
    )

    @functools.partial(
        pl.kernel,
        mesh=mesh,
        out_type=jax.ShapeDtypeStruct((b * s * d,), inputs.dtype),
        scratch_types=[
            pltpu.VMEM((_CH_SC * d,), jnp.float32),
            pltpu.VMEM((_CH_SC * d,), jnp.float32),
        ],
    )
    def k(in_hbm, tab_hbm, out_hbm, t_v, x_v):
        wid = lax.axis_index("s") * _NC + lax.axis_index("c")
        s_base = wid * spw
        for c in range(spw // _CH_SC):
            s0 = s_base + c * _CH_SC
            pltpu.sync_copy(tab_hbm.at[pl.ds(s0 * d, _CH_SC * d)], t_v)
            for bi in range(b):
                r0 = (bi * s + s0) * d
                pltpu.sync_copy(in_hbm.at[pl.ds(r0, _CH_SC * d)], x_v)

                @plsc.parallel_loop(0, nv * 16, 16, unroll=8)
                def add_body(off):
                    plsc.addupdate(x_v.at[pl.ds(off, 16)], t_v[pl.ds(off, 16)])

                pltpu.sync_copy(x_v, out_hbm.at[pl.ds(r0, _CH_SC * d)])

    out = k(inputs.reshape(-1), pos_table.reshape(-1))
    return out.reshape(b, s, d)


kernel = _kernel_sc

# --- scband reference (transcript-rebuilt; emitter-appended) ---
"""Pipeline reference for scband-positional-embedding-11304353923803 (READ-ONLY COPY).

The authoritative reference and input builder live on the scoring server;
editing this copy changes nothing except your own understanding.
"""

import jax, jax.numpy as jnp
import numpy as np

SEQ_LEN = 8192
OUT_DIM = 1024
BATCH = 4

def setup_inputs(seed: int = 0) -> dict:
    key = jax.random.key(seed)
    k1, k2 = jax.random.split(key)
    inputs = jax.random.normal(k1, (BATCH, SEQ_LEN, OUT_DIM), dtype=jnp.float32)
    # learned positional embedding table (Keras Embedding default: uniform(-0.05, 0.05))
    pos_table = jax.random.uniform(k2, (SEQ_LEN, OUT_DIM), dtype=jnp.float32, minval=-0.05, maxval=0.05)
    return {"inputs": inputs, "pos_table": pos_table}

def reference(inputs, pos_table):
    length = inputs.shape[1]
    positions = jnp.arange(0, length, 1)
    embedded_positions = jnp.take(pos_table, positions, axis=0)
    return inputs + embedded_positions

if __name__ == "__main__":
    import jax
    _d = setup_inputs()
    print(jax.jit(kernel)(*tuple(_d.values())))

</pallas_src>

<mosaic_0001>
#map = affine_map<(d0, d1) -> (0)>
module attributes {stable_mosaic.version = 14 : i64} {
  func.func @k(%arg0: i32, %arg1: i32, %arg2: memref<33554432xf32, #tpu.memory_space<hbm>>, %arg3: memref<8388608xf32, #tpu.memory_space<hbm>>, %arg4: memref<33554432xf32, #tpu.memory_space<hbm>>, %arg5: memref<32768xf32, #tpu.memory_space<vmem>>, %arg6: memref<32768xf32, #tpu.memory_space<vmem>>) attributes {dimension_semantics = [#tpu.dimension_semantics<core_parallel>, #tpu.dimension_semantics<subcore_parallel>], iteration_bounds = array<i64: 2, 16>, scalar_prefetch = 0 : i64, scratch_operands = 2 : i64, tpu.core_type = #tpu.core_type<sc_vector_subcore>, window_params = [{transform_indices = #map}, {transform_indices = #map}, {transform_indices = #map}]} {
    %mul3A = arith.constant 2 : i32
    %mul3A_0 = arith.muli %arg1, %mul3A : i32
    %add3A = arith.addi %mul3A_0, %arg0 : i32
    %mul3A_1 = arith.constant 256 : i32
    %mul3A_2 = arith.muli %add3A, %mul3A_1 : i32
    %add3A_3 = arith.constant 0 : i32
    %add3A_4 = arith.addi %mul3A_2, %add3A_3 : i32
    %mul3A_5 = arith.constant 1024 : i32
    %mul3A_6 = arith.muli %add3A_4, %mul3A_5 : i32
    "tpu.region"() ({
      %run_scoped3A = tpu.sem_alloc : memref<!tpu.dma_semaphore, #tpu.memory_space<semaphore_mem>>
      %dma_start3A = tpu.memref_slice %arg3[%mul3A_6] : memref<8388608xf32, #tpu.memory_space<hbm>> -> memref<32768xf32, #tpu.memory_space<hbm>>
      %dma_start3A_258 = tpu.memref_slice %arg3[%mul3A_6] : memref<8388608xf32, #tpu.memory_space<hbm>> -> memref<32768xf32, #tpu.memory_space<hbm>>
      tpu.enqueue_dma source(%dma_start3A_258 : memref<32768xf32, #tpu.memory_space<hbm>>) target(%arg5 : memref<32768xf32, #tpu.memory_space<vmem>>) target_semaphore(%run_scoped3A : memref<!tpu.dma_semaphore, #tpu.memory_space<semaphore_mem>>)
      %dma_wait3A = tpu.memref_slice %arg3[%mul3A_6] : memref<8388608xf32, #tpu.memory_space<hbm>> -> memref<32768xf32, #tpu.memory_space<hbm>>
      %dma_wait3A_259 = tpu.memref_slice %arg3[%mul3A_6] : memref<8388608xf32, #tpu.memory_space<hbm>> -> memref<32768xf32, #tpu.memory_space<hbm>>
      tpu.wait_dma2 semaphore(%run_scoped3A : memref<!tpu.dma_semaphore, #tpu.memory_space<semaphore_mem>>) src(%dma_wait3A_259 : memref<32768xf32, #tpu.memory_space<hbm>>) dst(%arg5 : memref<32768xf32, #tpu.memory_space<vmem>>)
      tpu.yield
    }) : () -> ()
    %add3A_7 = arith.constant 0 : i32
    %add3A_8 = arith.addi %add3A_7, %add3A_4 : i32
    %mul3A_9 = arith.constant 1024 : i32
    %mul3A_10 = arith.muli %add3A_8, %mul3A_9 : i32
    "tpu.region"() ({
      %run_scoped3A = tpu.sem_alloc : memref<!tpu.dma_semaphore, #tpu.memory_space<semaphore_mem>>
      %dma_start3A = tpu.memref_slice %arg2[%mul3A_10] : memref<33554432xf32, #tpu.memory_space<hbm>> -> memref<32768xf32, #tpu.memory_space<hbm>>
      %dma_start3A_258 = tpu.memref_slice %arg2[%mul3A_10] : memref<33554432xf32, #tpu.memory_space<hbm>> -> memref<32768xf32, #tpu.memory_space<hbm>>
      tpu.enqueue_dma source(%dma_start3A_258 : memref<32768xf32, #tpu.memory_space<hbm>>) target(%arg6 : memref<32768xf32, #tpu.memory_space<vmem>>) target_semaphore(%run_scoped3A : memref<!tpu.dma_semaphore, #tpu.memory_space<semaphore_mem>>)
      %dma_wait3A = tpu.memref_slice %arg2[%mul3A_10] : memref<33554432xf32, #tpu.memory_space<hbm>> -> memref<32768xf32, #tpu.memory_space<hbm>>
      %dma_wait3A_259 = tpu.memref_slice %arg2[%mul3A_10] : memref<33554432xf32, #tpu.memory_space<hbm>> -> memref<32768xf32, #tpu.memory_space<hbm>>
      tpu.wait_dma2 semaphore(%run_scoped3A : memref<!tpu.dma_semaphore, #tpu.memory_space<semaphore_mem>>) src(%dma_wait3A_259 : memref<32768xf32, #tpu.memory_space<hbm>>) dst(%arg6 : memref<32768xf32, #tpu.memory_space<vmem>>)
      tpu.yield
    }) : () -> ()
    %parallel_loop3A = arith.constant 0 : i32
    %parallel_loop3A_11 = arith.constant 32768 : i32
    %parallel_loop3A_12 = arith.constant 16 : i32
    scf.for %parallel_loop3A_258 = %parallel_loop3A to %parallel_loop3A_11 step %parallel_loop3A_12  : i32 {
      %parallel_loop3A_259 = arith.index_cast %parallel_loop3A_258 : i32 to index
      %parallel_loop3A_260 = tpu.vector_load %arg5[%parallel_loop3A_259] {strides = array<i32>} : memref<32768xf32, #tpu.memory_space<vmem>>, vector<16xf32>,
      %parallel_loop3A_261 = vector.shape_cast %parallel_loop3A_260 : vector<16xf32> to vector<16xf32>
      %parallel_loop3A_262 = arith.index_cast %parallel_loop3A_258 : i32 to index
      %parallel_loop3A_263 = tpu.vector_load %arg6[%parallel_loop3A_262] {strides = array<i32>} : memref<32768xf32, #tpu.memory_space<vmem>>, vector<16xf32>,
      %parallel_loop3A_264 = vector.shape_cast %parallel_loop3A_263 : vector<16xf32> to vector<16xf32>
      %parallel_loop3A_265 = vector.shape_cast %parallel_loop3A_261 : vector<16xf32> to vector<16xf32>
      tpu.vector_store %arg6[%parallel_loop3A_262], %parallel_loop3A_265 {add = true, strides = array<i32>} : memref<32768xf32, #tpu.memory_space<vmem>>, vector<16xf32>,
    } {sc.loop_unroll_factor = 8 : i64, sc.parallel_access}
    "tpu.region"() ({
      %run_scoped3A = tpu.sem_alloc : memref<!tpu.dma_semaphore, #tpu.memory_space<semaphore_mem>>
      %dma_start3A = tpu.memref_slice %arg4[%mul3A_10] : memref<33554432xf32, #tpu.memory_space<hbm>> -> memref<32768xf32, #tpu.memory_space<hbm>>
      %dma_start3A_258 = tpu.memref_slice %arg4[%mul3A_10] : memref<33554432xf32, #tpu.memory_space<hbm>> -> memref<32768xf32, #tpu.memory_space<hbm>>
      tpu.enqueue_dma source(%arg6 : memref<32768xf32, #tpu.memory_space<vmem>>) target(%dma_start3A_258 : memref<32768xf32, #tpu.memory_space<hbm>>) target_semaphore(%run_scoped3A : memref<!tpu.dma_semaphore, #tpu.memory_space<semaphore_mem>>)
      %dma_wait3A = tpu.memref_slice %arg4[%mul3A_10] : memref<33554432xf32, #tpu.memory_space<hbm>> -> memref<32768xf32, #tpu.memory_space<hbm>>
      %dma_wait3A_259 = tpu.memref_slice %arg4[%mul3A_10] : memref<33554432xf32, #tpu.memory_space<hbm>> -> memref<32768xf32, #tpu.memory_space<hbm>>
      tpu.wait_dma2 semaphore(%run_scoped3A : memref<!tpu.dma_semaphore, #tpu.memory_space<semaphore_mem>>) src(%arg6 : memref<32768xf32, #tpu.memory_space<vmem>>) dst(%dma_wait3A_259 : memref<32768xf32, #tpu.memory_space<hbm>>)
      tpu.yield
    }) : () -> ()
    %add3A_13 = arith.constant 8192 : i32
    %add3A_14 = arith.addi %add3A_13, %add3A_4 : i32
    %mul3A_15 = arith.constant 1024 : i32
    %mul3A_16 = arith.muli %add3A_14, %mul3A_15 : i32
    "tpu.region"() ({
      %run_scoped3A = tpu.sem_alloc : memref<!tpu.dma_semaphore, #tpu.memory_space<semaphore_mem>>
      %dma_start3A = tpu.memref_slice %arg2[%mul3A_16] : memref<33554432xf32, #tpu.memory_space<hbm>> -> memref<32768xf32, #tpu.memory_space<hbm>>
      %dma_start3A_258 = tpu.memref_slice %arg2[%mul3A_16] : memref<33554432xf32, #tpu.memory_space<hbm>> -> memref<32768xf32, #tpu.memory_space<hbm>>
      tpu.enqueue_dma source(%dma_start3A_258 : memref<32768xf32, #tpu.memory_space<hbm>>) target(%arg6 : memref<32768xf32, #tpu.memory_space<vmem>>) target_semaphore(%run_scoped3A : memref<!tpu.dma_semaphore, #tpu.memory_space<semaphore_mem>>)
      %dma_wait3A = tpu.memref_slice %arg2[%mul3A_16] : memref<33554432xf32, #tpu.memory_space<hbm>> -> memref<32768xf32, #tpu.memory_space<hbm>>
      %dma_wait3A_259 = tpu.memref_slice %arg2[%mul3A_16] : memref<33554432xf32, #tpu.memory_space<hbm>> -> memref<32768xf32, #tpu.memory_space<hbm>>
      tpu.wait_dma2 semaphore(%run_scoped3A : memref<!tpu.dma_semaphore, #tpu.memory_space<semaphore_mem>>) src(%dma_wait3A_259 : memref<32768xf32, #tpu.memory_space<hbm>>) dst(%arg6 : memref<32768xf32, #tpu.memory_space<vmem>>)
      tpu.yield
    }) : () -> ()
    %parallel_loop3A_17 = arith.constant 0 : i32
    %parallel_loop3A_18 = arith.constant 32768 : i32
    %parallel_loop3A_19 = arith.constant 16 : i32
    scf.for %parallel_loop3A_258 = %parallel_loop3A_17 to %parallel_loop3A_18 step %parallel_loop3A_19  : i32 {
      %parallel_loop3A_259 = arith.index_cast %parallel_loop3A_258 : i32 to index
      %parallel_loop3A_260 = tpu.vector_load %arg5[%parallel_loop3A_259] {strides = array<i32>} : memref<32768xf32, #tpu.memory_space<vmem>>, vector<16xf32>,
      %parallel_loop3A_261 = vector.shape_cast %parallel_loop3A_260 : vector<16xf32> to vector<16xf32>
      %parallel_loop3A_262 = arith.index_cast %parallel_loop3A_258 : i32 to index
      %parallel_loop3A_263 = tpu.vector_load %arg6[%parallel_loop3A_262] {strides = array<i32>} : memref<32768xf32, #tpu.memory_space<vmem>>, vector<16xf32>,
      %parallel_loop3A_264 = vector.shape_cast %parallel_loop3A_263 : vector<16xf32> to vector<16xf32>
      %parallel_loop3A_265 = vector.shape_cast %parallel_loop3A_261 : vector<16xf32> to vector<16xf32>
      tpu.vector_store %arg6[%parallel_loop3A_262], %parallel_loop3A_265 {add = true, strides = array<i32>} : memref<32768xf32, #tpu.memory_space<vmem>>, vector<16xf32>,
    } {sc.loop_unroll_factor = 8 : i64, sc.parallel_access}
    "tpu.region"() ({
      %run_scoped3A = tpu.sem_alloc : memref<!tpu.dma_semaphore, #tpu.memory_space<semaphore_mem>>
      %dma_start3A = tpu.memref_slice %arg4[%mul3A_16] : memref<33554432xf32, #tpu.memory_space<hbm>> -> memref<32768xf32, #tpu.memory_space<hbm>>
      %dma_start3A_258 = tpu.memref_slice %arg4[%mul3A_16] : memref<33554432xf32, #tpu.memory_space<hbm>> -> memref<32768xf32, #tpu.memory_space<hbm>>
      tpu.enqueue_dma source(%arg6 : memref<32768xf32, #tpu.memory_space<vmem>>) target(%dma_start3A_258 : memref<32768xf32, #tpu.memory_space<hbm>>) target_semaphore(%run_scoped3A : memref<!tpu.dma_semaphore, #tpu.memory_space<semaphore_mem>>)
      %dma_wait3A = tpu.memref_slice %arg4[%mul3A_16] : memref<33554432xf32, #tpu.memory_space<hbm>> -> memref<32768xf32, #tpu.memory_space<hbm>>
      %dma_wait3A_259 = tpu.memref_slice %arg4[%mul3A_16] : memref<33554432xf32, #tpu.memory_space<hbm>> -> memref<32768xf32, #tpu.memory_space<hbm>>
      tpu.wait_dma2 semaphore(%run_scoped3A : memref<!tpu.dma_semaphore, #tpu.memory_space<semaphore_mem>>) src(%arg6 : memref<32768xf32, #tpu.memory_space<vmem>>) dst(%dma_wait3A_259 : memref<32768xf32, #tpu.memory_space<hbm>>)
      tpu.yield
    }) : () -> ()
    %add3A_20 = arith.constant 16384 : i32
    %add3A_21 = arith.addi %add3A_20, %add3A_4 : i32
    %mul3A_22 = arith.constant 1024 : i32
    %mul3A_23 = arith.muli %add3A_21, %mul3A_22 : i32
    "tpu.region"() ({
      %run_scoped3A = tpu.sem_alloc : memref<!tpu.dma_semaphore, #tpu.memory_space<semaphore_mem>>
      %dma_start3A = tpu.memref_slice %arg2[%mul3A_23] : memref<33554432xf32, #tpu.memory_space<hbm>> -> memref<32768xf32, #tpu.memory_space<hbm>>
      %dma_start3A_258 = tpu.memref_slice %arg2[%mul3A_23] : memref<33554432xf32, #tpu.memory_space<hbm>> -> memref<32768xf32, #tpu.memory_space<hbm>>
      tpu.enqueue_dma source(%dma_start3A_258 : memref<32768xf32, #tpu.memory_space<hbm>>) target(%arg6 : memref<32768xf32, #tpu.memory_space<vmem>>) target_semaphore(%run_scoped3A : memref<!tpu.dma_semaphore, #tpu.memory_space<semaphore_mem>>)
      %dma_wait3A = tpu.memref_slice %arg2[%mul3A_23] : memref<33554432xf32, #tpu.memory_space<hbm>> -> memref<32768xf32, #tpu.memory_space<hbm>>
      %dma_wait3A_259 = tpu.memref_slice %arg2[%mul3A_23] : memref<33554432xf32, #tpu.memory_space<hbm>> -> memref<32768xf32, #tpu.memory_space<hbm>>
      tpu.wait_dma2 semaphore(%run_scoped3A : memref<!tpu.dma_semaphore, #tpu.memory_space<semaphore_mem>>) src(%dma_wait3A_259 : memref<32768xf32, #tpu.memory_space<hbm>>) dst(%arg6 : memref<32768xf32, #tpu.memory_space<vmem>>)
      tpu.yield
    }) : () -> ()
    %parallel_loop3A_24 = arith.constant 0 : i32
    %parallel_loop3A_25 = arith.constant 32768 : i32
    %parallel_loop3A_26 = arith.constant 16 : i32
    scf.for %parallel_loop3A_258 = %parallel_loop3A_24 to %parallel_loop3A_25 step %parallel_loop3A_26  : i32 {
      %parallel_loop3A_259 = arith.index_cast %parallel_loop3A_258 : i32 to index
      %parallel_loop3A_260 = tpu.vector_load %arg5[%parallel_loop3A_259] {strides = array<i32>} : memref<32768xf32, #tpu.memory_space<vmem>>, vector<16xf32>,
      %parallel_loop3A_261 = vector.shape_cast %parallel_loop3A_260 : vector<16xf32> to vector<16xf32>
      %parallel_loop3A_262 = arith.index_cast %parallel_loop3A_258 : i32 to index
      %parallel_loop3A_263 = tpu.vector_load %arg6[%parallel_loop3A_262] {strides = array<i32>} : memref<32768xf32, #tpu.memory_space<vmem>>, vector<16xf32>,
      %parallel_loop3A_264 = vector.shape_cast %parallel_loop3A_263 : vector<16xf32> to vector<16xf32>
      %parallel_loop3A_265 = vector.shape_cast %parallel_loop3A_261 : vector<16xf32> to vector<16xf32>
      tpu.vector_store %arg6[%parallel_loop3A_262], %parallel_loop3A_265 {add = true, strides = array<i32>} : memref<32768xf32, #tpu.memory_space<vmem>>, vector<16xf32>,
    } {sc.loop_unroll_factor = 8 : i64, sc.parallel_access}
    "tpu.region"() ({
      %run_scoped3A = tpu.sem_alloc : memref<!tpu.dma_semaphore, #tpu.memory_space<semaphore_mem>>
      %dma_start3A = tpu.memref_slice %arg4[%mul3A_23] : memref<33554432xf32, #tpu.memory_space<hbm>> -> memref<32768xf32, #tpu.memory_space<hbm>>
      %dma_start3A_258 = tpu.memref_slice %arg4[%mul3A_23] : memref<33554432xf32, #tpu.memory_space<hbm>> -> memref<32768xf32, #tpu.memory_space<hbm>>
      tpu.enqueue_dma source(%arg6 : memref<32768xf32, #tpu.memory_space<vmem>>) target(%dma_start3A_258 : memref<32768xf32, #tpu.memory_space<hbm>>) target_semaphore(%run_scoped3A : memref<!tpu.dma_semaphore, #tpu.memory_space<semaphore_mem>>)
      %dma_wait3A = tpu.memref_slice %arg4[%mul3A_23] : memref<33554432xf32, #tpu.memory_space<hbm>> -> memref<32768xf32, #tpu.memory_space<hbm>>
      %dma_wait3A_259 = tpu.memref_slice %arg4[%mul3A_23] : memref<33554432xf32, #tpu.memory_space<hbm>> -> memref<32768xf32, #tpu.memory_space<hbm>>
      tpu.wait_dma2 semaphore(%run_scoped3A : memref<!tpu.dma_semaphore, #tpu.memory_space<semaphore_mem>>) src(%arg6 : memref<32768xf32, #tpu.memory_space<vmem>>) dst(%dma_wait3A_259 : memref<32768xf32, #tpu.memory_space<hbm>>)
      tpu.yield
    }) : () -> ()
    %add3A_27 = arith.constant 24576 : i32
    %add3A_28 = arith.addi %add3A_27, %add3A_4 : i32
    %mul3A_29 = arith.constant 1024 : i32
    %mul3A_30 = arith.muli %add3A_28, %mul3A_29 : i32
    "tpu.region"() ({
      %run_scoped3A = tpu.sem_alloc : memref<!tpu.dma_semaphore, #tpu.memory_space<semaphore_mem>>
      %dma_start3A = tpu.memref_slice %arg2[%mul3A_30] : memref<33554432xf32, #tpu.memory_space<hbm>> -> memref<32768xf32, #tpu.memory_space<hbm>>
      %dma_start3A_258 = tpu.memref_slice %arg2[%mul3A_30] : memref<33554432xf32, #tpu.memory_space<hbm>> -> memref<32768xf32, #tpu.memory_space<hbm>>
      tpu.enqueue_dma source(%dma_start3A_258 : memref<32768xf32, #tpu.memory_space<hbm>>) target(%arg6 : memref<32768xf32, #tpu.memory_space<vmem>>) target_semaphore(%run_scoped3A : memref<!tpu.dma_semaphore, #tpu.memory_space<semaphore_mem>>)
      %dma_wait3A = tpu.memref_slice %arg2[%mul3A_30] : memref<33554432xf32, #tpu.memory_space<hbm>> -> memref<32768xf32, #tpu.memory_space<hbm>>
      %dma_wait3A_259 = tpu.memref_slice %arg2[%mul3A_30] : memref<33554432xf32, #tpu.memory_space<hbm>> -> memref<32768xf32, #tpu.memory_space<hbm>>
      tpu.wait_dma2 semaphore(%run_scoped3A : memref<!tpu.dma_semaphore, #tpu.memory_space<semaphore_mem>>) src(%dma_wait3A_259 : memref<32768xf32, #tpu.memory_space<hbm>>) dst(%arg6 : memref<32768xf32, #tpu.memory_space<vmem>>)
      tpu.yield
    }) : () -> ()
    %parallel_loop3A_31 = arith.constant 0 : i32
    %parallel_loop3A_32 = arith.constant 32768 : i32
    %parallel_loop3A_33 = arith.constant 16 : i32
    scf.for %parallel_loop3A_258 = %parallel_loop3A_31 to %parallel_loop3A_32 step %parallel_loop3A_33  : i32 {
      %parallel_loop3A_259 = arith.index_cast %parallel_loop3A_258 : i32 to index
      %parallel_loop3A_260 = tpu.vector_load %arg5[%parallel_loop3A_259] {strides = array<i32>} : memref<32768xf32, #tpu.memory_space<vmem>>, vector<16xf32>,
      %parallel_loop3A_261 = vector.shape_cast %parallel_loop3A_260 : vector<16xf32> to vector<16xf32>
      %parallel_loop3A_262 = arith.index_cast %parallel_loop3A_258 : i32 to index
      %parallel_loop3A_263 = tpu.vector_load %arg6[%parallel_loop3A_262] {strides = array<i32>} : memref<32768xf32, #tpu.memory_space<vmem>>, vector<16xf32>,
      %parallel_loop3A_264 = vector.shape_cast %parallel_loop3A_263 : vector<16xf32> to vector<16xf32>
      %parallel_loop3A_265 = vector.shape_cast %parallel_loop3A_261 : vector<16xf32> to vector<16xf32>
      tpu.vector_store %arg6[%parallel_loop3A_262], %parallel_loop3A_265 {add = true, strides = array<i32>} : memref<32768xf32, #tpu.memory_space<vmem>>, vector<16xf32>,
    } {sc.loop_unroll_factor = 8 : i64, sc.parallel_access}
    "tpu.region"() ({
      %run_scoped3A = tpu.sem_alloc : memref<!tpu.dma_semaphore, #tpu.memory_space<semaphore_mem>>
      %dma_start3A = tpu.memref_slice %arg4[%mul3A_30] : memref<33554432xf32, #tpu.memory_space<hbm>> -> memref<32768xf32, #tpu.memory_space<hbm>>
      %dma_start3A_258 = tpu.memref_slice %arg4[%mul3A_30] : memref<33554432xf32, #tpu.memory_space<hbm>> -> memref<32768xf32, #tpu.memory_space<hbm>>
      tpu.enqueue_dma source(%arg6 : memref<32768xf32, #tpu.memory_space<vmem>>) target(%dma_start3A_258 : memref<32768xf32, #tpu.memory_space<hbm>>) target_semaphore(%run_scoped3A : memref<!tpu.dma_semaphore, #tpu.memory_space<semaphore_mem>>)
      %dma_wait3A = tpu.memref_slice %arg4[%mul3A_30] : memref<33554432xf32, #tpu.memory_space<hbm>> -> memref<32768xf32, #tpu.memory_space<hbm>>
      %dma_wait3A_259 = tpu.memref_slice %arg4[%mul3A_30] : memref<33554432xf32, #tpu.memory_space<hbm>> -> memref<32768xf32, #tpu.memory_space<hbm>>
      tpu.wait_dma2 semaphore(%run_scoped3A : memref<!tpu.dma_semaphore, #tpu.memory_space<semaphore_mem>>) src(%arg6 : memref<32768xf32, #tpu.memory_space<vmem>>) dst(%dma_wait3A_259 : memref<32768xf32, #tpu.memory_space<hbm>>)
      tpu.yield
    }) : () -> ()
    %add3A_34 = arith.constant 32 : i32
    %add3A_35 = arith.addi %mul3A_2, %add3A_34 : i32
    %mul3A_36 = arith.constant 1024 : i32
    %mul3A_37 = arith.muli %add3A_35, %mul3A_36 : i32
    "tpu.region"() ({
      %run_scoped3A = tpu.sem_alloc : memref<!tpu.dma_semaphore, #tpu.memory_space<semaphore_mem>>
      %dma_start3A = tpu.memref_slice %arg3[%mul3A_37] : memref<8388608xf32, #tpu.memory_space<hbm>> -> memref<32768xf32, #tpu.memory_space<hbm>>
      %dma_start3A_258 = tpu.memref_slice %arg3[%mul3A_37] : memref<8388608xf32, #tpu.memory_space<hbm>> -> memref<32768xf32, #tpu.memory_space<hbm>>
      tpu.enqueue_dma source(%dma_start3A_258 : memref<32768xf32, #tpu.memory_space<hbm>>) target(%arg5 : memref<32768xf32, #tpu.memory_space<vmem>>) target_semaphore(%run_scoped3A : memref<!tpu.dma_semaphore, #tpu.memory_space<semaphore_mem>>)
      %dma_wait3A = tpu.memref_slice %arg3[%mul3A_37] : memref<8388608xf32, #tpu.memory_space<hbm>> -> memref<32768xf32, #tpu.memory_space<hbm>>
      %dma_wait3A_259 = tpu.memref_slice %arg3[%mul3A_37] : memref<8388608xf32, #tpu.memory_space<hbm>> -> memref<32768xf32, #tpu.memory_space<hbm>>
      tpu.wait_dma2 semaphore(%run_scoped3A : memref<!tpu.dma_semaphore, #tpu.memory_space<semaphore_mem>>) src(%dma_wait3A_259 : memref<32768xf32, #tpu.memory_space<hbm>>) dst(%arg5 : memref<32768xf32, #tpu.memory_space<vmem>>)
      tpu.yield
    }) : () -> ()
    %add3A_38 = arith.constant 0 : i32
    %add3A_39 = arith.addi %add3A_38, %add3A_35 : i32
    %mul3A_40 = arith.constant 1024 : i32
    %mul3A_41 = arith.muli %add3A_39, %mul3A_40 : i32
    "tpu.region"() ({
      %run_scoped3A = tpu.sem_alloc : memref<!tpu.dma_semaphore, #tpu.memory_space<semaphore_mem>>
      %dma_start3A = tpu.memref_slice %arg2[%mul3A_41] : memref<33554432xf32, #tpu.memory_space<hbm>> -> memref<32768xf32, #tpu.memory_space<hbm>>
      %dma_start3A_258 = tpu.memref_slice %arg2[%mul3A_41] : memref<33554432xf32, #tpu.memory_space<hbm>> -> memref<32768xf32, #tpu.memory_space<hbm>>
      tpu.enqueue_dma source(%dma_start3A_258 : memref<32768xf32, #tpu.memory_space<hbm>>) target(%arg6 : memref<32768xf32, #tpu.memory_space<vmem>>) target_semaphore(%run_scoped3A : memref<!tpu.dma_semaphore, #tpu.memory_space<semaphore_mem>>)
      %dma_wait3A = tpu.memref_slice %arg2[%mul3A_41] : memref<33554432xf32, #tpu.memory_space<hbm>> -> memref<32768xf32, #tpu.memory_space<hbm>>
      %dma_wait3A_259 = tpu.memref_slice %arg2[%mul3A_41] : memref<33554432xf32, #tpu.memory_space<hbm>> -> memref<32768xf32, #tpu.memory_space<hbm>>
      tpu.wait_dma2 semaphore(%run_scoped3A : memref<!tpu.dma_semaphore, #tpu.memory_space<semaphore_mem>>) src(%dma_wait3A_259 : memref<32768xf32, #tpu.memory_space<hbm>>) dst(%arg6 : memref<32768xf32, #tpu.memory_space<vmem>>)
      tpu.yield
    }) : () -> ()
    %parallel_loop3A_42 = arith.constant 0 : i32
    %parallel_loop3A_43 = arith.constant 32768 : i32
    %parallel_loop3A_44 = arith.constant 16 : i32
    scf.for %parallel_loop3A_258 = %parallel_loop3A_42 to %parallel_loop3A_43 step %parallel_loop3A_44  : i32 {
      %parallel_loop3A_259 = arith.index_cast %parallel_loop3A_258 : i32 to index
      %parallel_loop3A_260 = tpu.vector_load %arg5[%parallel_loop3A_259] {strides = array<i32>} : memref<32768xf32, #tpu.memory_space<vmem>>, vector<16xf32>,
      %parallel_loop3A_261 = vector.shape_cast %parallel_loop3A_260 : vector<16xf32> to vector<16xf32>
      %parallel_loop3A_262 = arith.index_cast %parallel_loop3A_258 : i32 to index
      %parallel_loop3A_263 = tpu.vector_load %arg6[%parallel_loop3A_262] {strides = array<i32>} : memref<32768xf32, #tpu.memory_space<vmem>>, vector<16xf32>,
      %parallel_loop3A_264 = vector.shape_cast %parallel_loop3A_263 : vector<16xf32> to vector<16xf32>
      %parallel_loop3A_265 = vector.shape_cast %parallel_loop3A_261 : vector<16xf32> to vector<16xf32>
      tpu.vector_store %arg6[%parallel_loop3A_262], %parallel_loop3A_265 {add = true, strides = array<i32>} : memref<32768xf32, #tpu.memory_space<vmem>>, vector<16xf32>,
    } {sc.loop_unroll_factor = 8 : i64, sc.parallel_access}
    "tpu.region"() ({
      %run_scoped3A = tpu.sem_alloc : memref<!tpu.dma_semaphore, #tpu.memory_space<semaphore_mem>>
      %dma_start3A = tpu.memref_slice %arg4[%mul3A_41] : memref<33554432xf32, #tpu.memory_space<hbm>> -> memref<32768xf32, #tpu.memory_space<hbm>>
      %dma_start3A_258 = tpu.memref_slice %arg4[%mul3A_41] : memref<33554432xf32, #tpu.memory_space<hbm>> -> memref<32768xf32, #tpu.memory_space<hbm>>
      tpu.enqueue_dma source(%arg6 : memref<32768xf32, #tpu.memory_space<vmem>>) target(%dma_start3A_258 : memref<32768xf32, #tpu.memory_space<hbm>>) target_semaphore(%run_scoped3A : memref<!tpu.dma_semaphore, #tpu.memory_space<semaphore_mem>>)
      %dma_wait3A = tpu.memref_slice %arg4[%mul3A_41] : memref<33554432xf32, #tpu.memory_space<hbm>> -> memref<32768xf32, #tpu.memory_space<hbm>>
      %dma_wait3A_259 = tpu.memref_slice %arg4[%mul3A_41] : memref<33554432xf32, #tpu.memory_space<hbm>> -> memref<32768xf32, #tpu.memory_space<hbm>>
      tpu.wait_dma2 semaphore(%run_scoped3A : memref<!tpu.dma_semaphore, #tpu.memory_space<semaphore_mem>>) src(%arg6 : memref<32768xf32, #tpu.memory_space<vmem>>) dst(%dma_wait3A_259 : memref<32768xf32, #tpu.memory_space<hbm>>)
      tpu.yield
    }) : () -> ()
    %add3A_45 = arith.constant 8192 : i32
    %add3A_46 = arith.addi %add3A_45, %add3A_35 : i32
    %mul3A_47 = arith.constant 1024 : i32
    %mul3A_48 = arith.muli %add3A_46, %mul3A_47 : i32
    "tpu.region"() ({
      %run_scoped3A = tpu.sem_alloc : memref<!tpu.dma_semaphore, #tpu.memory_space<semaphore_mem>>
      %dma_start3A = tpu.memref_slice %arg2[%mul3A_48] : memref<33554432xf32, #tpu.memory_space<hbm>> -> memref<32768xf32, #tpu.memory_space<hbm>>
      %dma_start3A_258 = tpu.memref_slice %arg2[%mul3A_48] : memref<33554432xf32, #tpu.memory_space<hbm>> -> memref<32768xf32, #tpu.memory_space<hbm>>
      tpu.enqueue_dma source(%dma_start3A_258 : memref<32768xf32, #tpu.memory_space<hbm>>) target(%arg6 : memref<32768xf32, #tpu.memory_space<vmem>>) target_semaphore(%run_scoped3A : memref<!tpu.dma_semaphore, #tpu.memory_space<semaphore_mem>>)
      %dma_wait3A = tpu.memref_slice %arg2[%mul3A_48] : memref<33554432xf32, #tpu.memory_space<hbm>> -> memref<32768xf32, #tpu.memory_space<hbm>>
      %dma_wait3A_259 = tpu.memref_slice %arg2[%mul3A_48] : memref<33554432xf32, #tpu.memory_space<hbm>> -> memref<32768xf32, #tpu.memory_space<hbm>>
      tpu.wait_dma2 semaphore(%run_scoped3A : memref<!tpu.dma_semaphore, #tpu.memory_space<semaphore_mem>>) src(%dma_wait3A_259 : memref<32768xf32, #tpu.memory_space<hbm>>) dst(%arg6 : memref<32768xf32, #tpu.memory_space<vmem>>)
      tpu.yield
    }) : () -> ()
    %parallel_loop3A_49 = arith.constant 0 : i32
    %parallel_loop3A_50 = arith.constant 32768 : i32
    %parallel_loop3A_51 = arith.constant 16 : i32
    scf.for %parallel_loop3A_258 = %parallel_loop3A_49 to %parallel_loop3A_50 step %parallel_loop3A_51  : i32 {
      %parallel_loop3A_259 = arith.index_cast %parallel_loop3A_258 : i32 to index
      %parallel_loop3A_260 = tpu.vector_load %arg5[%parallel_loop3A_259] {strides = array<i32>} : memref<32768xf32, #tpu.memory_space<vmem>>, vector<16xf32>,
      %parallel_loop3A_261 = vector.shape_cast %parallel_loop3A_260 : vector<16xf32> to vector<16xf32>
      %parallel_loop3A_262 = arith.index_cast %parallel_loop3A_258 : i32 to index
      %parallel_loop3A_263 = tpu.vector_load %arg6[%parallel_loop3A_262] {strides = array<i32>} : memref<32768xf32, #tpu.memory_space<vmem>>, vector<16xf32>,
      %parallel_loop3A_264 = vector.shape_cast %parallel_loop3A_263 : vector<16xf32> to vector<16xf32>
      %parallel_loop3A_265 = vector.shape_cast %parallel_loop3A_261 : vector<16xf32> to vector<16xf32>
      tpu.vector_store %arg6[%parallel_loop3A_262], %parallel_loop3A_265 {add = true, strides = array<i32>} : memref<32768xf32, #tpu.memory_space<vmem>>, vector<16xf32>,
    } {sc.loop_unroll_factor = 8 : i64, sc.parallel_access}
    "tpu.region"() ({
      %run_scoped3A = tpu.sem_alloc : memref<!tpu.dma_semaphore, #tpu.memory_space<semaphore_mem>>
      %dma_start3A = tpu.memref_slice %arg4[%mul3A_48] : memref<33554432xf32, #tpu.memory_space<hbm>> -> memref<32768xf32, #tpu.memory_space<hbm>>
      %dma_start3A_258 = tpu.memref_slice %arg4[%mul3A_48] : memref<33554432xf32, #tpu.memory_space<hbm>> -> memref<32768xf32, #tpu.memory_space<hbm>>
      tpu.enqueue_dma source(%arg6 : memref<32768xf32, #tpu.memory_space<vmem>>) target(%dma_start3A_258 : memref<32768xf32, #tpu.memory_space<hbm>>) target_semaphore(%run_scoped3A : memref<!tpu.dma_semaphore, #tpu.memory_space<semaphore_mem>>)
      %dma_wait3A = tpu.memref_slice %arg4[%mul3A_48] : memref<33554432xf32, #tpu.memory_space<hbm>> -> memref<32768xf32, #tpu.memory_space<hbm>>
      %dma_wait3A_259 = tpu.memref_slice %arg4[%mul3A_48] : memref<33554432xf32, #tpu.memory_space<hbm>> -> memref<32768xf32, #tpu.memory_space<hbm>>
      tpu.wait_dma2 semaphore(%run_scoped3A : memref<!tpu.dma_semaphore, #tpu.memory_space<semaphore_mem>>) src(%arg6 : memref<32768xf32, #tpu.memory_space<vmem>>) dst(%dma_wait3A_259 : memref<32768xf32, #tpu.memory_space<hbm>>)
      tpu.yield
    }) : () -> ()
    %add3A_52 = arith.constant 16384 : i32
    %add3A_53 = arith.addi %add3A_52, %add3A_35 : i32
    %mul3A_54 = arith.constant 1024 : i32
    %mul3A_55 = arith.muli %add3A_53, %mul3A_54 : i32
    "tpu.region"() ({
      %run_scoped3A = tpu.sem_alloc : memref<!tpu.dma_semaphore, #tpu.memory_space<semaphore_mem>>
      %dma_start3A = tpu.memref_slice %arg2[%mul3A_55] : memref<33554432xf32, #tpu.memory_space<hbm>> -> memref<32768xf32, #tpu.memory_space<hbm>>
      %dma_start3A_258 = tpu.memref_slice %arg2[%mul3A_55] : memref<33554432xf32, #tpu.memory_space<hbm>> -> memref<32768xf32, #tpu.memory_space<hbm>>
      tpu.enqueue_dma source(%dma_start3A_258 : memref<32768xf32, #tpu.memory_space<hbm>>) target(%arg6 : memref<32768xf32, #tpu.memory_space<vmem>>) target_semaphore(%run_scoped3A : memref<!tpu.dma_semaphore, #tpu.memory_space<semaphore_mem>>)
      %dma_wait3A = tpu.memref_slice %arg2[%mul3A_55] : memref<33554432xf32, #tpu.memory_space<hbm>> -> memref<32768xf32, #tpu.memory_space<hbm>>
      %dma_wait3A_259 = tpu.memref_slice %arg2[%mul3A_55] : memref<33554432xf32, #tpu.memory_space<hbm>> -> memref<32768xf32, #tpu.memory_space<hbm>>
      tpu.wait_dma2 semaphore(%run_scoped3A : memref<!tpu.dma_semaphore, #tpu.memory_space<semaphore_mem>>) src(%dma_wait3A_259 : memref<32768xf32, #tpu.memory_space<hbm>>) dst(%arg6 : memref<32768xf32, #tpu.memory_space<vmem>>)
      tpu.yield
    }) : () -> ()
    %parallel_loop3A_56 = arith.constant 0 : i32
    %parallel_loop3A_57 = arith.constant 32768 : i32
    %parallel_loop3A_58 = arith.constant 16 : i32
    scf.for %parallel_loop3A_258 = %parallel_loop3A_56 to %parallel_loop3A_57 step %parallel_loop3A_58  : i32 {
      %parallel_loop3A_259 = arith.index_cast %parallel_loop3A_258 : i32 to index
      %parallel_loop3A_260 = tpu.vector_load %arg5[%parallel_loop3A_259] {strides = array<i32>} : memref<32768xf32, #tpu.memory_space<vmem>>, vector<16xf32>,
      %parallel_loop3A_261 = vector.shape_cast %parallel_loop3A_260 : vector<16xf32> to vector<16xf32>
      %parallel_loop3A_262 = arith.index_cast %parallel_loop3A_258 : i32 to index
      %parallel_loop3A_263 = tpu.vector_load %arg6[%parallel_loop3A_262] {strides = array<i32>} : memref<32768xf32, #tpu.memory_space<vmem>>, vector<16xf32>,
      %parallel_loop3A_264 = vector.shape_cast %parallel_loop3A_263 : vector<16xf32> to vector<16xf32>
      %parallel_loop3A_265 = vector.shape_cast %parallel_loop3A_261 : vector<16xf32> to vector<16xf32>
      tpu.vector_store %arg6[%parallel_loop3A_262], %parallel_loop3A_265 {add = true, strides = array<i32>} : memref<32768xf32, #tpu.memory_space<vmem>>, vector<16xf32>,
    } {sc.loop_unroll_factor = 8 : i64, sc.parallel_access}
    "tpu.region"() ({
      %run_scoped3A = tpu.sem_alloc : memref<!tpu.dma_semaphore, #tpu.memory_space<semaphore_mem>>
      %dma_start3A = tpu.memref_slice %arg4[%mul3A_55] : memref<33554432xf32, #tpu.memory_space<hbm>> -> memref<32768xf32, #tpu.memory_space<hbm>>
      %dma_start3A_258 = tpu.memref_slice %arg4[%mul3A_55] : memref<33554432xf32, #tpu.memory_space<hbm>> -> memref<32768xf32, #tpu.memory_space<hbm>>
      tpu.enqueue_dma source(%arg6 : memref<32768xf32, #tpu.memory_space<vmem>>) target(%dma_start3A_258 : memref<32768xf32, #tpu.memory_space<hbm>>) target_semaphore(%run_scoped3A : memref<!tpu.dma_semaphore, #tpu.memory_space<semaphore_mem>>)
      %dma_wait3A = tpu.memref_slice %arg4[%mul3A_55] : memref<33554432xf32, #tpu.memory_space<hbm>> -> memref<32768xf32, #tpu.memory_space<hbm>>
      %dma_wait3A_259 = tpu.memref_slice %arg4[%mul3A_55] : memref<33554432xf32, #tpu.memory_space<hbm>> -> memref<32768xf32, #tpu.memory_space<hbm>>
      tpu.wait_dma2 semaphore(%run_scoped3A : memref<!tpu.dma_semaphore, #tpu.memory_space<semaphore_mem>>) src(%arg6 : memref<32768xf32, #tpu.memory_space<vmem>>) dst(%dma_wait3A_259 : memref<32768xf32, #tpu.memory_space<hbm>>)
      tpu.yield
    }) : () -> ()
    %add3A_59 = arith.constant 24576 : i32
    %add3A_60 = arith.addi %add3A_59, %add3A_35 : i32
    %mul3A_61 = arith.constant 1024 : i32
    %mul3A_62 = arith.muli %add3A_60, %mul3A_61 : i32
    "tpu.region"() ({
      %run_scoped3A = tpu.sem_alloc : memref<!tpu.dma_semaphore, #tpu.memory_space<semaphore_mem>>
      %dma_start3A = tpu.memref_slice %arg2[%mul3A_62] : memref<33554432xf32, #tpu.memory_space<hbm>> -> memref<32768xf32, #tpu.memory_space<hbm>>
      %dma_start3A_258 = tpu.memref_slice %arg2[%mul3A_62] : memref<33554432xf32, #tpu.memory_space<hbm>> -> memref<32768xf32, #tpu.memory_space<hbm>>
      tpu.enqueue_dma source(%dma_start3A_258 : memref<32768xf32, #tpu.memory_space<hbm>>) target(%arg6 : memref<32768xf32, #tpu.memory_space<vmem>>) target_semaphore(%run_scoped3A : memref<!tpu.dma_semaphore, #tpu.memory_space<semaphore_mem>>)
      %dma_wait3A = tpu.memref_slice %arg2[%mul3A_62] : memref<33554432xf32, #tpu.memory_space<hbm>> -> memref<32768xf32, #tpu.memory_space<hbm>>
      %dma_wait3A_259 = tpu.memref_slice %arg2[%mul3A_62] : memref<33554432xf32, #tpu.memory_space<hbm>> -> memref<32768xf32, #tpu.memory_space<hbm>>
      tpu.wait_dma2 semaphore(%run_scoped3A : memref<!tpu.dma_semaphore, #tpu.memory_space<semaphore_mem>>) src(%dma_wait3A_259 : memref<32768xf32, #tpu.memory_space<hbm>>) dst(%arg6 : memref<32768xf32, #tpu.memory_space<vmem>>)
      tpu.yield
    }) : () -> ()
    %parallel_loop3A_63 = arith.constant 0 : i32
    %parallel_loop3A_64 = arith.constant 32768 : i32
    %parallel_loop3A_65 = arith.constant 16 : i32
    scf.for %parallel_loop3A_258 = %parallel_loop3A_63 to %parallel_loop3A_64 step %parallel_loop3A_65  : i32 {
      %parallel_loop3A_259 = arith.index_cast %parallel_loop3A_258 : i32 to index
      %parallel_loop3A_260 = tpu.vector_load %arg5[%parallel_loop3A_259] {strides = array<i32>} : memref<32768xf32, #tpu.memory_space<vmem>>, vector<16xf32>,
      %parallel_loop3A_261 = vector.shape_cast %parallel_loop3A_260 : vector<16xf32> to vector<16xf32>
      %parallel_loop3A_262 = arith.index_cast %parallel_loop3A_258 : i32 to index
      %parallel_loop3A_263 = tpu.vector_load %arg6[%parallel_loop3A_262] {strides = array<i32>} : memref<32768xf32, #tpu.memory_space<vmem>>, vector<16xf32>,
      %parallel_loop3A_264 = vector.shape_cast %parallel_loop3A_263 : vector<16xf32> to vector<16xf32>
      %parallel_loop3A_265 = vector.shape_cast %parallel_loop3A_261 : vector<16xf32> to vector<16xf32>
      tpu.vector_store %arg6[%parallel_loop3A_262], %parallel_loop3A_265 {add = true, strides = array<i32>} : memref<32768xf32, #tpu.memory_space<vmem>>, vector<16xf32>,
    } {sc.loop_unroll_factor = 8 : i64, sc.parallel_access}
    "tpu.region"() ({
      %run_scoped3A = tpu.sem_alloc : memref<!tpu.dma_semaphore, #tpu.memory_space<semaphore_mem>>
      %dma_start3A = tpu.memref_slice %arg4[%mul3A_62] : memref<33554432xf32, #tpu.memory_space<hbm>> -> memref<32768xf32, #tpu.memory_space<hbm>>
      %dma_start3A_258 = tpu.memref_slice %arg4[%mul3A_62] : memref<33554432xf32, #tpu.memory_space<hbm>> -> memref<32768xf32, #tpu.memory_space<hbm>>
      tpu.enqueue_dma source(%arg6 : memref<32768xf32, #tpu.memory_space<vmem>>) target(%dma_start3A_258 : memref<32768xf32, #tpu.memory_space<hbm>>) target_semaphore(%run_scoped3A : memref<!tpu.dma_semaphore, #tpu.memory_space<semaphore_mem>>)
      %dma_wait3A = tpu.memref_slice %arg4[%mul3A_62] : memref<33554432xf32, #tpu.memory_space<hbm>> -> memref<32768xf32, #tpu.memory_space<hbm>>
      %dma_wait3A_259 = tpu.memref_slice %arg4[%mul3A_62] : memref<33554432xf32, #tpu.memory_space<hbm>> -> memref<32768xf32, #tpu.memory_space<hbm>>
      tpu.wait_dma2 semaphore(%run_scoped3A : memref<!tpu.dma_semaphore, #tpu.memory_space<semaphore_mem>>) src(%arg6 : memref<32768xf32, #tpu.memory_space<vmem>>) dst(%dma_wait3A_259 : memref<32768xf32, #tpu.memory_space<hbm>>)
      tpu.yield
    }) : () -> ()
    %add3A_66 = arith.constant 64 : i32
    %add3A_67 = arith.addi %mul3A_2, %add3A_66 : i32
    %mul3A_68 = arith.constant 1024 : i32
    %mul3A_69 = arith.muli %add3A_67, %mul3A_68 : i32
    "tpu.region"() ({
      %run_scoped3A = tpu.sem_alloc : memref<!tpu.dma_semaphore, #tpu.memory_space<semaphore_mem>>
      %dma_start3A = tpu.memref_slice %arg3[%mul3A_69] : memref<8388608xf32, #tpu.memory_space<hbm>> -> memref<32768xf32, #tpu.memory_space<hbm>>
      %dma_start3A_258 = tpu.memref_slice %arg3[%mul3A_69] : memref<8388608xf32, #tpu.memory_space<hbm>> -> memref<32768xf32, #tpu.memory_space<hbm>>
      tpu.enqueue_dma source(%dma_start3A_258 : memref<32768xf32, #tpu.memory_space<hbm>>) target(%arg5 : memref<32768xf32, #tpu.memory_space<vmem>>) target_semaphore(%run_scoped3A : memref<!tpu.dma_semaphore, #tpu.memory_space<semaphore_mem>>)
      %dma_wait3A = tpu.memref_slice %arg3[%mul3A_69] : memref<8388608xf32, #tpu.memory_space<hbm>> -> memref<32768xf32, #tpu.memory_space<hbm>>
      %dma_wait3A_259 = tpu.memref_slice %arg3[%mul3A_69] : memref<8388608xf32, #tpu.memory_space<hbm>> -> memref<32768xf32, #tpu.memory_space<hbm>>
      tpu.wait_dma2 semaphore(%run_scoped3A : memref<!tpu.dma_semaphore, #tpu.memory_space<semaphore_mem>>) src(%dma_wait3A_259 : memref<32768xf32, #tpu.memory_space<hbm>>) dst(%arg5 : memref<32768xf32, #tpu.memory_space<vmem>>)
      tpu.yield
    }) : () -> ()
    %add3A_70 = arith.constant 0 : i32
    %add3A_71 = arith.addi %add3A_70, %add3A_67 : i32
    %mul3A_72 = arith.constant 1024 : i32
    %mul3A_73 = arith.muli %add3A_71, %mul3A_72 : i32
    "tpu.region"() ({
      %run_scoped3A = tpu.sem_alloc : memref<!tpu.dma_semaphore, #tpu.memory_space<semaphore_mem>>
      %dma_start3A = tpu.memref_slice %arg2[%mul3A_73] : memref<33554432xf32, #tpu.memory_space<hbm>> -> memref<32768xf32, #tpu.memory_space<hbm>>
      %dma_start3A_258 = tpu.memref_slice %arg2[%mul3A_73] : memref<33554432xf32, #tpu.memory_space<hbm>> -> memref<32768xf32, #tpu.memory_space<hbm>>
      tpu.enqueue_dma source(%dma_start3A_258 : memref<32768xf32, #tpu.memory_space<hbm>>) target(%arg6 : memref<32768xf32, #tpu.memory_space<vmem>>) target_semaphore(%run_scoped3A : memref<!tpu.dma_semaphore, #tpu.memory_space<semaphore_mem>>)
      %dma_wait3A = tpu.memref_slice %arg2[%mul3A_73] : memref<33554432xf32, #tpu.memory_space<hbm>> -> memref<32768xf32, #tpu.memory_space<hbm>>
      %dma_wait3A_259 = tpu.memref_slice %arg2[%mul3A_73] : memref<33554432xf32, #tpu.memory_space<hbm>> -> memref<32768xf32, #tpu.memory_space<hbm>>
      tpu.wait_dma2 semaphore(%run_scoped3A : memref<!tpu.dma_semaphore, #tpu.memory_space<semaphore_mem>>) src(%dma_wait3A_259 : memref<32768xf32, #tpu.memory_space<hbm>>) dst(%arg6 : memref<32768xf32, #tpu.memory_space<vmem>>)
      tpu.yield
    }) : () -> ()
    %parallel_loop3A_74 = arith.constant 0 : i32
    %parallel_loop3A_75 = arith.constant 32768 : i32
    %parallel_loop3A_76 = arith.constant 16 : i32
    scf.for %parallel_loop3A_258 = %parallel_loop3A_74 to %parallel_loop3A_75 step %parallel_loop3A_76  : i32 {
      %parallel_loop3A_259 = arith.index_cast %parallel_loop3A_258 : i32 to index
      %parallel_loop3A_260 = tpu.vector_load %arg5[%parallel_loop3A_259] {strides = array<i32>} : memref<32768xf32, #tpu.memory_space<vmem>>, vector<16xf32>,
      %parallel_loop3A_261 = vector.shape_cast %parallel_loop3A_260 : vector<16xf32> to vector<16xf32>
      %parallel_loop3A_262 = arith.index_cast %parallel_loop3A_258 : i32 to index
      %parallel_loop3A_263 = tpu.vector_load %arg6[%parallel_loop3A_262] {strides = array<i32>} : memref<32768xf32, #tpu.memory_space<vmem>>, vector<16xf32>,
      %parallel_loop3A_264 = vector.shape_cast %parallel_loop3A_263 : vector<16xf32> to vector<16xf32>
      %parallel_loop3A_265 = vector.shape_cast %parallel_loop3A_261 : vector<16xf32> to vector<16xf32>
      tpu.vector_store %arg6[%parallel_loop3A_262], %parallel_loop3A_265 {add = true, strides = array<i32>} : memref<32768xf32, #tpu.memory_space<vmem>>, vector<16xf32>,
    } {sc.loop_unroll_factor = 8 : i64, sc.parallel_access}
    "tpu.region"() ({
      %run_scoped3A = tpu.sem_alloc : memref<!tpu.dma_semaphore, #tpu.memory_space<semaphore_mem>>
      %dma_start3A = tpu.memref_slice %arg4[%mul3A_73] : memref<33554432xf32, #tpu.memory_space<hbm>> -> memref<32768xf32, #tpu.memory_space<hbm>>
      %dma_start3A_258 = tpu.memref_slice %arg4[%mul3A_73] : memref<33554432xf32, #tpu.memory_space<hbm>> -> memref<32768xf32, #tpu.memory_space<hbm>>
      tpu.enqueue_dma source(%arg6 : memref<32768xf32, #tpu.memory_space<vmem>>) target(%dma_start3A_258 : memref<32768xf32, #tpu.memory_space<hbm>>) target_semaphore(%run_scoped3A : memref<!tpu.dma_semaphore, #tpu.memory_space<semaphore_mem>>)
      %dma_wait3A = tpu.memref_slice %arg4[%mul3A_73] : memref<33554432xf32, #tpu.memory_space<hbm>> -> memref<32768xf32, #tpu.memory_space<hbm>>
      %dma_wait3A_259 = tpu.memref_slice %arg4[%mul3A_73] : memref<33554432xf32, #tpu.memory_space<hbm>> -> memref<32768xf32, #tpu.memory_space<hbm>>
      tpu.wait_dma2 semaphore(%run_scoped3A : memref<!tpu.dma_semaphore, #tpu.memory_space<semaphore_mem>>) src(%arg6 : memref<32768xf32, #tpu.memory_space<vmem>>) dst(%dma_wait3A_259 : memref<32768xf32, #tpu.memory_space<hbm>>)
      tpu.yield
    }) : () -> ()
    %add3A_77 = arith.constant 8192 : i32
    %add3A_78 = arith.addi %add3A_77, %add3A_67 : i32
    %mul3A_79 = arith.constant 1024 : i32
    %mul3A_80 = arith.muli %add3A_78, %mul3A_79 : i32
    "tpu.region"() ({
      %run_scoped3A = tpu.sem_alloc : memref<!tpu.dma_semaphore, #tpu.memory_space<semaphore_mem>>
      %dma_start3A = tpu.memref_slice %arg2[%mul3A_80] : memref<33554432xf32, #tpu.memory_space<hbm>> -> memref<32768xf32, #tpu.memory_space<hbm>>
      %dma_start3A_258 = tpu.memref_slice %arg2[%mul3A_80] : memref<33554432xf32, #tpu.memory_space<hbm>> -> memref<32768xf32, #tpu.memory_space<hbm>>
      tpu.enqueue_dma source(%dma_start3A_258 : memref<32768xf32, #tpu.memory_space<hbm>>) target(%arg6 : memref<32768xf32, #tpu.memory_space<vmem>>) target_semaphore(%run_scoped3A : memref<!tpu.dma_semaphore, #tpu.memory_space<semaphore_mem>>)
      %dma_wait3A = tpu.memref_slice %arg2[%mul3A_80] : memref<33554432xf32, #tpu.memory_space<hbm>> -> memref<32768xf32, #tpu.memory_space<hbm>>
      %dma_wait3A_259 = tpu.memref_slice %arg2[%mul3A_80] : memref<33554432xf32, #tpu.memory_space<hbm>> -> memref<32768xf32, #tpu.memory_space<hbm>>
      tpu.wait_dma2 semaphore(%run_scoped3A : memref<!tpu.dma_semaphore, #tpu.memory_space<semaphore_mem>>) src(%dma_wait3A_259 : memref<32768xf32, #tpu.memory_space<hbm>>) dst(%arg6 : memref<32768xf32, #tpu.memory_space<vmem>>)
      tpu.yield
    }) : () -> ()
    %parallel_loop3A_81 = arith.constant 0 : i32
    %parallel_loop3A_82 = arith.constant 32768 : i32
    %parallel_loop3A_83 = arith.constant 16 : i32
    scf.for %parallel_loop3A_258 = %parallel_loop3A_81 to %parallel_loop3A_82 step %parallel_loop3A_83  : i32 {
      %parallel_loop3A_259 = arith.index_cast %parallel_loop3A_258 : i32 to index
      %parallel_loop3A_260 = tpu.vector_load %arg5[%parallel_loop3A_259] {strides = array<i32>} : memref<32768xf32, #tpu.memory_space<vmem>>, vector<16xf32>,
      %parallel_loop3A_261 = vector.shape_cast %parallel_loop3A_260 : vector<16xf32> to vector<16xf32>
      %parallel_loop3A_262 = arith.index_cast %parallel_loop3A_258 : i32 to index
      %parallel_loop3A_263 = tpu.vector_load %arg6[%parallel_loop3A_262] {strides = array<i32>} : memref<32768xf32, #tpu.memory_space<vmem>>, vector<16xf32>,
      %parallel_loop3A_264 = vector.shape_cast %parallel_loop3A_263 : vector<16xf32> to vector<16xf32>
      %parallel_loop3A_265 = vector.shape_cast %parallel_loop3A_261 : vector<16xf32> to vector<16xf32>
      tpu.vector_store %arg6[%parallel_loop3A_262], %parallel_loop3A_265 {add = true, strides = array<i32>} : memref<32768xf32, #tpu.memory_space<vmem>>, vector<16xf32>,
    } {sc.loop_unroll_factor = 8 : i64, sc.parallel_access}
    "tpu.region"() ({
      %run_scoped3A = tpu.sem_alloc : memref<!tpu.dma_semaphore, #tpu.memory_space<semaphore_mem>>
      %dma_start3A = tpu.memref_slice %arg4[%mul3A_80] : memref<33554432xf32, #tpu.memory_space<hbm>> -> memref<32768xf32, #tpu.memory_space<hbm>>
      %dma_start3A_258 = tpu.memref_slice %arg4[%mul3A_80] : memref<33554432xf32, #tpu.memory_space<hbm>> -> memref<32768xf32, #tpu.memory_space<hbm>>
      tpu.enqueue_dma source(%arg6 : memref<32768xf32, #tpu.memory_space<vmem>>) target(%dma_start3A_258 : memref<32768xf32, #tpu.memory_space<hbm>>) target_semaphore(%run_scoped3A : memref<!tpu.dma_semaphore, #tpu.memory_space<semaphore_mem>>)
      %dma_wait3A = tpu.memref_slice %arg4[%mul3A_80] : memref<33554432xf32, #tpu.memory_space<hbm>> -> memref<32768xf32, #tpu.memory_space<hbm>>
      %dma_wait3A_259 = tpu.memref_slice %arg4[%mul3A_80] : memref<33554432xf32, #tpu.memory_space<hbm>> -> memref<32768xf32, #tpu.memory_space<hbm>>
      tpu.wait_dma2 semaphore(%run_scoped3A : memref<!tpu.dma_semaphore, #tpu.memory_space<semaphore_mem>>) src(%arg6 : memref<32768xf32, #tpu.memory_space<vmem>>) dst(%dma_wait3A_259 : memref<32768xf32, #tpu.memory_space<hbm>>)
      tpu.yield
    }) : () -> ()
    %add3A_84 = arith.constant 16384 : i32
    %add3A_85 = arith.addi %add3A_84, %add3A_67 : i32
    %mul3A_86 = arith.constant 1024 : i32
    %mul3A_87 = arith.muli %add3A_85, %mul3A_86 : i32
    "tpu.region"() ({
      %run_scoped3A = tpu.sem_alloc : memref<!tpu.dma_semaphore, #tpu.memory_space<semaphore_mem>>
      %dma_start3A = tpu.memref_slice %arg2[%mul3A_87] : memref<33554432xf32, #tpu.memory_space<hbm>> -> memref<32768xf32, #tpu.memory_space<hbm>>
      %dma_start3A_258 = tpu.memref_slice %arg2[%mul3A_87] : memref<33554432xf32, #tpu.memory_space<hbm>> -> memref<32768xf32, #tpu.memory_space<hbm>>
      tpu.enqueue_dma source(%dma_start3A_258 : memref<32768xf32, #tpu.memory_space<hbm>>) target(%arg6 : memref<32768xf32, #tpu.memory_space<vmem>>) target_semaphore(%run_scoped3A : memref<!tpu.dma_semaphore, #tpu.memory_space<semaphore_mem>>)
      %dma_wait3A = tpu.memref_slice %arg2[%mul3A_87] : memref<33554432xf32, #tpu.memory_space<hbm>> -> memref<32768xf32, #tpu.memory_space<hbm>>
      %dma_wait3A_259 = tpu.memref_slice %arg2[%mul3A_87] : memref<33554432xf32, #tpu.memory_space<hbm>> -> memref<32768xf32, #tpu.memory_space<hbm>>
      tpu.wait_dma2 semaphore(%run_scoped3A : memref<!tpu.dma_semaphore, #tpu.memory_space<semaphore_mem>>) src(%dma_wait3A_259 : memref<32768xf32, #tpu.memory_space<hbm>>) dst(%arg6 : memref<32768xf32, #tpu.memory_space<vmem>>)
      tpu.yield
    }) : () -> ()
    %parallel_loop3A_88 = arith.constant 0 : i32
    %parallel_loop3A_89 = arith.constant 32768 : i32
    %parallel_loop3A_90 = arith.constant 16 : i32
    scf.for %parallel_loop3A_258 = %parallel_loop3A_88 to %parallel_loop3A_89 step %parallel_loop3A_90  : i32 {
      %parallel_loop3A_259 = arith.index_cast %parallel_loop3A_258 : i32 to index
      %parallel_loop3A_260 = tpu.vector_load %arg5[%parallel_loop3A_259] {strides = array<i32>} : memref<32768xf32, #tpu.memory_space<vmem>>, vector<16xf32>,
      %parallel_loop3A_261 = vector.shape_cast %parallel_loop3A_260 : vector<16xf32> to vector<16xf32>
      %parallel_loop3A_262 = arith.index_cast %parallel_loop3A_258 : i32 to index
      %parallel_loop3A_263 = tpu.vector_load %arg6[%parallel_loop3A_262] {strides = array<i32>} : memref<32768xf32, #tpu.memory_space<vmem>>, vector<16xf32>,
      %parallel_loop3A_264 = vector.shape_cast %parallel_loop3A_263 : vector<16xf32> to vector<16xf32>
      %parallel_loop3A_265 = vector.shape_cast %parallel_loop3A_261 : vector<16xf32> to vector<16xf32>
      tpu.vector_store %arg6[%parallel_loop3A_262], %parallel_loop3A_265 {add = true, strides = array<i32>} : memref<32768xf32, #tpu.memory_space<vmem>>, vector<16xf32>,
    } {sc.loop_unroll_factor = 8 : i64, sc.parallel_access}
    "tpu.region"() ({
      %run_scoped3A = tpu.sem_alloc : memref<!tpu.dma_semaphore, #tpu.memory_space<semaphore_mem>>
      %dma_start3A = tpu.memref_slice %arg4[%mul3A_87] : memref<33554432xf32, #tpu.memory_space<hbm>> -> memref<32768xf32, #tpu.memory_space<hbm>>
      %dma_start3A_258 = tpu.memref_slice %arg4[%mul3A_87] : memref<33554432xf32, #tpu.memory_space<hbm>> -> memref<32768xf32, #tpu.memory_space<hbm>>
      tpu.enqueue_dma source(%arg6 : memref<32768xf32, #tpu.memory_space<vmem>>) target(%dma_start3A_258 : memref<32768xf32, #tpu.memory_space<hbm>>) target_semaphore(%run_scoped3A : memref<!tpu.dma_semaphore, #tpu.memory_space<semaphore_mem>>)
      %dma_wait3A = tpu.memref_slice %arg4[%mul3A_87] : memref<33554432xf32, #tpu.memory_space<hbm>> -> memref<32768xf32, #tpu.memory_space<hbm>>
      %dma_wait3A_259 = tpu.memref_slice %arg4[%mul3A_87] : memref<33554432xf32, #tpu.memory_space<hbm>> -> memref<32768xf32, #tpu.memory_space<hbm>>
      tpu.wait_dma2 semaphore(%run_scoped3A : memref<!tpu.dma_semaphore, #tpu.memory_space<semaphore_mem>>) src(%arg6 : memref<32768xf32, #tpu.memory_space<vmem>>) dst(%dma_wait3A_259 : memref<32768xf32, #tpu.memory_space<hbm>>)
      tpu.yield
    }) : () -> ()
    %add3A_91 = arith.constant 24576 : i32
    %add3A_92 = arith.addi %add3A_91, %add3A_67 : i32
    %mul3A_93 = arith.constant 1024 : i32
    %mul3A_94 = arith.muli %add3A_92, %mul3A_93 : i32
    "tpu.region"() ({
      %run_scoped3A = tpu.sem_alloc : memref<!tpu.dma_semaphore, #tpu.memory_space<semaphore_mem>>
      %dma_start3A = tpu.memref_slice %arg2[%mul3A_94] : memref<33554432xf32, #tpu.memory_space<hbm>> -> memref<32768xf32, #tpu.memory_space<hbm>>
      %dma_start3A_258 = tpu.memref_slice %arg2[%mul3A_94] : memref<33554432xf32, #tpu.memory_space<hbm>> -> memref<32768xf32, #tpu.memory_space<hbm>>
      tpu.enqueue_dma source(%dma_start3A_258 : memref<32768xf32, #tpu.memory_space<hbm>>) target(%arg6 : memref<32768xf32, #tpu.memory_space<vmem>>) target_semaphore(%run_scoped3A : memref<!tpu.dma_semaphore, #tpu.memory_space<semaphore_mem>>)
      %dma_wait3A = tpu.memref_slice %arg2[%mul3A_94] : memref<33554432xf32, #tpu.memory_space<hbm>> -> memref<32768xf32, #tpu.memory_space<hbm>>
      %dma_wait3A_259 = tpu.memref_slice %arg2[%mul3A_94] : memref<33554432xf32, #tpu.memory_space<hbm>> -> memref<32768xf32, #tpu.memory_space<hbm>>
      tpu.wait_dma2 semaphore(%run_scoped3A : memref<!tpu.dma_semaphore, #tpu.memory_space<semaphore_mem>>) src(%dma_wait3A_259 : memref<32768xf32, #tpu.memory_space<hbm>>) dst(%arg6 : memref<32768xf32, #tpu.memory_space<vmem>>)
      tpu.yield
    }) : () -> ()
    %parallel_loop3A_95 = arith.constant 0 : i32
    %parallel_loop3A_96 = arith.constant 32768 : i32
    %parallel_loop3A_97 = arith.constant 16 : i32
    scf.for %parallel_loop3A_258 = %parallel_loop3A_95 to %parallel_loop3A_96 step %parallel_loop3A_97  : i32 {
      %parallel_loop3A_259 = arith.index_cast %parallel_loop3A_258 : i32 to index
      %parallel_loop3A_260 = tpu.vector_load %arg5[%parallel_loop3A_259] {strides = array<i32>} : memref<32768xf32, #tpu.memory_space<vmem>>, vector<16xf32>,
      %parallel_loop3A_261 = vector.shape_cast %parallel_loop3A_260 : vector<16xf32> to vector<16xf32>
      %parallel_loop3A_262 = arith.index_cast %parallel_loop3A_258 : i32 to index
      %parallel_loop3A_263 = tpu.vector_load %arg6[%parallel_loop3A_262] {strides = array<i32>} : memref<32768xf32, #tpu.memory_space<vmem>>, vector<16xf32>,
      %parallel_loop3A_264 = vector.shape_cast %parallel_loop3A_263 : vector<16xf32> to vector<16xf32>
      %parallel_loop3A_265 = vector.shape_cast %parallel_loop3A_261 : vector<16xf32> to vector<16xf32>
      tpu.vector_store %arg6[%parallel_loop3A_262], %parallel_loop3A_265 {add = true, strides = array<i32>} : memref<32768xf32, #tpu.memory_space<vmem>>, vector<16xf32>,
    } {sc.loop_unroll_factor = 8 : i64, sc.parallel_access}
    "tpu.region"() ({
      %run_scoped3A = tpu.sem_alloc : memref<!tpu.dma_semaphore, #tpu.memory_space<semaphore_mem>>
      %dma_start3A = tpu.memref_slice %arg4[%mul3A_94] : memref<33554432xf32, #tpu.memory_space<hbm>> -> memref<32768xf32, #tpu.memory_space<hbm>>
      %dma_start3A_258 = tpu.memref_slice %arg4[%mul3A_94] : memref<33554432xf32, #tpu.memory_space<hbm>> -> memref<32768xf32, #tpu.memory_space<hbm>>
      tpu.enqueue_dma source(%arg6 : memref<32768xf32, #tpu.memory_space<vmem>>) target(%dma_start3A_258 : memref<32768xf32, #tpu.memory_space<hbm>>) target_semaphore(%run_scoped3A : memref<!tpu.dma_semaphore, #tpu.memory_space<semaphore_mem>>)
      %dma_wait3A = tpu.memref_slice %arg4[%mul3A_94] : memref<33554432xf32, #tpu.memory_space<hbm>> -> memref<32768xf32, #tpu.memory_space<hbm>>
      %dma_wait3A_259 = tpu.memref_slice %arg4[%mul3A_94] : memref<33554432xf32, #tpu.memory_space<hbm>> -> memref<32768xf32, #tpu.memory_space<hbm>>
      tpu.wait_dma2 semaphore(%run_scoped3A : memref<!tpu.dma_semaphore, #tpu.memory_space<semaphore_mem>>) src(%arg6 : memref<32768xf32, #tpu.memory_space<vmem>>) dst(%dma_wait3A_259 : memref<32768xf32, #tpu.memory_space<hbm>>)
      tpu.yield
    }) : () -> ()
    %add3A_98 = arith.constant 96 : i32
    %add3A_99 = arith.addi %mul3A_2, %add3A_98 : i32
    %mul3A_100 = arith.constant 1024 : i32
    %mul3A_101 = arith.muli %add3A_99, %mul3A_100 : i32
    "tpu.region"() ({
      %run_scoped3A = tpu.sem_alloc : memref<!tpu.dma_semaphore, #tpu.memory_space<semaphore_mem>>
      %dma_start3A = tpu.memref_slice %arg3[%mul3A_101] : memref<8388608xf32, #tpu.memory_space<hbm>> -> memref<32768xf32, #tpu.memory_space<hbm>>
      %dma_start3A_258 = tpu.memref_slice %arg3[%mul3A_101] : memref<8388608xf32, #tpu.memory_space<hbm>> -> memref<32768xf32, #tpu.memory_space<hbm>>
      tpu.enqueue_dma source(%dma_start3A_258 : memref<32768xf32, #tpu.memory_space<hbm>>) target(%arg5 : memref<32768xf32, #tpu.memory_space<vmem>>) target_semaphore(%run_scoped3A : memref<!tpu.dma_semaphore, #tpu.memory_space<semaphore_mem>>)
      %dma_wait3A = tpu.memref_slice %arg3[%mul3A_101] : memref<8388608xf32, #tpu.memory_space<hbm>> -> memref<32768xf32, #tpu.memory_space<hbm>>
      %dma_wait3A_259 = tpu.memref_slice %arg3[%mul3A_101] : memref<8388608xf32, #tpu.memory_space<hbm>> -> memref<32768xf32, #tpu.memory_space<hbm>>
      tpu.wait_dma2 semaphore(%run_scoped3A : memref<!tpu.dma_semaphore, #tpu.memory_space<semaphore_mem>>) src(%dma_wait3A_259 : memref<32768xf32, #tpu.memory_space<hbm>>) dst(%arg5 : memref<32768xf32, #tpu.memory_space<vmem>>)
      tpu.yield
    }) : () -> ()
    %add3A_102 = arith.constant 0 : i32
    %add3A_103 = arith.addi %add3A_102, %add3A_99 : i32
    %mul3A_104 = arith.constant 1024 : i32
    %mul3A_105 = arith.muli %add3A_103, %mul3A_104 : i32
    "tpu.region"() ({
      %run_scoped3A = tpu.sem_alloc : memref<!tpu.dma_semaphore, #tpu.memory_space<semaphore_mem>>
      %dma_start3A = tpu.memref_slice %arg2[%mul3A_105] : memref<33554432xf32, #tpu.memory_space<hbm>> -> memref<32768xf32, #tpu.memory_space<hbm>>
      %dma_start3A_258 = tpu.memref_slice %arg2[%mul3A_105] : memref<33554432xf32, #tpu.memory_space<hbm>> -> memref<32768xf32, #tpu.memory_space<hbm>>
      tpu.enqueue_dma source(%dma_start3A_258 : memref<32768xf32, #tpu.memory_space<hbm>>) target(%arg6 : memref<32768xf32, #tpu.memory_space<vmem>>) target_semaphore(%run_scoped3A : memref<!tpu.dma_semaphore, #tpu.memory_space<semaphore_mem>>)
      %dma_wait3A = tpu.memref_slice %arg2[%mul3A_105] : memref<33554432xf32, #tpu.memory_space<hbm>> -> memref<32768xf32, #tpu.memory_space<hbm>>
      %dma_wait3A_259 = tpu.memref_slice %arg2[%mul3A_105] : memref<33554432xf32, #tpu.memory_space<hbm>> -> memref<32768xf32, #tpu.memory_space<hbm>>
      tpu.wait_dma2 semaphore(%run_scoped3A : memref<!tpu.dma_semaphore, #tpu.memory_space<semaphore_mem>>) src(%dma_wait3A_259 : memref<32768xf32, #tpu.memory_space<hbm>>) dst(%arg6 : memref<32768xf32, #tpu.memory_space<vmem>>)
      tpu.yield
    }) : () -> ()
    %parallel_loop3A_106 = arith.constant 0 : i32
    %parallel_loop3A_107 = arith.constant 32768 : i32
    %parallel_loop3A_108 = arith.constant 16 : i32
    scf.for %parallel_loop3A_258 = %parallel_loop3A_106 to %parallel_loop3A_107 step %parallel_loop3A_108  : i32 {
      %parallel_loop3A_259 = arith.index_cast %parallel_loop3A_258 : i32 to index
      %parallel_loop3A_260 = tpu.vector_load %arg5[%parallel_loop3A_259] {strides = array<i32>} : memref<32768xf32, #tpu.memory_space<vmem>>, vector<16xf32>,
      %parallel_loop3A_261 = vector.shape_cast %parallel_loop3A_260 : vector<16xf32> to vector<16xf32>
      %parallel_loop3A_262 = arith.index_cast %parallel_loop3A_258 : i32 to index
      %parallel_loop3A_263 = tpu.vector_load %arg6[%parallel_loop3A_262] {strides = array<i32>} : memref<32768xf32, #tpu.memory_space<vmem>>, vector<16xf32>,
      %parallel_loop3A_264 = vector.shape_cast %parallel_loop3A_263 : vector<16xf32> to vector<16xf32>
      %parallel_loop3A_265 = vector.shape_cast %parallel_loop3A_261 : vector<16xf32> to vector<16xf32>
      tpu.vector_store %arg6[%parallel_loop3A_262], %parallel_loop3A_265 {add = true, strides = array<i32>} : memref<32768xf32, #tpu.memory_space<vmem>>, vector<16xf32>,
    } {sc.loop_unroll_factor = 8 : i64, sc.parallel_access}
    "tpu.region"() ({
      %run_scoped3A = tpu.sem_alloc : memref<!tpu.dma_semaphore, #tpu.memory_space<semaphore_mem>>
      %dma_start3A = tpu.memref_slice %arg4[%mul3A_105] : memref<33554432xf32, #tpu.memory_space<hbm>> -> memref<32768xf32, #tpu.memory_space<hbm>>
      %dma_start3A_258 = tpu.memref_slice %arg4[%mul3A_105] : memref<33554432xf32, #tpu.memory_space<hbm>> -> memref<32768xf32, #tpu.memory_space<hbm>>
      tpu.enqueue_dma source(%arg6 : memref<32768xf32, #tpu.memory_space<vmem>>) target(%dma_start3A_258 : memref<32768xf32, #tpu.memory_space<hbm>>) target_semaphore(%run_scoped3A : memref<!tpu.dma_semaphore, #tpu.memory_space<semaphore_mem>>)
      %dma_wait3A = tpu.memref_slice %arg4[%mul3A_105] : memref<33554432xf32, #tpu.memory_space<hbm>> -> memref<32768xf32, #tpu.memory_space<hbm>>
      %dma_wait3A_259 = tpu.memref_slice %arg4[%mul3A_105] : memref<33554432xf32, #tpu.memory_space<hbm>> -> memref<32768xf32, #tpu.memory_space<hbm>>
      tpu.wait_dma2 semaphore(%run_scoped3A : memref<!tpu.dma_semaphore, #tpu.memory_space<semaphore_mem>>) src(%arg6 : memref<32768xf32, #tpu.memory_space<vmem>>) dst(%dma_wait3A_259 : memref<32768xf32, #tpu.memory_space<hbm>>)
      tpu.yield
    }) : () -> ()
    %add3A_109 = arith.constant 8192 : i32
    %add3A_110 = arith.addi %add3A_109, %add3A_99 : i32
    %mul3A_111 = arith.constant 1024 : i32
    %mul3A_112 = arith.muli %add3A_110, %mul3A_111 : i32
    "tpu.region"() ({
      %run_scoped3A = tpu.sem_alloc : memref<!tpu.dma_semaphore, #tpu.memory_space<semaphore_mem>>
      %dma_start3A = tpu.memref_slice %arg2[%mul3A_112] : memref<33554432xf32, #tpu.memory_space<hbm>> -> memref<32768xf32, #tpu.memory_space<hbm>>
      %dma_start3A_258 = tpu.memref_slice %arg2[%mul3A_112] : memref<33554432xf32, #tpu.memory_space<hbm>> -> memref<32768xf32, #tpu.memory_space<hbm>>
      tpu.enqueue_dma source(%dma_start3A_258 : memref<32768xf32, #tpu.memory_space<hbm>>) target(%arg6 : memref<32768xf32, #tpu.memory_space<vmem>>) target_semaphore(%run_scoped3A : memref<!tpu.dma_semaphore, #tpu.memory_space<semaphore_mem>>)
      %dma_wait3A = tpu.memref_slice %arg2[%mul3A_112] : memref<33554432xf32, #tpu.memory_space<hbm>> -> memref<32768xf32, #tpu.memory_space<hbm>>
      %dma_wait3A_259 = tpu.memref_slice %arg2[%mul3A_112] : memref<33554432xf32, #tpu.memory_space<hbm>> -> memref<32768xf32, #tpu.memory_space<hbm>>
      tpu.wait_dma2 semaphore(%run_scoped3A : memref<!tpu.dma_semaphore, #tpu.memory_space<semaphore_mem>>) src(%dma_wait3A_259 : memref<32768xf32, #tpu.memory_space<hbm>>) dst(%arg6 : memref<32768xf32, #tpu.memory_space<vmem>>)
      tpu.yield
    }) : () -> ()
    %parallel_loop3A_113 = arith.constant 0 : i32
    %parallel_loop3A_114 = arith.constant 32768 : i32
    %parallel_loop3A_115 = arith.constant 16 : i32
    scf.for %parallel_loop3A_258 = %parallel_loop3A_113 to %parallel_loop3A_114 step %parallel_loop3A_115  : i32 {
      %parallel_loop3A_259 = arith.index_cast %parallel_loop3A_258 : i32 to index
      %parallel_loop3A_260 = tpu.vector_load %arg5[%parallel_loop3A_259] {strides = array<i32>} : memref<32768xf32, #tpu.memory_space<vmem>>, vector<16xf32>,
      %parallel_loop3A_261 = vector.shape_cast %parallel_loop3A_260 : vector<16xf32> to vector<16xf32>
      %parallel_loop3A_262 = arith.index_cast %parallel_loop3A_258 : i32 to index
      %parallel_loop3A_263 = tpu.vector_load %arg6[%parallel_loop3A_262] {strides = array<i32>} : memref<32768xf32, #tpu.memory_space<vmem>>, vector<16xf32>,
      %parallel_loop3A_264 = vector.shape_cast %parallel_loop3A_263 : vector<16xf32> to vector<16xf32>
      %parallel_loop3A_265 = vector.shape_cast %parallel_loop3A_261 : vector<16xf32> to vector<16xf32>
      tpu.vector_store %arg6[%parallel_loop3A_262], %parallel_loop3A_265 {add = true, strides = array<i32>} : memref<32768xf32, #tpu.memory_space<vmem>>, vector<16xf32>,
    } {sc.loop_unroll_factor = 8 : i64, sc.parallel_access}
    "tpu.region"() ({
      %run_scoped3A = tpu.sem_alloc : memref<!tpu.dma_semaphore, #tpu.memory_space<semaphore_mem>>
      %dma_start3A = tpu.memref_slice %arg4[%mul3A_112] : memref<33554432xf32, #tpu.memory_space<hbm>> -> memref<32768xf32, #tpu.memory_space<hbm>>
      %dma_start3A_258 = tpu.memref_slice %arg4[%mul3A_112] : memref<33554432xf32, #tpu.memory_space<hbm>> -> memref<32768xf32, #tpu.memory_space<hbm>>
      tpu.enqueue_dma source(%arg6 : memref<32768xf32, #tpu.memory_space<vmem>>) target(%dma_start3A_258 : memref<32768xf32, #tpu.memory_space<hbm>>) target_semaphore(%run_scoped3A : memref<!tpu.dma_semaphore, #tpu.memory_space<semaphore_mem>>)
      %dma_wait3A = tpu.memref_slice %arg4[%mul3A_112] : memref<33554432xf32, #tpu.memory_space<hbm>> -> memref<32768xf32, #tpu.memory_space<hbm>>
      %dma_wait3A_259 = tpu.memref_slice %arg4[%mul3A_112] : memref<33554432xf32, #tpu.memory_space<hbm>> -> memref<32768xf32, #tpu.memory_space<hbm>>
      tpu.wait_dma2 semaphore(%run_scoped3A : memref<!tpu.dma_semaphore, #tpu.memory_space<semaphore_mem>>) src(%arg6 : memref<32768xf32, #tpu.memory_space<vmem>>) dst(%dma_wait3A_259 : memref<32768xf32, #tpu.memory_space<hbm>>)
      tpu.yield
    }) : () -> ()
    %add3A_116 = arith.constant 16384 : i32
    %add3A_117 = arith.addi %add3A_116, %add3A_99 : i32
    %mul3A_118 = arith.constant 1024 : i32
    %mul3A_119 = arith.muli %add3A_117, %mul3A_118 : i32
    "tpu.region"() ({
      %run_scoped3A = tpu.sem_alloc : memref<!tpu.dma_semaphore, #tpu.memory_space<semaphore_mem>>
      %dma_start3A = tpu.memref_slice %arg2[%mul3A_119] : memref<33554432xf32, #tpu.memory_space<hbm>> -> memref<32768xf32, #tpu.memory_space<hbm>>
      %dma_start3A_258 = tpu.memref_slice %arg2[%mul3A_119] : memref<33554432xf32, #tpu.memory_space<hbm>> -> memref<32768xf32, #tpu.memory_space<hbm>>
      tpu.enqueue_dma source(%dma_start3A_258 : memref<32768xf32, #tpu.memory_space<hbm>>) target(%arg6 : memref<32768xf32, #tpu.memory_space<vmem>>) target_semaphore(%run_scoped3A : memref<!tpu.dma_semaphore, #tpu.memory_space<semaphore_mem>>)
      %dma_wait3A = tpu.memref_slice %arg2[%mul3A_119] : memref<33554432xf32, #tpu.memory_space<hbm>> -> memref<32768xf32, #tpu.memory_space<hbm>>
      %dma_wait3A_259 = tpu.memref_slice %arg2[%mul3A_119] : memref<33554432xf32, #tpu.memory_space<hbm>> -> memref<32768xf32, #tpu.memory_space<hbm>>
      tpu.wait_dma2 semaphore(%run_scoped3A : memref<!tpu.dma_semaphore, #tpu.memory_space<semaphore_mem>>) src(%dma_wait3A_259 : memref<32768xf32, #tpu.memory_space<hbm>>) dst(%arg6 : memref<32768xf32, #tpu.memory_space<vmem>>)
      tpu.yield
    }) : () -> ()
    %parallel_loop3A_120 = arith.constant 0 : i32
    %parallel_loop3A_121 = arith.constant 32768 : i32
    %parallel_loop3A_122 = arith.constant 16 : i32
    scf.for %parallel_loop3A_258 = %parallel_loop3A_120 to %parallel_loop3A_121 step %parallel_loop3A_122  : i32 {
      %parallel_loop3A_259 = arith.index_cast %parallel_loop3A_258 : i32 to index
      %parallel_loop3A_260 = tpu.vector_load %arg5[%parallel_loop3A_259] {strides = array<i32>} : memref<32768xf32, #tpu.memory_space<vmem>>, vector<16xf32>,
      %parallel_loop3A_261 = vector.shape_cast %parallel_loop3A_260 : vector<16xf32> to vector<16xf32>
      %parallel_loop3A_262 = arith.index_cast %parallel_loop3A_258 : i32 to index
      %parallel_loop3A_263 = tpu.vector_load %arg6[%parallel_loop3A_262] {strides = array<i32>} : memref<32768xf32, #tpu.memory_space<vmem>>, vector<16xf32>,
      %parallel_loop3A_264 = vector.shape_cast %parallel_loop3A_263 : vector<16xf32> to vector<16xf32>
      %parallel_loop3A_265 = vector.shape_cast %parallel_loop3A_261 : vector<16xf32> to vector<16xf32>
      tpu.vector_store %arg6[%parallel_loop3A_262], %parallel_loop3A_265 {add = true, strides = array<i32>} : memref<32768xf32, #tpu.memory_space<vmem>>, vector<16xf32>,
    } {sc.loop_unroll_factor = 8 : i64, sc.parallel_access}
    "tpu.region"() ({
      %run_scoped3A = tpu.sem_alloc : memref<!tpu.dma_semaphore, #tpu.memory_space<semaphore_mem>>
      %dma_start3A = tpu.memref_slice %arg4[%mul3A_119] : memref<33554432xf32, #tpu.memory_space<hbm>> -> memref<32768xf32, #tpu.memory_space<hbm>>
      %dma_start3A_258 = tpu.memref_slice %arg4[%mul3A_119] : memref<33554432xf32, #tpu.memory_space<hbm>> -> memref<32768xf32, #tpu.memory_space<hbm>>
      tpu.enqueue_dma source(%arg6 : memref<32768xf32, #tpu.memory_space<vmem>>) target(%dma_start3A_258 : memref<32768xf32, #tpu.memory_space<hbm>>) target_semaphore(%run_scoped3A : memref<!tpu.dma_semaphore, #tpu.memory_space<semaphore_mem>>)
      %dma_wait3A = tpu.memref_slice %arg4[%mul3A_119] : memref<33554432xf32, #tpu.memory_space<hbm>> -> memref<32768xf32, #tpu.memory_space<hbm>>
      %dma_wait3A_259 = tpu.memref_slice %arg4[%mul3A_119] : memref<33554432xf32, #tpu.memory_space<hbm>> -> memref<32768xf32, #tpu.memory_space<hbm>>
      tpu.wait_dma2 semaphore(%run_scoped3A : memref<!tpu.dma_semaphore, #tpu.memory_space<semaphore_mem>>) src(%arg6 : memref<32768xf32, #tpu.memory_space<vmem>>) dst(%dma_wait3A_259 : memref<32768xf32, #tpu.memory_space<hbm>>)
      tpu.yield
    }) : () -> ()
    %add3A_123 = arith.constant 24576 : i32
    %add3A_124 = arith.addi %add3A_123, %add3A_99 : i32
    %mul3A_125 = arith.constant 1024 : i32
    %mul3A_126 = arith.muli %add3A_124, %mul3A_125 : i32
    "tpu.region"() ({
      %run_scoped3A = tpu.sem_alloc : memref<!tpu.dma_semaphore, #tpu.memory_space<semaphore_mem>>
      %dma_start3A = tpu.memref_slice %arg2[%mul3A_126] : memref<33554432xf32, #tpu.memory_space<hbm>> -> memref<32768xf32, #tpu.memory_space<hbm>>
      %dma_start3A_258 = tpu.memref_slice %arg2[%mul3A_126] : memref<33554432xf32, #tpu.memory_space<hbm>> -> memref<32768xf32, #tpu.memory_space<hbm>>
      tpu.enqueue_dma source(%dma_start3A_258 : memref<32768xf32, #tpu.memory_space<hbm>>) target(%arg6 : memref<32768xf32, #tpu.memory_space<vmem>>) target_semaphore(%run_scoped3A : memref<!tpu.dma_semaphore, #tpu.memory_space<semaphore_mem>>)
      %dma_wait3A = tpu.memref_slice %arg2[%mul3A_126] : memref<33554432xf32, #tpu.memory_space<hbm>> -> memref<32768xf32, #tpu.memory_space<hbm>>
      %dma_wait3A_259 = tpu.memref_slice %arg2[%mul3A_126] : memref<33554432xf32, #tpu.memory_space<hbm>> -> memref<32768xf32, #tpu.memory_space<hbm>>
      tpu.wait_dma2 semaphore(%run_scoped3A : memref<!tpu.dma_semaphore, #tpu.memory_space<semaphore_mem>>) src(%dma_wait3A_259 : memref<32768xf32, #tpu.memory_space<hbm>>) dst(%arg6 : memref<32768xf32, #tpu.memory_space<vmem>>)
      tpu.yield
    }) : () -> ()
    %parallel_loop3A_127 = arith.constant 0 : i32
    %parallel_loop3A_128 = arith.constant 32768 : i32
    %parallel_loop3A_129 = arith.constant 16 : i32
    scf.for %parallel_loop3A_258 = %parallel_loop3A_127 to %parallel_loop3A_128 step %parallel_loop3A_129  : i32 {
      %parallel_loop3A_259 = arith.index_cast %parallel_loop3A_258 : i32 to index
      %parallel_loop3A_260 = tpu.vector_load %arg5[%parallel_loop3A_259] {strides = array<i32>} : memref<32768xf32, #tpu.memory_space<vmem>>, vector<16xf32>,
      %parallel_loop3A_261 = vector.shape_cast %parallel_loop3A_260 : vector<16xf32> to vector<16xf32>
      %parallel_loop3A_262 = arith.index_cast %parallel_loop3A_258 : i32 to index
      %parallel_loop3A_263 = tpu.vector_load %arg6[%parallel_loop3A_262] {strides = array<i32>} : memref<32768xf32, #tpu.memory_space<vmem>>, vector<16xf32>,
      %parallel_loop3A_264 = vector.shape_cast %parallel_loop3A_263 : vector<16xf32> to vector<16xf32>
      %parallel_loop3A_265 = vector.shape_cast %parallel_loop3A_261 : vector<16xf32> to vector<16xf32>
      tpu.vector_store %arg6[%parallel_loop3A_262], %parallel_loop3A_265 {add = true, strides = array<i32>} : memref<32768xf32, #tpu.memory_space<vmem>>, vector<16xf32>,
    } {sc.loop_unroll_factor = 8 : i64, sc.parallel_access}
    "tpu.region"() ({
      %run_scoped3A = tpu.sem_alloc : memref<!tpu.dma_semaphore, #tpu.memory_space<semaphore_mem>>
      %dma_start3A = tpu.memref_slice %arg4[%mul3A_126] : memref<33554432xf32, #tpu.memory_space<hbm>> -> memref<32768xf32, #tpu.memory_space<hbm>>
      %dma_start3A_258 = tpu.memref_slice %arg4[%mul3A_126] : memref<33554432xf32, #tpu.memory_space<hbm>> -> memref<32768xf32, #tpu.memory_space<hbm>>
      tpu.enqueue_dma source(%arg6 : memref<32768xf32, #tpu.memory_space<vmem>>) target(%dma_start3A_258 : memref<32768xf32, #tpu.memory_space<hbm>>) target_semaphore(%run_scoped3A : memref<!tpu.dma_semaphore, #tpu.memory_space<semaphore_mem>>)
      %dma_wait3A = tpu.memref_slice %arg4[%mul3A_126] : memref<33554432xf32, #tpu.memory_space<hbm>> -> memref<32768xf32, #tpu.memory_space<hbm>>
      %dma_wait3A_259 = tpu.memref_slice %arg4[%mul3A_126] : memref<33554432xf32, #tpu.memory_space<hbm>> -> memref<32768xf32, #tpu.memory_space<hbm>>
      tpu.wait_dma2 semaphore(%run_scoped3A : memref<!tpu.dma_semaphore, #tpu.memory_space<semaphore_mem>>) src(%arg6 : memref<32768xf32, #tpu.memory_space<vmem>>) dst(%dma_wait3A_259 : memref<32768xf32, #tpu.memory_space<hbm>>)
      tpu.yield
    }) : () -> ()
    %add3A_130 = arith.constant 128 : i32
    %add3A_131 = arith.addi %mul3A_2, %add3A_130 : i32
    %mul3A_132 = arith.constant 1024 : i32
    %mul3A_133 = arith.muli %add3A_131, %mul3A_132 : i32
    "tpu.region"() ({
      %run_scoped3A = tpu.sem_alloc : memref<!tpu.dma_semaphore, #tpu.memory_space<semaphore_mem>>
      %dma_start3A = tpu.memref_slice %arg3[%mul3A_133] : memref<8388608xf32, #tpu.memory_space<hbm>> -> memref<32768xf32, #tpu.memory_space<hbm>>
      %dma_start3A_258 = tpu.memref_slice %arg3[%mul3A_133] : memref<8388608xf32, #tpu.memory_space<hbm>> -> memref<32768xf32, #tpu.memory_space<hbm>>
      tpu.enqueue_dma source(%dma_start3A_258 : memref<32768xf32, #tpu.memory_space<hbm>>) target(%arg5 : memref<32768xf32, #tpu.memory_space<vmem>>) target_semaphore(%run_scoped3A : memref<!tpu.dma_semaphore, #tpu.memory_space<semaphore_mem>>)
      %dma_wait3A = tpu.memref_slice %arg3[%mul3A_133] : memref<8388608xf32, #tpu.memory_space<hbm>> -> memref<32768xf32, #tpu.memory_space<hbm>>
      %dma_wait3A_259 = tpu.memref_slice %arg3[%mul3A_133] : memref<8388608xf32, #tpu.memory_space<hbm>> -> memref<32768xf32, #tpu.memory_space<hbm>>
      tpu.wait_dma2 semaphore(%run_scoped3A : memref<!tpu.dma_semaphore, #tpu.memory_space<semaphore_mem>>) src(%dma_wait3A_259 : memref<32768xf32, #tpu.memory_space<hbm>>) dst(%arg5 : memref<32768xf32, #tpu.memory_space<vmem>>)
      tpu.yield
    }) : () -> ()
    %add3A_134 = arith.constant 0 : i32
    %add3A_135 = arith.addi %add3A_134, %add3A_131 : i32
    %mul3A_136 = arith.constant 1024 : i32
    %mul3A_137 = arith.muli %add3A_135, %mul3A_136 : i32
    "tpu.region"() ({
      %run_scoped3A = tpu.sem_alloc : memref<!tpu.dma_semaphore, #tpu.memory_space<semaphore_mem>>
      %dma_start3A = tpu.memref_slice %arg2[%mul3A_137] : memref<33554432xf32, #tpu.memory_space<hbm>> -> memref<32768xf32, #tpu.memory_space<hbm>>
      %dma_start3A_258 = tpu.memref_slice %arg2[%mul3A_137] : memref<33554432xf32, #tpu.memory_space<hbm>> -> memref<32768xf32, #tpu.memory_space<hbm>>
      tpu.enqueue_dma source(%dma_start3A_258 : memref<32768xf32, #tpu.memory_space<hbm>>) target(%arg6 : memref<32768xf32, #tpu.memory_space<vmem>>) target_semaphore(%run_scoped3A : memref<!tpu.dma_semaphore, #tpu.memory_space<semaphore_mem>>)
      %dma_wait3A = tpu.memref_slice %arg2[%mul3A_137] : memref<33554432xf32, #tpu.memory_space<hbm>> -> memref<32768xf32, #tpu.memory_space<hbm>>
      %dma_wait3A_259 = tpu.memref_slice %arg2[%mul3A_137] : memref<33554432xf32, #tpu.memory_space<hbm>> -> memref<32768xf32, #tpu.memory_space<hbm>>
      tpu.wait_dma2 semaphore(%run_scoped3A : memref<!tpu.dma_semaphore, #tpu.memory_space<semaphore_mem>>) src(%dma_wait3A_259 : memref<32768xf32, #tpu.memory_space<hbm>>) dst(%arg6 : memref<32768xf32, #tpu.memory_space<vmem>>)
      tpu.yield
    }) : () -> ()
    %parallel_loop3A_138 = arith.constant 0 : i32
    %parallel_loop3A_139 = arith.constant 32768 : i32
    %parallel_loop3A_140 = arith.constant 16 : i32
    scf.for %parallel_loop3A_258 = %parallel_loop3A_138 to %parallel_loop3A_139 step %parallel_loop3A_140  : i32 {
      %parallel_loop3A_259 = arith.index_cast %parallel_loop3A_258 : i32 to index
      %parallel_loop3A_260 = tpu.vector_load %arg5[%parallel_loop3A_259] {strides = array<i32>} : memref<32768xf32, #tpu.memory_space<vmem>>, vector<16xf32>,
      %parallel_loop3A_261 = vector.shape_cast %parallel_loop3A_260 : vector<16xf32> to vector<16xf32>
      %parallel_loop3A_262 = arith.index_cast %parallel_loop3A_258 : i32 to index
      %parallel_loop3A_263 = tpu.vector_load %arg6[%parallel_loop3A_262] {strides = array<i32>} : memref<32768xf32, #tpu.memory_space<vmem>>, vector<16xf32>,
      %parallel_loop3A_264 = vector.shape_cast %parallel_loop3A_263 : vector<16xf32> to vector<16xf32>
      %parallel_loop3A_265 = vector.shape_cast %parallel_loop3A_261 : vector<16xf32> to vector<16xf32>
      tpu.vector_store %arg6[%parallel_loop3A_262], %parallel_loop3A_265 {add = true, strides = array<i32>} : memref<32768xf32, #tpu.memory_space<vmem>>, vector<16xf32>,
    } {sc.loop_unroll_factor = 8 : i64, sc.parallel_access}
    "tpu.region"() ({
      %run_scoped3A = tpu.sem_alloc : memref<!tpu.dma_semaphore, #tpu.memory_space<semaphore_mem>>
      %dma_start3A = tpu.memref_slice %arg4[%mul3A_137] : memref<33554432xf32, #tpu.memory_space<hbm>> -> memref<32768xf32, #tpu.memory_space<hbm>>
      %dma_start3A_258 = tpu.memref_slice %arg4[%mul3A_137] : memref<33554432xf32, #tpu.memory_space<hbm>> -> memref<32768xf32, #tpu.memory_space<hbm>>
      tpu.enqueue_dma source(%arg6 : memref<32768xf32, #tpu.memory_space<vmem>>) target(%dma_start3A_258 : memref<32768xf32, #tpu.memory_space<hbm>>) target_semaphore(%run_scoped3A : memref<!tpu.dma_semaphore, #tpu.memory_space<semaphore_mem>>)
      %dma_wait3A = tpu.memref_slice %arg4[%mul3A_137] : memref<33554432xf32, #tpu.memory_space<hbm>> -> memref<32768xf32, #tpu.memory_space<hbm>>
      %dma_wait3A_259 = tpu.memref_slice %arg4[%mul3A_137] : memref<33554432xf32, #tpu.memory_space<hbm>> -> memref<32768xf32, #tpu.memory_space<hbm>>
      tpu.wait_dma2 semaphore(%run_scoped3A : memref<!tpu.dma_semaphore, #tpu.memory_space<semaphore_mem>>) src(%arg6 : memref<32768xf32, #tpu.memory_space<vmem>>) dst(%dma_wait3A_259 : memref<32768xf32, #tpu.memory_space<hbm>>)
      tpu.yield
    }) : () -> ()
    %add3A_141 = arith.constant 8192 : i32
    %add3A_142 = arith.addi %add3A_141, %add3A_131 : i32
    %mul3A_143 = arith.constant 1024 : i32
    %mul3A_144 = arith.muli %add3A_142, %mul3A_143 : i32
    "tpu.region"() ({
      %run_scoped3A = tpu.sem_alloc : memref<!tpu.dma_semaphore, #tpu.memory_space<semaphore_mem>>
      %dma_start3A = tpu.memref_slice %arg2[%mul3A_144] : memref<33554432xf32, #tpu.memory_space<hbm>> -> memref<32768xf32, #tpu.memory_space<hbm>>
      %dma_start3A_258 = tpu.memref_slice %arg2[%mul3A_144] : memref<33554432xf32, #tpu.memory_space<hbm>> -> memref<32768xf32, #tpu.memory_space<hbm>>
      tpu.enqueue_dma source(%dma_start3A_258 : memref<32768xf32, #tpu.memory_space<hbm>>) target(%arg6 : memref<32768xf32, #tpu.memory_space<vmem>>) target_semaphore(%run_scoped3A : memref<!tpu.dma_semaphore, #tpu.memory_space<semaphore_mem>>)
      %dma_wait3A = tpu.memref_slice %arg2[%mul3A_144] : memref<33554432xf32, #tpu.memory_space<hbm>> -> memref<32768xf32, #tpu.memory_space<hbm>>
      %dma_wait3A_259 = tpu.memref_slice %arg2[%mul3A_144] : memref<33554432xf32, #tpu.memory_space<hbm>> -> memref<32768xf32, #tpu.memory_space<hbm>>
      tpu.wait_dma2 semaphore(%run_scoped3A : memref<!tpu.dma_semaphore, #tpu.memory_space<semaphore_mem>>) src(%dma_wait3A_259 : memref<32768xf32, #tpu.memory_space<hbm>>) dst(%arg6 : memref<32768xf32, #tpu.memory_space<vmem>>)
      tpu.yield
    }) : () -> ()
    %parallel_loop3A_145 = arith.constant 0 : i32
    %parallel_loop3A_146 = arith.constant 32768 : i32
    %parallel_loop3A_147 = arith.constant 16 : i32
    scf.for %parallel_loop3A_258 = %parallel_loop3A_145 to %parallel_loop3A_146 step %parallel_loop3A_147  : i32 {
      %parallel_loop3A_259 = arith.index_cast %parallel_loop3A_258 : i32 to index
      %parallel_loop3A_260 = tpu.vector_load %arg5[%parallel_loop3A_259] {strides = array<i32>} : memref<32768xf32, #tpu.memory_space<vmem>>, vector<16xf32>,
      %parallel_loop3A_261 = vector.shape_cast %parallel_loop3A_260 : vector<16xf32> to vector<16xf32>
      %parallel_loop3A_262 = arith.index_cast %parallel_loop3A_258 : i32 to index
      %parallel_loop3A_263 = tpu.vector_load %arg6[%parallel_loop3A_262] {strides = array<i32>} : memref<32768xf32, #tpu.memory_space<vmem>>, vector<16xf32>,
      %parallel_loop3A_264 = vector.shape_cast %parallel_loop3A_263 : vector<16xf32> to vector<16xf32>
      %parallel_loop3A_265 = vector.shape_cast %parallel_loop3A_261 : vector<16xf32> to vector<16xf32>
      tpu.vector_store %arg6[%parallel_loop3A_262], %parallel_loop3A_265 {add = true, strides = array<i32>} : memref<32768xf32, #tpu.memory_space<vmem>>, vector<16xf32>,
    } {sc.loop_unroll_factor = 8 : i64, sc.parallel_access}
    "tpu.region"() ({
      %run_scoped3A = tpu.sem_alloc : memref<!tpu.dma_semaphore, #tpu.memory_space<semaphore_mem>>
      %dma_start3A = tpu.memref_slice %arg4[%mul3A_144] : memref<33554432xf32, #tpu.memory_space<hbm>> -> memref<32768xf32, #tpu.memory_space<hbm>>
      %dma_start3A_258 = tpu.memref_slice %arg4[%mul3A_144] : memref<33554432xf32, #tpu.memory_space<hbm>> -> memref<32768xf32, #tpu.memory_space<hbm>>
      tpu.enqueue_dma source(%arg6 : memref<32768xf32, #tpu.memory_space<vmem>>) target(%dma_start3A_258 : memref<32768xf32, #tpu.memory_space<hbm>>) target_semaphore(%run_scoped3A : memref<!tpu.dma_semaphore, #tpu.memory_space<semaphore_mem>>)
      %dma_wait3A = tpu.memref_slice %arg4[%mul3A_144] : memref<33554432xf32, #tpu.memory_space<hbm>> -> memref<32768xf32, #tpu.memory_space<hbm>>
      %dma_wait3A_259 = tpu.memref_slice %arg4[%mul3A_144] : memref<33554432xf32, #tpu.memory_space<hbm>> -> memref<32768xf32, #tpu.memory_space<hbm>>
      tpu.wait_dma2 semaphore(%run_scoped3A : memref<!tpu.dma_semaphore, #tpu.memory_space<semaphore_mem>>) src(%arg6 : memref<32768xf32, #tpu.memory_space<vmem>>) dst(%dma_wait3A_259 : memref<32768xf32, #tpu.memory_space<hbm>>)
      tpu.yield
    }) : () -> ()
    %add3A_148 = arith.constant 16384 : i32
    %add3A_149 = arith.addi %add3A_148, %add3A_131 : i32
    %mul3A_150 = arith.constant 1024 : i32
    %mul3A_151 = arith.muli %add3A_149, %mul3A_150 : i32
    "tpu.region"() ({
      %run_scoped3A = tpu.sem_alloc : memref<!tpu.dma_semaphore, #tpu.memory_space<semaphore_mem>>
      %dma_start3A = tpu.memref_slice %arg2[%mul3A_151] : memref<33554432xf32, #tpu.memory_space<hbm>> -> memref<32768xf32, #tpu.memory_space<hbm>>
      %dma_start3A_258 = tpu.memref_slice %arg2[%mul3A_151] : memref<33554432xf32, #tpu.memory_space<hbm>> -> memref<32768xf32, #tpu.memory_space<hbm>>
      tpu.enqueue_dma source(%dma_start3A_258 : memref<32768xf32, #tpu.memory_space<hbm>>) target(%arg6 : memref<32768xf32, #tpu.memory_space<vmem>>) target_semaphore(%run_scoped3A : memref<!tpu.dma_semaphore, #tpu.memory_space<semaphore_mem>>)
      %dma_wait3A = tpu.memref_slice %arg2[%mul3A_151] : memref<33554432xf32, #tpu.memory_space<hbm>> -> memref<32768xf32, #tpu.memory_space<hbm>>
      %dma_wait3A_259 = tpu.memref_slice %arg2[%mul3A_151] : memref<33554432xf32, #tpu.memory_space<hbm>> -> memref<32768xf32, #tpu.memory_space<hbm>>
      tpu.wait_dma2 semaphore(%run_scoped3A : memref<!tpu.dma_semaphore, #tpu.memory_space<semaphore_mem>>) src(%dma_wait3A_259 : memref<32768xf32, #tpu.memory_space<hbm>>) dst(%arg6 : memref<32768xf32, #tpu.memory_space<vmem>>)
      tpu.yield
    }) : () -> ()
    %parallel_loop3A_152 = arith.constant 0 : i32
    %parallel_loop3A_153 = arith.constant 32768 : i32
    %parallel_loop3A_154 = arith.constant 16 : i32
    scf.for %parallel_loop3A_258 = %parallel_loop3A_152 to %parallel_loop3A_153 step %parallel_loop3A_154  : i32 {
      %parallel_loop3A_259 = arith.index_cast %parallel_loop3A_258 : i32 to index
      %parallel_loop3A_260 = tpu.vector_load %arg5[%parallel_loop3A_259] {strides = array<i32>} : memref<32768xf32, #tpu.memory_space<vmem>>, vector<16xf32>,
      %parallel_loop3A_261 = vector.shape_cast %parallel_loop3A_260 : vector<16xf32> to vector<16xf32>
      %parallel_loop3A_262 = arith.index_cast %parallel_loop3A_258 : i32 to index
      %parallel_loop3A_263 = tpu.vector_load %arg6[%parallel_loop3A_262] {strides = array<i32>} : memref<32768xf32, #tpu.memory_space<vmem>>, vector<16xf32>,
      %parallel_loop3A_264 = vector.shape_cast %parallel_loop3A_263 : vector<16xf32> to vector<16xf32>
      %parallel_loop3A_265 = vector.shape_cast %parallel_loop3A_261 : vector<16xf32> to vector<16xf32>
      tpu.vector_store %arg6[%parallel_loop3A_262], %parallel_loop3A_265 {add = true, strides = array<i32>} : memref<32768xf32, #tpu.memory_space<vmem>>, vector<16xf32>,
    } {sc.loop_unroll_factor = 8 : i64, sc.parallel_access}
    "tpu.region"() ({
      %run_scoped3A = tpu.sem_alloc : memref<!tpu.dma_semaphore, #tpu.memory_space<semaphore_mem>>
      %dma_start3A = tpu.memref_slice %arg4[%mul3A_151] : memref<33554432xf32, #tpu.memory_space<hbm>> -> memref<32768xf32, #tpu.memory_space<hbm>>
      %dma_start3A_258 = tpu.memref_slice %arg4[%mul3A_151] : memref<33554432xf32, #tpu.memory_space<hbm>> -> memref<32768xf32, #tpu.memory_space<hbm>>
      tpu.enqueue_dma source(%arg6 : memref<32768xf32, #tpu.memory_space<vmem>>) target(%dma_start3A_258 : memref<32768xf32, #tpu.memory_space<hbm>>) target_semaphore(%run_scoped3A : memref<!tpu.dma_semaphore, #tpu.memory_space<semaphore_mem>>)
      %dma_wait3A = tpu.memref_slice %arg4[%mul3A_151] : memref<33554432xf32, #tpu.memory_space<hbm>> -> memref<32768xf32, #tpu.memory_space<hbm>>
      %dma_wait3A_259 = tpu.memref_slice %arg4[%mul3A_151] : memref<33554432xf32, #tpu.memory_space<hbm>> -> memref<32768xf32, #tpu.memory_space<hbm>>
      tpu.wait_dma2 semaphore(%run_scoped3A : memref<!tpu.dma_semaphore, #tpu.memory_space<semaphore_mem>>) src(%arg6 : memref<32768xf32, #tpu.memory_space<vmem>>) dst(%dma_wait3A_259 : memref<32768xf32, #tpu.memory_space<hbm>>)
      tpu.yield
    }) : () -> ()
    %add3A_155 = arith.constant 24576 : i32
    %add3A_156 = arith.addi %add3A_155, %add3A_131 : i32
    %mul3A_157 = arith.constant 1024 : i32
    %mul3A_158 = arith.muli %add3A_156, %mul3A_157 : i32
    "tpu.region"() ({
      %run_scoped3A = tpu.sem_alloc : memref<!tpu.dma_semaphore, #tpu.memory_space<semaphore_mem>>
      %dma_start3A = tpu.memref_slice %arg2[%mul3A_158] : memref<33554432xf32, #tpu.memory_space<hbm>> -> memref<32768xf32, #tpu.memory_space<hbm>>
      %dma_start3A_258 = tpu.memref_slice %arg2[%mul3A_158] : memref<33554432xf32, #tpu.memory_space<hbm>> -> memref<32768xf32, #tpu.memory_space<hbm>>
      tpu.enqueue_dma source(%dma_start3A_258 : memref<32768xf32, #tpu.memory_space<hbm>>) target(%arg6 : memref<32768xf32, #tpu.memory_space<vmem>>) target_semaphore(%run_scoped3A : memref<!tpu.dma_semaphore, #tpu.memory_space<semaphore_mem>>)
      %dma_wait3A = tpu.memref_slice %arg2[%mul3A_158] : memref<33554432xf32, #tpu.memory_space<hbm>> -> memref<32768xf32, #tpu.memory_space<hbm>>
      %dma_wait3A_259 = tpu.memref_slice %arg2[%mul3A_158] : memref<33554432xf32, #tpu.memory_space<hbm>> -> memref<32768xf32, #tpu.memory_space<hbm>>
      tpu.wait_dma2 semaphore(%run_scoped3A : memref<!tpu.dma_semaphore, #tpu.memory_space<semaphore_mem>>) src(%dma_wait3A_259 : memref<32768xf32, #tpu.memory_space<hbm>>) dst(%arg6 : memref<32768xf32, #tpu.memory_space<vmem>>)
      tpu.yield
    }) : () -> ()
    %parallel_loop3A_159 = arith.constant 0 : i32
    %parallel_loop3A_160 = arith.constant 32768 : i32
    %parallel_loop3A_161 = arith.constant 16 : i32
    scf.for %parallel_loop3A_258 = %parallel_loop3A_159 to %parallel_loop3A_160 step %parallel_loop3A_161  : i32 {
      %parallel_loop3A_259 = arith.index_cast %parallel_loop3A_258 : i32 to index
      %parallel_loop3A_260 = tpu.vector_load %arg5[%parallel_loop3A_259] {strides = array<i32>} : memref<32768xf32, #tpu.memory_space<vmem>>, vector<16xf32>,
      %parallel_loop3A_261 = vector.shape_cast %parallel_loop3A_260 : vector<16xf32> to vector<16xf32>
      %parallel_loop3A_262 = arith.index_cast %parallel_loop3A_258 : i32 to index
      %parallel_loop3A_263 = tpu.vector_load %arg6[%parallel_loop3A_262] {strides = array<i32>} : memref<32768xf32, #tpu.memory_space<vmem>>, vector<16xf32>,
      %parallel_loop3A_264 = vector.shape_cast %parallel_loop3A_263 : vector<16xf32> to vector<16xf32>
      %parallel_loop3A_265 = vector.shape_cast %parallel_loop3A_261 : vector<16xf32> to vector<16xf32>
      tpu.vector_store %arg6[%parallel_loop3A_262], %parallel_loop3A_265 {add = true, strides = array<i32>} : memref<32768xf32, #tpu.memory_space<vmem>>, vector<16xf32>,
    } {sc.loop_unroll_factor = 8 : i64, sc.parallel_access}
    "tpu.region"() ({
      %run_scoped3A = tpu.sem_alloc : memref<!tpu.dma_semaphore, #tpu.memory_space<semaphore_mem>>
      %dma_start3A = tpu.memref_slice %arg4[%mul3A_158] : memref<33554432xf32, #tpu.memory_space<hbm>> -> memref<32768xf32, #tpu.memory_space<hbm>>
      %dma_start3A_258 = tpu.memref_slice %arg4[%mul3A_158] : memref<33554432xf32, #tpu.memory_space<hbm>> -> memref<32768xf32, #tpu.memory_space<hbm>>
      tpu.enqueue_dma source(%arg6 : memref<32768xf32, #tpu.memory_space<vmem>>) target(%dma_start3A_258 : memref<32768xf32, #tpu.memory_space<hbm>>) target_semaphore(%run_scoped3A : memref<!tpu.dma_semaphore, #tpu.memory_space<semaphore_mem>>)
      %dma_wait3A = tpu.memref_slice %arg4[%mul3A_158] : memref<33554432xf32, #tpu.memory_space<hbm>> -> memref<32768xf32, #tpu.memory_space<hbm>>
      %dma_wait3A_259 = tpu.memref_slice %arg4[%mul3A_158] : memref<33554432xf32, #tpu.memory_space<hbm>> -> memref<32768xf32, #tpu.memory_space<hbm>>
      tpu.wait_dma2 semaphore(%run_scoped3A : memref<!tpu.dma_semaphore, #tpu.memory_space<semaphore_mem>>) src(%arg6 : memref<32768xf32, #tpu.memory_space<vmem>>) dst(%dma_wait3A_259 : memref<32768xf32, #tpu.memory_space<hbm>>)
      tpu.yield
    }) : () -> ()
    %add3A_162 = arith.constant 160 : i32
    %add3A_163 = arith.addi %mul3A_2, %add3A_162 : i32
    %mul3A_164 = arith.constant 1024 : i32
    %mul3A_165 = arith.muli %add3A_163, %mul3A_164 : i32
    "tpu.region"() ({
      %run_scoped3A = tpu.sem_alloc : memref<!tpu.dma_semaphore, #tpu.memory_space<semaphore_mem>>
      %dma_start3A = tpu.memref_slice %arg3[%mul3A_165] : memref<8388608xf32, #tpu.memory_space<hbm>> -> memref<32768xf32, #tpu.memory_space<hbm>>
      %dma_start3A_258 = tpu.memref_slice %arg3[%mul3A_165] : memref<8388608xf32, #tpu.memory_space<hbm>> -> memref<32768xf32, #tpu.memory_space<hbm>>
      tpu.enqueue_dma source(%dma_start3A_258 : memref<32768xf32, #tpu.memory_space<hbm>>) target(%arg5 : memref<32768xf32, #tpu.memory_space<vmem>>) target_semaphore(%run_scoped3A : memref<!tpu.dma_semaphore, #tpu.memory_space<semaphore_mem>>)
      %dma_wait3A = tpu.memref_slice %arg3[%mul3A_165] : memref<8388608xf32, #tpu.memory_space<hbm>> -> memref<32768xf32, #tpu.memory_space<hbm>>
      %dma_wait3A_259 = tpu.memref_slice %arg3[%mul3A_165] : memref<8388608xf32, #tpu.memory_space<hbm>> -> memref<32768xf32, #tpu.memory_space<hbm>>
      tpu.wait_dma2 semaphore(%run_scoped3A : memref<!tpu.dma_semaphore, #tpu.memory_space<semaphore_mem>>) src(%dma_wait3A_259 : memref<32768xf32, #tpu.memory_space<hbm>>) dst(%arg5 : memref<32768xf32, #tpu.memory_space<vmem>>)
      tpu.yield
    }) : () -> ()
    %add3A_166 = arith.constant 0 : i32
    %add3A_167 = arith.addi %add3A_166, %add3A_163 : i32
    %mul3A_168 = arith.constant 1024 : i32
    %mul3A_169 = arith.muli %add3A_167, %mul3A_168 : i32
    "tpu.region"() ({
      %run_scoped3A = tpu.sem_alloc : memref<!tpu.dma_semaphore, #tpu.memory_space<semaphore_mem>>
      %dma_start3A = tpu.memref_slice %arg2[%mul3A_169] : memref<33554432xf32, #tpu.memory_space<hbm>> -> memref<32768xf32, #tpu.memory_space<hbm>>
      %dma_start3A_258 = tpu.memref_slice %arg2[%mul3A_169] : memref<33554432xf32, #tpu.memory_space<hbm>> -> memref<32768xf32, #tpu.memory_space<hbm>>
      tpu.enqueue_dma source(%dma_start3A_258 : memref<32768xf32, #tpu.memory_space<hbm>>) target(%arg6 : memref<32768xf32, #tpu.memory_space<vmem>>) target_semaphore(%run_scoped3A : memref<!tpu.dma_semaphore, #tpu.memory_space<semaphore_mem>>)
      %dma_wait3A = tpu.memref_slice %arg2[%mul3A_169] : memref<33554432xf32, #tpu.memory_space<hbm>> -> memref<32768xf32, #tpu.memory_space<hbm>>
      %dma_wait3A_259 = tpu.memref_slice %arg2[%mul3A_169] : memref<33554432xf32, #tpu.memory_space<hbm>> -> memref<32768xf32, #tpu.memory_space<hbm>>
      tpu.wait_dma2 semaphore(%run_scoped3A : memref<!tpu.dma_semaphore, #tpu.memory_space<semaphore_mem>>) src(%dma_wait3A_259 : memref<32768xf32, #tpu.memory_space<hbm>>) dst(%arg6 : memref<32768xf32, #tpu.memory_space<vmem>>)
      tpu.yield
    }) : () -> ()
    %parallel_loop3A_170 = arith.constant 0 : i32
    %parallel_loop3A_171 = arith.constant 32768 : i32
    %parallel_loop3A_172 = arith.constant 16 : i32
    scf.for %parallel_loop3A_258 = %parallel_loop3A_170 to %parallel_loop3A_171 step %parallel_loop3A_172  : i32 {
      %parallel_loop3A_259 = arith.index_cast %parallel_loop3A_258 : i32 to index
      %parallel_loop3A_260 = tpu.vector_load %arg5[%parallel_loop3A_259] {strides = array<i32>} : memref<32768xf32, #tpu.memory_space<vmem>>, vector<16xf32>,
      %parallel_loop3A_261 = vector.shape_cast %parallel_loop3A_260 : vector<16xf32> to vector<16xf32>
      %parallel_loop3A_262 = arith.index_cast %parallel_loop3A_258 : i32 to index
      %parallel_loop3A_263 = tpu.vector_load %arg6[%parallel_loop3A_262] {strides = array<i32>} : memref<32768xf32, #tpu.memory_space<vmem>>, vector<16xf32>,
      %parallel_loop3A_264 = vector.shape_cast %parallel_loop3A_263 : vector<16xf32> to vector<16xf32>
      %parallel_loop3A_265 = vector.shape_cast %parallel_loop3A_261 : vector<16xf32> to vector<16xf32>
      tpu.vector_store %arg6[%parallel_loop3A_262], %parallel_loop3A_265 {add = true, strides = array<i32>} : memref<32768xf32, #tpu.memory_space<vmem>>, vector<16xf32>,
    } {sc.loop_unroll_factor = 8 : i64, sc.parallel_access}
    "tpu.region"() ({
      %run_scoped3A = tpu.sem_alloc : memref<!tpu.dma_semaphore, #tpu.memory_space<semaphore_mem>>
      %dma_start3A = tpu.memref_slice %arg4[%mul3A_169] : memref<33554432xf32, #tpu.memory_space<hbm>> -> memref<32768xf32, #tpu.memory_space<hbm>>
      %dma_start3A_258 = tpu.memref_slice %arg4[%mul3A_169] : memref<33554432xf32, #tpu.memory_space<hbm>> -> memref<32768xf32, #tpu.memory_space<hbm>>
      tpu.enqueue_dma source(%arg6 : memref<32768xf32, #tpu.memory_space<vmem>>) target(%dma_start3A_258 : memref<32768xf32, #tpu.memory_space<hbm>>) target_semaphore(%run_scoped3A : memref<!tpu.dma_semaphore, #tpu.memory_space<semaphore_mem>>)
      %dma_wait3A = tpu.memref_slice %arg4[%mul3A_169] : memref<33554432xf32, #tpu.memory_space<hbm>> -> memref<32768xf32, #tpu.memory_space<hbm>>
      %dma_wait3A_259 = tpu.memref_slice %arg4[%mul3A_169] : memref<33554432xf32, #tpu.memory_space<hbm>> -> memref<32768xf32, #tpu.memory_space<hbm>>
      tpu.wait_dma2 semaphore(%run_scoped3A : memref<!tpu.dma_semaphore, #tpu.memory_space<semaphore_mem>>) src(%arg6 : memref<32768xf32, #tpu.memory_space<vmem>>) dst(%dma_wait3A_259 : memref<32768xf32, #tpu.memory_space<hbm>>)
      tpu.yield
    }) : () -> ()
    %add3A_173 = arith.constant 8192 : i32
    %add3A_174 = arith.addi %add3A_173, %add3A_163 : i32
    %mul3A_175 = arith.constant 1024 : i32
    %mul3A_176 = arith.muli %add3A_174, %mul3A_175 : i32
    "tpu.region"() ({
      %run_scoped3A = tpu.sem_alloc : memref<!tpu.dma_semaphore, #tpu.memory_space<semaphore_mem>>
      %dma_start3A = tpu.memref_slice %arg2[%mul3A_176] : memref<33554432xf32, #tpu.memory_space<hbm>> -> memref<32768xf32, #tpu.memory_space<hbm>>
      %dma_start3A_258 = tpu.memref_slice %arg2[%mul3A_176] : memref<33554432xf32, #tpu.memory_space<hbm>> -> memref<32768xf32, #tpu.memory_space<hbm>>
      tpu.enqueue_dma source(%dma_start3A_258 : memref<32768xf32, #tpu.memory_space<hbm>>) target(%arg6 : memref<32768xf32, #tpu.memory_space<vmem>>) target_semaphore(%run_scoped3A : memref<!tpu.dma_semaphore, #tpu.memory_space<semaphore_mem>>)
      %dma_wait3A = tpu.memref_slice %arg2[%mul3A_176] : memref<33554432xf32, #tpu.memory_space<hbm>> -> memref<32768xf32, #tpu.memory_space<hbm>>
      %dma_wait3A_259 = tpu.memref_slice %arg2[%mul3A_176] : memref<33554432xf32, #tpu.memory_space<hbm>> -> memref<32768xf32, #tpu.memory_space<hbm>>
      tpu.wait_dma2 semaphore(%run_scoped3A : memref<!tpu.dma_semaphore, #tpu.memory_space<semaphore_mem>>) src(%dma_wait3A_259 : memref<32768xf32, #tpu.memory_space<hbm>>) dst(%arg6 : memref<32768xf32, #tpu.memory_space<vmem>>)
      tpu.yield
    }) : () -> ()
    %parallel_loop3A_177 = arith.constant 0 : i32
    %parallel_loop3A_178 = arith.constant 32768 : i32
    %parallel_loop3A_179 = arith.constant 16 : i32
    scf.for %parallel_loop3A_258 = %parallel_loop3A_177 to %parallel_loop3A_178 step %parallel_loop3A_179  : i32 {
      %parallel_loop3A_259 = arith.index_cast %parallel_loop3A_258 : i32 to index
      %parallel_loop3A_260 = tpu.vector_load %arg5[%parallel_loop3A_259] {strides = array<i32>} : memref<32768xf32, #tpu.memory_space<vmem>>, vector<16xf32>,
      %parallel_loop3A_261 = vector.shape_cast %parallel_loop3A_260 : vector<16xf32> to vector<16xf32>
      %parallel_loop3A_262 = arith.index_cast %parallel_loop3A_258 : i32 to index
      %parallel_loop3A_263 = tpu.vector_load %arg6[%parallel_loop3A_262] {strides = array<i32>} : memref<32768xf32, #tpu.memory_space<vmem>>, vector<16xf32>,
      %parallel_loop3A_264 = vector.shape_cast %parallel_loop3A_263 : vector<16xf32> to vector<16xf32>
      %parallel_loop3A_265 = vector.shape_cast %parallel_loop3A_261 : vector<16xf32> to vector<16xf32>
      tpu.vector_store %arg6[%parallel_loop3A_262], %parallel_loop3A_265 {add = true, strides = array<i32>} : memref<32768xf32, #tpu.memory_space<vmem>>, vector<16xf32>,
    } {sc.loop_unroll_factor = 8 : i64, sc.parallel_access}
    "tpu.region"() ({
      %run_scoped3A = tpu.sem_alloc : memref<!tpu.dma_semaphore, #tpu.memory_space<semaphore_mem>>
      %dma_start3A = tpu.memref_slice %arg4[%mul3A_176] : memref<33554432xf32, #tpu.memory_space<hbm>> -> memref<32768xf32, #tpu.memory_space<hbm>>
      %dma_start3A_258 = tpu.memref_slice %arg4[%mul3A_176] : memref<33554432xf32, #tpu.memory_space<hbm>> -> memref<32768xf32, #tpu.memory_space<hbm>>
      tpu.enqueue_dma source(%arg6 : memref<32768xf32, #tpu.memory_space<vmem>>) target(%dma_start3A_258 : memref<32768xf32, #tpu.memory_space<hbm>>) target_semaphore(%run_scoped3A : memref<!tpu.dma_semaphore, #tpu.memory_space<semaphore_mem>>)
      %dma_wait3A = tpu.memref_slice %arg4[%mul3A_176] : memref<33554432xf32, #tpu.memory_space<hbm>> -> memref<32768xf32, #tpu.memory_space<hbm>>
      %dma_wait3A_259 = tpu.memref_slice %arg4[%mul3A_176] : memref<33554432xf32, #tpu.memory_space<hbm>> -> memref<32768xf32, #tpu.memory_space<hbm>>
      tpu.wait_dma2 semaphore(%run_scoped3A : memref<!tpu.dma_semaphore, #tpu.memory_space<semaphore_mem>>) src(%arg6 : memref<32768xf32, #tpu.memory_space<vmem>>) dst(%dma_wait3A_259 : memref<32768xf32, #tpu.memory_space<hbm>>)
      tpu.yield
    }) : () -> ()
    %add3A_180 = arith.constant 16384 : i32
    %add3A_181 = arith.addi %add3A_180, %add3A_163 : i32
    %mul3A_182 = arith.constant 1024 : i32
    %mul3A_183 = arith.muli %add3A_181, %mul3A_182 : i32
    "tpu.region"() ({
      %run_scoped3A = tpu.sem_alloc : memref<!tpu.dma_semaphore, #tpu.memory_space<semaphore_mem>>
      %dma_start3A = tpu.memref_slice %arg2[%mul3A_183] : memref<33554432xf32, #tpu.memory_space<hbm>> -> memref<32768xf32, #tpu.memory_space<hbm>>
      %dma_start3A_258 = tpu.memref_slice %arg2[%mul3A_183] : memref<33554432xf32, #tpu.memory_space<hbm>> -> memref<32768xf32, #tpu.memory_space<hbm>>
      tpu.enqueue_dma source(%dma_start3A_258 : memref<32768xf32, #tpu.memory_space<hbm>>) target(%arg6 : memref<32768xf32, #tpu.memory_space<vmem>>) target_semaphore(%run_scoped3A : memref<!tpu.dma_semaphore, #tpu.memory_space<semaphore_mem>>)
      %dma_wait3A = tpu.memref_slice %arg2[%mul3A_183] : memref<33554432xf32, #tpu.memory_space<hbm>> -> memref<32768xf32, #tpu.memory_space<hbm>>
      %dma_wait3A_259 = tpu.memref_slice %arg2[%mul3A_183] : memref<33554432xf32, #tpu.memory_space<hbm>> -> memref<32768xf32, #tpu.memory_space<hbm>>
      tpu.wait_dma2 semaphore(%run_scoped3A : memref<!tpu.dma_semaphore, #tpu.memory_space<semaphore_mem>>) src(%dma_wait3A_259 : memref<32768xf32, #tpu.memory_space<hbm>>) dst(%arg6 : memref<32768xf32, #tpu.memory_space<vmem>>)
      tpu.yield
    }) : () -> ()
    %parallel_loop3A_184 = arith.constant 0 : i32
    %parallel_loop3A_185 = arith.constant 32768 : i32
    %parallel_loop3A_186 = arith.constant 16 : i32
    scf.for %parallel_loop3A_258 = %parallel_loop3A_184 to %parallel_loop3A_185 step %parallel_loop3A_186  : i32 {
      %parallel_loop3A_259 = arith.index_cast %parallel_loop3A_258 : i32 to index
      %parallel_loop3A_260 = tpu.vector_load %arg5[%parallel_loop3A_259] {strides = array<i32>} : memref<32768xf32, #tpu.memory_space<vmem>>, vector<16xf32>,
      %parallel_loop3A_261 = vector.shape_cast %parallel_loop3A_260 : vector<16xf32> to vector<16xf32>
      %parallel_loop3A_262 = arith.index_cast %parallel_loop3A_258 : i32 to index
      %parallel_loop3A_263 = tpu.vector_load %arg6[%parallel_loop3A_262] {strides = array<i32>} : memref<32768xf32, #tpu.memory_space<vmem>>, vector<16xf32>,
      %parallel_loop3A_264 = vector.shape_cast %parallel_loop3A_263 : vector<16xf32> to vector<16xf32>
      %parallel_loop3A_265 = vector.shape_cast %parallel_loop3A_261 : vector<16xf32> to vector<16xf32>
      tpu.vector_store %arg6[%parallel_loop3A_262], %parallel_loop3A_265 {add = true, strides = array<i32>} : memref<32768xf32, #tpu.memory_space<vmem>>, vector<16xf32>,
    } {sc.loop_unroll_factor = 8 : i64, sc.parallel_access}
    "tpu.region"() ({
      %run_scoped3A = tpu.sem_alloc : memref<!tpu.dma_semaphore, #tpu.memory_space<semaphore_mem>>
      %dma_start3A = tpu.memref_slice %arg4[%mul3A_183] : memref<33554432xf32, #tpu.memory_space<hbm>> -> memref<32768xf32, #tpu.memory_space<hbm>>
      %dma_start3A_258 = tpu.memref_slice %arg4[%mul3A_183] : memref<33554432xf32, #tpu.memory_space<hbm>> -> memref<32768xf32, #tpu.memory_space<hbm>>
      tpu.enqueue_dma source(%arg6 : memref<32768xf32, #tpu.memory_space<vmem>>) target(%dma_start3A_258 : memref<32768xf32, #tpu.memory_space<hbm>>) target_semaphore(%run_scoped3A : memref<!tpu.dma_semaphore, #tpu.memory_space<semaphore_mem>>)
      %dma_wait3A = tpu.memref_slice %arg4[%mul3A_183] : memref<33554432xf32, #tpu.memory_space<hbm>> -> memref<32768xf32, #tpu.memory_space<hbm>>
      %dma_wait3A_259 = tpu.memref_slice %arg4[%mul3A_183] : memref<33554432xf32, #tpu.memory_space<hbm>> -> memref<32768xf32, #tpu.memory_space<hbm>>
      tpu.wait_dma2 semaphore(%run_scoped3A : memref<!tpu.dma_semaphore, #tpu.memory_space<semaphore_mem>>) src(%arg6 : memref<32768xf32, #tpu.memory_space<vmem>>) dst(%dma_wait3A_259 : memref<32768xf32, #tpu.memory_space<hbm>>)
      tpu.yield
    }) : () -> ()
    %add3A_187 = arith.constant 24576 : i32
    %add3A_188 = arith.addi %add3A_187, %add3A_163 : i32
    %mul3A_189 = arith.constant 1024 : i32
    %mul3A_190 = arith.muli %add3A_188, %mul3A_189 : i32
    "tpu.region"() ({
      %run_scoped3A = tpu.sem_alloc : memref<!tpu.dma_semaphore, #tpu.memory_space<semaphore_mem>>
      %dma_start3A = tpu.memref_slice %arg2[%mul3A_190] : memref<33554432xf32, #tpu.memory_space<hbm>> -> memref<32768xf32, #tpu.memory_space<hbm>>
      %dma_start3A_258 = tpu.memref_slice %arg2[%mul3A_190] : memref<33554432xf32, #tpu.memory_space<hbm>> -> memref<32768xf32, #tpu.memory_space<hbm>>
      tpu.enqueue_dma source(%dma_start3A_258 : memref<32768xf32, #tpu.memory_space<hbm>>) target(%arg6 : memref<32768xf32, #tpu.memory_space<vmem>>) target_semaphore(%run_scoped3A : memref<!tpu.dma_semaphore, #tpu.memory_space<semaphore_mem>>)
      %dma_wait3A = tpu.memref_slice %arg2[%mul3A_190] : memref<33554432xf32, #tpu.memory_space<hbm>> -> memref<32768xf32, #tpu.memory_space<hbm>>
      %dma_wait3A_259 = tpu.memref_slice %arg2[%mul3A_190] : memref<33554432xf32, #tpu.memory_space<hbm>> -> memref<32768xf32, #tpu.memory_space<hbm>>
      tpu.wait_dma2 semaphore(%run_scoped3A : memref<!tpu.dma_semaphore, #tpu.memory_space<semaphore_mem>>) src(%dma_wait3A_259 : memref<32768xf32, #tpu.memory_space<hbm>>) dst(%arg6 : memref<32768xf32, #tpu.memory_space<vmem>>)
      tpu.yield
    }) : () -> ()
    %parallel_loop3A_191 = arith.constant 0 : i32
    %parallel_loop3A_192 = arith.constant 32768 : i32
    %parallel_loop3A_193 = arith.constant 16 : i32
    scf.for %parallel_loop3A_258 = %parallel_loop3A_191 to %parallel_loop3A_192 step %parallel_loop3A_193  : i32 {
      %parallel_loop3A_259 = arith.index_cast %parallel_loop3A_258 : i32 to index
      %parallel_loop3A_260 = tpu.vector_load %arg5[%parallel_loop3A_259] {strides = array<i32>} : memref<32768xf32, #tpu.memory_space<vmem>>, vector<16xf32>,
      %parallel_loop3A_261 = vector.shape_cast %parallel_loop3A_260 : vector<16xf32> to vector<16xf32>
      %parallel_loop3A_262 = arith.index_cast %parallel_loop3A_258 : i32 to index
      %parallel_loop3A_263 = tpu.vector_load %arg6[%parallel_loop3A_262] {strides = array<i32>} : memref<32768xf32, #tpu.memory_space<vmem>>, vector<16xf32>,
      %parallel_loop3A_264 = vector.shape_cast %parallel_loop3A_263 : vector<16xf32> to vector<16xf32>
      %parallel_loop3A_265 = vector.shape_cast %parallel_loop3A_261 : vector<16xf32> to vector<16xf32>
      tpu.vector_store %arg6[%parallel_loop3A_262], %parallel_loop3A_265 {add = true, strides = array<i32>} : memref<32768xf32, #tpu.memory_space<vmem>>, vector<16xf32>,
    } {sc.loop_unroll_factor = 8 : i64, sc.parallel_access}
    "tpu.region"() ({
      %run_scoped3A = tpu.sem_alloc : memref<!tpu.dma_semaphore, #tpu.memory_space<semaphore_mem>>
      %dma_start3A = tpu.memref_slice %arg4[%mul3A_190] : memref<33554432xf32, #tpu.memory_space<hbm>> -> memref<32768xf32, #tpu.memory_space<hbm>>
      %dma_start3A_258 = tpu.memref_slice %arg4[%mul3A_190] : memref<33554432xf32, #tpu.memory_space<hbm>> -> memref<32768xf32, #tpu.memory_space<hbm>>
      tpu.enqueue_dma source(%arg6 : memref<32768xf32, #tpu.memory_space<vmem>>) target(%dma_start3A_258 : memref<32768xf32, #tpu.memory_space<hbm>>) target_semaphore(%run_scoped3A : memref<!tpu.dma_semaphore, #tpu.memory_space<semaphore_mem>>)
      %dma_wait3A = tpu.memref_slice %arg4[%mul3A_190] : memref<33554432xf32, #tpu.memory_space<hbm>> -> memref<32768xf32, #tpu.memory_space<hbm>>
      %dma_wait3A_259 = tpu.memref_slice %arg4[%mul3A_190] : memref<33554432xf32, #tpu.memory_space<hbm>> -> memref<32768xf32, #tpu.memory_space<hbm>>
      tpu.wait_dma2 semaphore(%run_scoped3A : memref<!tpu.dma_semaphore, #tpu.memory_space<semaphore_mem>>) src(%arg6 : memref<32768xf32, #tpu.memory_space<vmem>>) dst(%dma_wait3A_259 : memref<32768xf32, #tpu.memory_space<hbm>>)
      tpu.yield
    }) : () -> ()
    %add3A_194 = arith.constant 192 : i32
    %add3A_195 = arith.addi %mul3A_2, %add3A_194 : i32
    %mul3A_196 = arith.constant 1024 : i32
    %mul3A_197 = arith.muli %add3A_195, %mul3A_196 : i32
    "tpu.region"() ({
      %run_scoped3A = tpu.sem_alloc : memref<!tpu.dma_semaphore, #tpu.memory_space<semaphore_mem>>
      %dma_start3A = tpu.memref_slice %arg3[%mul3A_197] : memref<8388608xf32, #tpu.memory_space<hbm>> -> memref<32768xf32, #tpu.memory_space<hbm>>
      %dma_start3A_258 = tpu.memref_slice %arg3[%mul3A_197] : memref<8388608xf32, #tpu.memory_space<hbm>> -> memref<32768xf32, #tpu.memory_space<hbm>>
      tpu.enqueue_dma source(%dma_start3A_258 : memref<32768xf32, #tpu.memory_space<hbm>>) target(%arg5 : memref<32768xf32, #tpu.memory_space<vmem>>) target_semaphore(%run_scoped3A : memref<!tpu.dma_semaphore, #tpu.memory_space<semaphore_mem>>)
      %dma_wait3A = tpu.memref_slice %arg3[%mul3A_197] : memref<8388608xf32, #tpu.memory_space<hbm>> -> memref<32768xf32, #tpu.memory_space<hbm>>
      %dma_wait3A_259 = tpu.memref_slice %arg3[%mul3A_197] : memref<8388608xf32, #tpu.memory_space<hbm>> -> memref<32768xf32, #tpu.memory_space<hbm>>
      tpu.wait_dma2 semaphore(%run_scoped3A : memref<!tpu.dma_semaphore, #tpu.memory_space<semaphore_mem>>) src(%dma_wait3A_259 : memref<32768xf32, #tpu.memory_space<hbm>>) dst(%arg5 : memref<32768xf32, #tpu.memory_space<vmem>>)
      tpu.yield
    }) : () -> ()
    %add3A_198 = arith.constant 0 : i32
    %add3A_199 = arith.addi %add3A_198, %add3A_195 : i32
    %mul3A_200 = arith.constant 1024 : i32
    %mul3A_201 = arith.muli %add3A_199, %mul3A_200 : i32
    "tpu.region"() ({
      %run_scoped3A = tpu.sem_alloc : memref<!tpu.dma_semaphore, #tpu.memory_space<semaphore_mem>>
      %dma_start3A = tpu.memref_slice %arg2[%mul3A_201] : memref<33554432xf32, #tpu.memory_space<hbm>> -> memref<32768xf32, #tpu.memory_space<hbm>>
      %dma_start3A_258 = tpu.memref_slice %arg2[%mul3A_201] : memref<33554432xf32, #tpu.memory_space<hbm>> -> memref<32768xf32, #tpu.memory_space<hbm>>
      tpu.enqueue_dma source(%dma_start3A_258 : memref<32768xf32, #tpu.memory_space<hbm>>) target(%arg6 : memref<32768xf32, #tpu.memory_space<vmem>>) target_semaphore(%run_scoped3A : memref<!tpu.dma_semaphore, #tpu.memory_space<semaphore_mem>>)
      %dma_wait3A = tpu.memref_slice %arg2[%mul3A_201] : memref<33554432xf32, #tpu.memory_space<hbm>> -> memref<32768xf32, #tpu.memory_space<hbm>>
      %dma_wait3A_259 = tpu.memref_slice %arg2[%mul3A_201] : memref<33554432xf32, #tpu.memory_space<hbm>> -> memref<32768xf32, #tpu.memory_space<hbm>>
      tpu.wait_dma2 semaphore(%run_scoped3A : memref<!tpu.dma_semaphore, #tpu.memory_space<semaphore_mem>>) src(%dma_wait3A_259 : memref<32768xf32, #tpu.memory_space<hbm>>) dst(%arg6 : memref<32768xf32, #tpu.memory_space<vmem>>)
      tpu.yield
    }) : () -> ()
    %parallel_loop3A_202 = arith.constant 0 : i32
    %parallel_loop3A_203 = arith.constant 32768 : i32
    %parallel_loop3A_204 = arith.constant 16 : i32
    scf.for %parallel_loop3A_258 = %parallel_loop3A_202 to %parallel_loop3A_203 step %parallel_loop3A_204  : i32 {
      %parallel_loop3A_259 = arith.index_cast %parallel_loop3A_258 : i32 to index
      %parallel_loop3A_260 = tpu.vector_load %arg5[%parallel_loop3A_259] {strides = array<i32>} : memref<32768xf32, #tpu.memory_space<vmem>>, vector<16xf32>,
      %parallel_loop3A_261 = vector.shape_cast %parallel_loop3A_260 : vector<16xf32> to vector<16xf32>
      %parallel_loop3A_262 = arith.index_cast %parallel_loop3A_258 : i32 to index
      %parallel_loop3A_263 = tpu.vector_load %arg6[%parallel_loop3A_262] {strides = array<i32>} : memref<32768xf32, #tpu.memory_space<vmem>>, vector<16xf32>,
      %parallel_loop3A_264 = vector.shape_cast %parallel_loop3A_263 : vector<16xf32> to vector<16xf32>
      %parallel_loop3A_265 = vector.shape_cast %parallel_loop3A_261 : vector<16xf32> to vector<16xf32>
      tpu.vector_store %arg6[%parallel_loop3A_262], %parallel_loop3A_265 {add = true, strides = array<i32>} : memref<32768xf32, #tpu.memory_space<vmem>>, vector<16xf32>,
    } {sc.loop_unroll_factor = 8 : i64, sc.parallel_access}
    "tpu.region"() ({
      %run_scoped3A = tpu.sem_alloc : memref<!tpu.dma_semaphore, #tpu.memory_space<semaphore_mem>>
      %dma_start3A = tpu.memref_slice %arg4[%mul3A_201] : memref<33554432xf32, #tpu.memory_space<hbm>> -> memref<32768xf32, #tpu.memory_space<hbm>>
      %dma_start3A_258 = tpu.memref_slice %arg4[%mul3A_201] : memref<33554432xf32, #tpu.memory_space<hbm>> -> memref<32768xf32, #tpu.memory_space<hbm>>
      tpu.enqueue_dma source(%arg6 : memref<32768xf32, #tpu.memory_space<vmem>>) target(%dma_start3A_258 : memref<32768xf32, #tpu.memory_space<hbm>>) target_semaphore(%run_scoped3A : memref<!tpu.dma_semaphore, #tpu.memory_space<semaphore_mem>>)
      %dma_wait3A = tpu.memref_slice %arg4[%mul3A_201] : memref<33554432xf32, #tpu.memory_space<hbm>> -> memref<32768xf32, #tpu.memory_space<hbm>>
      %dma_wait3A_259 = tpu.memref_slice %arg4[%mul3A_201] : memref<33554432xf32, #tpu.memory_space<hbm>> -> memref<32768xf32, #tpu.memory_space<hbm>>
      tpu.wait_dma2 semaphore(%run_scoped3A : memref<!tpu.dma_semaphore, #tpu.memory_space<semaphore_mem>>) src(%arg6 : memref<32768xf32, #tpu.memory_space<vmem>>) dst(%dma_wait3A_259 : memref<32768xf32, #tpu.memory_space<hbm>>)
      tpu.yield
    }) : () -> ()
    %add3A_205 = arith.constant 8192 : i32
    %add3A_206 = arith.addi %add3A_205, %add3A_195 : i32
    %mul3A_207 = arith.constant 1024 : i32
    %mul3A_208 = arith.muli %add3A_206, %mul3A_207 : i32
    "tpu.region"() ({
      %run_scoped3A = tpu.sem_alloc : memref<!tpu.dma_semaphore, #tpu.memory_space<semaphore_mem>>
      %dma_start3A = tpu.memref_slice %arg2[%mul3A_208] : memref<33554432xf32, #tpu.memory_space<hbm>> -> memref<32768xf32, #tpu.memory_space<hbm>>
      %dma_start3A_258 = tpu.memref_slice %arg2[%mul3A_208] : memref<33554432xf32, #tpu.memory_space<hbm>> -> memref<32768xf32, #tpu.memory_space<hbm>>
      tpu.enqueue_dma source(%dma_start3A_258 : memref<32768xf32, #tpu.memory_space<hbm>>) target(%arg6 : memref<32768xf32, #tpu.memory_space<vmem>>) target_semaphore(%run_scoped3A : memref<!tpu.dma_semaphore, #tpu.memory_space<semaphore_mem>>)
      %dma_wait3A = tpu.memref_slice %arg2[%mul3A_208] : memref<33554432xf32, #tpu.memory_space<hbm>> -> memref<32768xf32, #tpu.memory_space<hbm>>
      %dma_wait3A_259 = tpu.memref_slice %arg2[%mul3A_208] : memref<33554432xf32, #tpu.memory_space<hbm>> -> memref<32768xf32, #tpu.memory_space<hbm>>
      tpu.wait_dma2 semaphore(%run_scoped3A : memref<!tpu.dma_semaphore, #tpu.memory_space<semaphore_mem>>) src(%dma_wait3A_259 : memref<32768xf32, #tpu.memory_space<hbm>>) dst(%arg6 : memref<32768xf32, #tpu.memory_space<vmem>>)
      tpu.yield
    }) : () -> ()
    %parallel_loop3A_209 = arith.constant 0 : i32
    %parallel_loop3A_210 = arith.constant 32768 : i32
    %parallel_loop3A_211 = arith.constant 16 : i32
    scf.for %parallel_loop3A_258 = %parallel_loop3A_209 to %parallel_loop3A_210 step %parallel_loop3A_211  : i32 {
      %parallel_loop3A_259 = arith.index_cast %parallel_loop3A_258 : i32 to index
      %parallel_loop3A_260 = tpu.vector_load %arg5[%parallel_loop3A_259] {strides = array<i32>} : memref<32768xf32, #tpu.memory_space<vmem>>, vector<16xf32>,
      %parallel_loop3A_261 = vector.shape_cast %parallel_loop3A_260 : vector<16xf32> to vector<16xf32>
      %parallel_loop3A_262 = arith.index_cast %parallel_loop3A_258 : i32 to index
      %parallel_loop3A_263 = tpu.vector_load %arg6[%parallel_loop3A_262] {strides = array<i32>} : memref<32768xf32, #tpu.memory_space<vmem>>, vector<16xf32>,
      %parallel_loop3A_264 = vector.shape_cast %parallel_loop3A_263 : vector<16xf32> to vector<16xf32>
      %parallel_loop3A_265 = vector.shape_cast %parallel_loop3A_261 : vector<16xf32> to vector<16xf32>
      tpu.vector_store %arg6[%parallel_loop3A_262], %parallel_loop3A_265 {add = true, strides = array<i32>} : memref<32768xf32, #tpu.memory_space<vmem>>, vector<16xf32>,
    } {sc.loop_unroll_factor = 8 : i64, sc.parallel_access}
    "tpu.region"() ({
      %run_scoped3A = tpu.sem_alloc : memref<!tpu.dma_semaphore, #tpu.memory_space<semaphore_mem>>
      %dma_start3A = tpu.memref_slice %arg4[%mul3A_208] : memref<33554432xf32, #tpu.memory_space<hbm>> -> memref<32768xf32, #tpu.memory_space<hbm>>
      %dma_start3A_258 = tpu.memref_slice %arg4[%mul3A_208] : memref<33554432xf32, #tpu.memory_space<hbm>> -> memref<32768xf32, #tpu.memory_space<hbm>>
      tpu.enqueue_dma source(%arg6 : memref<32768xf32, #tpu.memory_space<vmem>>) target(%dma_start3A_258 : memref<32768xf32, #tpu.memory_space<hbm>>) target_semaphore(%run_scoped3A : memref<!tpu.dma_semaphore, #tpu.memory_space<semaphore_mem>>)
      %dma_wait3A = tpu.memref_slice %arg4[%mul3A_208] : memref<33554432xf32, #tpu.memory_space<hbm>> -> memref<32768xf32, #tpu.memory_space<hbm>>
      %dma_wait3A_259 = tpu.memref_slice %arg4[%mul3A_208] : memref<33554432xf32, #tpu.memory_space<hbm>> -> memref<32768xf32, #tpu.memory_space<hbm>>
      tpu.wait_dma2 semaphore(%run_scoped3A : memref<!tpu.dma_semaphore, #tpu.memory_space<semaphore_mem>>) src(%arg6 : memref<32768xf32, #tpu.memory_space<vmem>>) dst(%dma_wait3A_259 : memref<32768xf32, #tpu.memory_space<hbm>>)
      tpu.yield
    }) : () -> ()
    %add3A_212 = arith.constant 16384 : i32
    %add3A_213 = arith.addi %add3A_212, %add3A_195 : i32
    %mul3A_214 = arith.constant 1024 : i32
    %mul3A_215 = arith.muli %add3A_213, %mul3A_214 : i32
    "tpu.region"() ({
      %run_scoped3A = tpu.sem_alloc : memref<!tpu.dma_semaphore, #tpu.memory_space<semaphore_mem>>
      %dma_start3A = tpu.memref_slice %arg2[%mul3A_215] : memref<33554432xf32, #tpu.memory_space<hbm>> -> memref<32768xf32, #tpu.memory_space<hbm>>
      %dma_start3A_258 = tpu.memref_slice %arg2[%mul3A_215] : memref<33554432xf32, #tpu.memory_space<hbm>> -> memref<32768xf32, #tpu.memory_space<hbm>>
      tpu.enqueue_dma source(%dma_start3A_258 : memref<32768xf32, #tpu.memory_space<hbm>>) target(%arg6 : memref<32768xf32, #tpu.memory_space<vmem>>) target_semaphore(%run_scoped3A : memref<!tpu.dma_semaphore, #tpu.memory_space<semaphore_mem>>)
      %dma_wait3A = tpu.memref_slice %arg2[%mul3A_215] : memref<33554432xf32, #tpu.memory_space<hbm>> -> memref<32768xf32, #tpu.memory_space<hbm>>
      %dma_wait3A_259 = tpu.memref_slice %arg2[%mul3A_215] : memref<33554432xf32, #tpu.memory_space<hbm>> -> memref<32768xf32, #tpu.memory_space<hbm>>
      tpu.wait_dma2 semaphore(%run_scoped3A : memref<!tpu.dma_semaphore, #tpu.memory_space<semaphore_mem>>) src(%dma_wait3A_259 : memref<32768xf32, #tpu.memory_space<hbm>>) dst(%arg6 : memref<32768xf32, #tpu.memory_space<vmem>>)
      tpu.yield
    }) : () -> ()
    %parallel_loop3A_216 = arith.constant 0 : i32
    %parallel_loop3A_217 = arith.constant 32768 : i32
    %parallel_loop3A_218 = arith.constant 16 : i32
    scf.for %parallel_loop3A_258 = %parallel_loop3A_216 to %parallel_loop3A_217 step %parallel_loop3A_218  : i32 {
      %parallel_loop3A_259 = arith.index_cast %parallel_loop3A_258 : i32 to index
      %parallel_loop3A_260 = tpu.vector_load %arg5[%parallel_loop3A_259] {strides = array<i32>} : memref<32768xf32, #tpu.memory_space<vmem>>, vector<16xf32>,
      %parallel_loop3A_261 = vector.shape_cast %parallel_loop3A_260 : vector<16xf32> to vector<16xf32>
      %parallel_loop3A_262 = arith.index_cast %parallel_loop3A_258 : i32 to index
      %parallel_loop3A_263 = tpu.vector_load %arg6[%parallel_loop3A_262] {strides = array<i32>} : memref<32768xf32, #tpu.memory_space<vmem>>, vector<16xf32>,
      %parallel_loop3A_264 = vector.shape_cast %parallel_loop3A_263 : vector<16xf32> to vector<16xf32>
      %parallel_loop3A_265 = vector.shape_cast %parallel_loop3A_261 : vector<16xf32> to vector<16xf32>
      tpu.vector_store %arg6[%parallel_loop3A_262], %parallel_loop3A_265 {add = true, strides = array<i32>} : memref<32768xf32, #tpu.memory_space<vmem>>, vector<16xf32>,
    } {sc.loop_unroll_factor = 8 : i64, sc.parallel_access}
    "tpu.region"() ({
      %run_scoped3A = tpu.sem_alloc : memref<!tpu.dma_semaphore, #tpu.memory_space<semaphore_mem>>
      %dma_start3A = tpu.memref_slice %arg4[%mul3A_215] : memref<33554432xf32, #tpu.memory_space<hbm>> -> memref<32768xf32, #tpu.memory_space<hbm>>
      %dma_start3A_258 = tpu.memref_slice %arg4[%mul3A_215] : memref<33554432xf32, #tpu.memory_space<hbm>> -> memref<32768xf32, #tpu.memory_space<hbm>>
      tpu.enqueue_dma source(%arg6 : memref<32768xf32, #tpu.memory_space<vmem>>) target(%dma_start3A_258 : memref<32768xf32, #tpu.memory_space<hbm>>) target_semaphore(%run_scoped3A : memref<!tpu.dma_semaphore, #tpu.memory_space<semaphore_mem>>)
      %dma_wait3A = tpu.memref_slice %arg4[%mul3A_215] : memref<33554432xf32, #tpu.memory_space<hbm>> -> memref<32768xf32, #tpu.memory_space<hbm>>
      %dma_wait3A_259 = tpu.memref_slice %arg4[%mul3A_215] : memref<33554432xf32, #tpu.memory_space<hbm>> -> memref<32768xf32, #tpu.memory_space<hbm>>
      tpu.wait_dma2 semaphore(%run_scoped3A : memref<!tpu.dma_semaphore, #tpu.memory_space<semaphore_mem>>) src(%arg6 : memref<32768xf32, #tpu.memory_space<vmem>>) dst(%dma_wait3A_259 : memref<32768xf32, #tpu.memory_space<hbm>>)
      tpu.yield
    }) : () -> ()
    %add3A_219 = arith.constant 24576 : i32
    %add3A_220 = arith.addi %add3A_219, %add3A_195 : i32
    %mul3A_221 = arith.constant 1024 : i32
    %mul3A_222 = arith.muli %add3A_220, %mul3A_221 : i32
    "tpu.region"() ({
      %run_scoped3A = tpu.sem_alloc : memref<!tpu.dma_semaphore, #tpu.memory_space<semaphore_mem>>
      %dma_start3A = tpu.memref_slice %arg2[%mul3A_222] : memref<33554432xf32, #tpu.memory_space<hbm>> -> memref<32768xf32, #tpu.memory_space<hbm>>
      %dma_start3A_258 = tpu.memref_slice %arg2[%mul3A_222] : memref<33554432xf32, #tpu.memory_space<hbm>> -> memref<32768xf32, #tpu.memory_space<hbm>>
      tpu.enqueue_dma source(%dma_start3A_258 : memref<32768xf32, #tpu.memory_space<hbm>>) target(%arg6 : memref<32768xf32, #tpu.memory_space<vmem>>) target_semaphore(%run_scoped3A : memref<!tpu.dma_semaphore, #tpu.memory_space<semaphore_mem>>)
      %dma_wait3A = tpu.memref_slice %arg2[%mul3A_222] : memref<33554432xf32, #tpu.memory_space<hbm>> -> memref<32768xf32, #tpu.memory_space<hbm>>
      %dma_wait3A_259 = tpu.memref_slice %arg2[%mul3A_222] : memref<33554432xf32, #tpu.memory_space<hbm>> -> memref<32768xf32, #tpu.memory_space<hbm>>
      tpu.wait_dma2 semaphore(%run_scoped3A : memref<!tpu.dma_semaphore, #tpu.memory_space<semaphore_mem>>) src(%dma_wait3A_259 : memref<32768xf32, #tpu.memory_space<hbm>>) dst(%arg6 : memref<32768xf32, #tpu.memory_space<vmem>>)
      tpu.yield
    }) : () -> ()
    %parallel_loop3A_223 = arith.constant 0 : i32
    %parallel_loop3A_224 = arith.constant 32768 : i32
    %parallel_loop3A_225 = arith.constant 16 : i32
    scf.for %parallel_loop3A_258 = %parallel_loop3A_223 to %parallel_loop3A_224 step %parallel_loop3A_225  : i32 {
      %parallel_loop3A_259 = arith.index_cast %parallel_loop3A_258 : i32 to index
      %parallel_loop3A_260 = tpu.vector_load %arg5[%parallel_loop3A_259] {strides = array<i32>} : memref<32768xf32, #tpu.memory_space<vmem>>, vector<16xf32>,
      %parallel_loop3A_261 = vector.shape_cast %parallel_loop3A_260 : vector<16xf32> to vector<16xf32>
      %parallel_loop3A_262 = arith.index_cast %parallel_loop3A_258 : i32 to index
      %parallel_loop3A_263 = tpu.vector_load %arg6[%parallel_loop3A_262] {strides = array<i32>} : memref<32768xf32, #tpu.memory_space<vmem>>, vector<16xf32>,
      %parallel_loop3A_264 = vector.shape_cast %parallel_loop3A_263 : vector<16xf32> to vector<16xf32>
      %parallel_loop3A_265 = vector.shape_cast %parallel_loop3A_261 : vector<16xf32> to vector<16xf32>
      tpu.vector_store %arg6[%parallel_loop3A_262], %parallel_loop3A_265 {add = true, strides = array<i32>} : memref<32768xf32, #tpu.memory_space<vmem>>, vector<16xf32>,
    } {sc.loop_unroll_factor = 8 : i64, sc.parallel_access}
    "tpu.region"() ({
      %run_scoped3A = tpu.sem_alloc : memref<!tpu.dma_semaphore, #tpu.memory_space<semaphore_mem>>
      %dma_start3A = tpu.memref_slice %arg4[%mul3A_222] : memref<33554432xf32, #tpu.memory_space<hbm>> -> memref<32768xf32, #tpu.memory_space<hbm>>
      %dma_start3A_258 = tpu.memref_slice %arg4[%mul3A_222] : memref<33554432xf32, #tpu.memory_space<hbm>> -> memref<32768xf32, #tpu.memory_space<hbm>>
      tpu.enqueue_dma source(%arg6 : memref<32768xf32, #tpu.memory_space<vmem>>) target(%dma_start3A_258 : memref<32768xf32, #tpu.memory_space<hbm>>) target_semaphore(%run_scoped3A : memref<!tpu.dma_semaphore, #tpu.memory_space<semaphore_mem>>)
      %dma_wait3A = tpu.memref_slice %arg4[%mul3A_222] : memref<33554432xf32, #tpu.memory_space<hbm>> -> memref<32768xf32, #tpu.memory_space<hbm>>
      %dma_wait3A_259 = tpu.memref_slice %arg4[%mul3A_222] : memref<33554432xf32, #tpu.memory_space<hbm>> -> memref<32768xf32, #tpu.memory_space<hbm>>
      tpu.wait_dma2 semaphore(%run_scoped3A : memref<!tpu.dma_semaphore, #tpu.memory_space<semaphore_mem>>) src(%arg6 : memref<32768xf32, #tpu.memory_space<vmem>>) dst(%dma_wait3A_259 : memref<32768xf32, #tpu.memory_space<hbm>>)
      tpu.yield
    }) : () -> ()
    %add3A_226 = arith.constant 224 : i32
    %add3A_227 = arith.addi %mul3A_2, %add3A_226 : i32
    %mul3A_228 = arith.constant 1024 : i32
    %mul3A_229 = arith.muli %add3A_227, %mul3A_228 : i32
    "tpu.region"() ({
      %run_scoped3A = tpu.sem_alloc : memref<!tpu.dma_semaphore, #tpu.memory_space<semaphore_mem>>
      %dma_start3A = tpu.memref_slice %arg3[%mul3A_229] : memref<8388608xf32, #tpu.memory_space<hbm>> -> memref<32768xf32, #tpu.memory_space<hbm>>
      %dma_start3A_258 = tpu.memref_slice %arg3[%mul3A_229] : memref<8388608xf32, #tpu.memory_space<hbm>> -> memref<32768xf32, #tpu.memory_space<hbm>>
      tpu.enqueue_dma source(%dma_start3A_258 : memref<32768xf32, #tpu.memory_space<hbm>>) target(%arg5 : memref<32768xf32, #tpu.memory_space<vmem>>) target_semaphore(%run_scoped3A : memref<!tpu.dma_semaphore, #tpu.memory_space<semaphore_mem>>)
      %dma_wait3A = tpu.memref_slice %arg3[%mul3A_229] : memref<8388608xf32, #tpu.memory_space<hbm>> -> memref<32768xf32, #tpu.memory_space<hbm>>
      %dma_wait3A_259 = tpu.memref_slice %arg3[%mul3A_229] : memref<8388608xf32, #tpu.memory_space<hbm>> -> memref<32768xf32, #tpu.memory_space<hbm>>
      tpu.wait_dma2 semaphore(%run_scoped3A : memref<!tpu.dma_semaphore, #tpu.memory_space<semaphore_mem>>) src(%dma_wait3A_259 : memref<32768xf32, #tpu.memory_space<hbm>>) dst(%arg5 : memref<32768xf32, #tpu.memory_space<vmem>>)
      tpu.yield
    }) : () -> ()
    %add3A_230 = arith.constant 0 : i32
    %add3A_231 = arith.addi %add3A_230, %add3A_227 : i32
    %mul3A_232 = arith.constant 1024 : i32
    %mul3A_233 = arith.muli %add3A_231, %mul3A_232 : i32
    "tpu.region"() ({
      %run_scoped3A = tpu.sem_alloc : memref<!tpu.dma_semaphore, #tpu.memory_space<semaphore_mem>>
      %dma_start3A = tpu.memref_slice %arg2[%mul3A_233] : memref<33554432xf32, #tpu.memory_space<hbm>> -> memref<32768xf32, #tpu.memory_space<hbm>>
      %dma_start3A_258 = tpu.memref_slice %arg2[%mul3A_233] : memref<33554432xf32, #tpu.memory_space<hbm>> -> memref<32768xf32, #tpu.memory_space<hbm>>
      tpu.enqueue_dma source(%dma_start3A_258 : memref<32768xf32, #tpu.memory_space<hbm>>) target(%arg6 : memref<32768xf32, #tpu.memory_space<vmem>>) target_semaphore(%run_scoped3A : memref<!tpu.dma_semaphore, #tpu.memory_space<semaphore_mem>>)
      %dma_wait3A = tpu.memref_slice %arg2[%mul3A_233] : memref<33554432xf32, #tpu.memory_space<hbm>> -> memref<32768xf32, #tpu.memory_space<hbm>>
      %dma_wait3A_259 = tpu.memref_slice %arg2[%mul3A_233] : memref<33554432xf32, #tpu.memory_space<hbm>> -> memref<32768xf32, #tpu.memory_space<hbm>>
      tpu.wait_dma2 semaphore(%run_scoped3A : memref<!tpu.dma_semaphore, #tpu.memory_space<semaphore_mem>>) src(%dma_wait3A_259 : memref<32768xf32, #tpu.memory_space<hbm>>) dst(%arg6 : memref<32768xf32, #tpu.memory_space<vmem>>)
      tpu.yield
    }) : () -> ()
    %parallel_loop3A_234 = arith.constant 0 : i32
    %parallel_loop3A_235 = arith.constant 32768 : i32
    %parallel_loop3A_236 = arith.constant 16 : i32
    scf.for %parallel_loop3A_258 = %parallel_loop3A_234 to %parallel_loop3A_235 step %parallel_loop3A_236  : i32 {
      %parallel_loop3A_259 = arith.index_cast %parallel_loop3A_258 : i32 to index
      %parallel_loop3A_260 = tpu.vector_load %arg5[%parallel_loop3A_259] {strides = array<i32>} : memref<32768xf32, #tpu.memory_space<vmem>>, vector<16xf32>,
      %parallel_loop3A_261 = vector.shape_cast %parallel_loop3A_260 : vector<16xf32> to vector<16xf32>
      %parallel_loop3A_262 = arith.index_cast %parallel_loop3A_258 : i32 to index
      %parallel_loop3A_263 = tpu.vector_load %arg6[%parallel_loop3A_262] {strides = array<i32>} : memref<32768xf32, #tpu.memory_space<vmem>>, vector<16xf32>,
      %parallel_loop3A_264 = vector.shape_cast %parallel_loop3A_263 : vector<16xf32> to vector<16xf32>
      %parallel_loop3A_265 = vector.shape_cast %parallel_loop3A_261 : vector<16xf32> to vector<16xf32>
      tpu.vector_store %arg6[%parallel_loop3A_262], %parallel_loop3A_265 {add = true, strides = array<i32>} : memref<32768xf32, #tpu.memory_space<vmem>>, vector<16xf32>,
    } {sc.loop_unroll_factor = 8 : i64, sc.parallel_access}
    "tpu.region"() ({
      %run_scoped3A = tpu.sem_alloc : memref<!tpu.dma_semaphore, #tpu.memory_space<semaphore_mem>>
      %dma_start3A = tpu.memref_slice %arg4[%mul3A_233] : memref<33554432xf32, #tpu.memory_space<hbm>> -> memref<32768xf32, #tpu.memory_space<hbm>>
      %dma_start3A_258 = tpu.memref_slice %arg4[%mul3A_233] : memref<33554432xf32, #tpu.memory_space<hbm>> -> memref<32768xf32, #tpu.memory_space<hbm>>
      tpu.enqueue_dma source(%arg6 : memref<32768xf32, #tpu.memory_space<vmem>>) target(%dma_start3A_258 : memref<32768xf32, #tpu.memory_space<hbm>>) target_semaphore(%run_scoped3A : memref<!tpu.dma_semaphore, #tpu.memory_space<semaphore_mem>>)
      %dma_wait3A = tpu.memref_slice %arg4[%mul3A_233] : memref<33554432xf32, #tpu.memory_space<hbm>> -> memref<32768xf32, #tpu.memory_space<hbm>>
      %dma_wait3A_259 = tpu.memref_slice %arg4[%mul3A_233] : memref<33554432xf32, #tpu.memory_space<hbm>> -> memref<32768xf32, #tpu.memory_space<hbm>>
      tpu.wait_dma2 semaphore(%run_scoped3A : memref<!tpu.dma_semaphore, #tpu.memory_space<semaphore_mem>>) src(%arg6 : memref<32768xf32, #tpu.memory_space<vmem>>) dst(%dma_wait3A_259 : memref<32768xf32, #tpu.memory_space<hbm>>)
      tpu.yield
    }) : () -> ()
    %add3A_237 = arith.constant 8192 : i32
    %add3A_238 = arith.addi %add3A_237, %add3A_227 : i32
    %mul3A_239 = arith.constant 1024 : i32
    %mul3A_240 = arith.muli %add3A_238, %mul3A_239 : i32
    "tpu.region"() ({
      %run_scoped3A = tpu.sem_alloc : memref<!tpu.dma_semaphore, #tpu.memory_space<semaphore_mem>>
      %dma_start3A = tpu.memref_slice %arg2[%mul3A_240] : memref<33554432xf32, #tpu.memory_space<hbm>> -> memref<32768xf32, #tpu.memory_space<hbm>>
      %dma_start3A_258 = tpu.memref_slice %arg2[%mul3A_240] : memref<33554432xf32, #tpu.memory_space<hbm>> -> memref<32768xf32, #tpu.memory_space<hbm>>
      tpu.enqueue_dma source(%dma_start3A_258 : memref<32768xf32, #tpu.memory_space<hbm>>) target(%arg6 : memref<32768xf32, #tpu.memory_space<vmem>>) target_semaphore(%run_scoped3A : memref<!tpu.dma_semaphore, #tpu.memory_space<semaphore_mem>>)
      %dma_wait3A = tpu.memref_slice %arg2[%mul3A_240] : memref<33554432xf32, #tpu.memory_space<hbm>> -> memref<32768xf32, #tpu.memory_space<hbm>>
      %dma_wait3A_259 = tpu.memref_slice %arg2[%mul3A_240] : memref<33554432xf32, #tpu.memory_space<hbm>> -> memref<32768xf32, #tpu.memory_space<hbm>>
      tpu.wait_dma2 semaphore(%run_scoped3A : memref<!tpu.dma_semaphore, #tpu.memory_space<semaphore_mem>>) src(%dma_wait3A_259 : memref<32768xf32, #tpu.memory_space<hbm>>) dst(%arg6 : memref<32768xf32, #tpu.memory_space<vmem>>)
      tpu.yield
    }) : () -> ()
    %parallel_loop3A_241 = arith.constant 0 : i32
    %parallel_loop3A_242 = arith.constant 32768 : i32
    %parallel_loop3A_243 = arith.constant 16 : i32
    scf.for %parallel_loop3A_258 = %parallel_loop3A_241 to %parallel_loop3A_242 step %parallel_loop3A_243  : i32 {
      %parallel_loop3A_259 = arith.index_cast %parallel_loop3A_258 : i32 to index
      %parallel_loop3A_260 = tpu.vector_load %arg5[%parallel_loop3A_259] {strides = array<i32>} : memref<32768xf32, #tpu.memory_space<vmem>>, vector<16xf32>,
      %parallel_loop3A_261 = vector.shape_cast %parallel_loop3A_260 : vector<16xf32> to vector<16xf32>
      %parallel_loop3A_262 = arith.index_cast %parallel_loop3A_258 : i32 to index
      %parallel_loop3A_263 = tpu.vector_load %arg6[%parallel_loop3A_262] {strides = array<i32>} : memref<32768xf32, #tpu.memory_space<vmem>>, vector<16xf32>,
      %parallel_loop3A_264 = vector.shape_cast %parallel_loop3A_263 : vector<16xf32> to vector<16xf32>
      %parallel_loop3A_265 = vector.shape_cast %parallel_loop3A_261 : vector<16xf32> to vector<16xf32>
      tpu.vector_store %arg6[%parallel_loop3A_262], %parallel_loop3A_265 {add = true, strides = array<i32>} : memref<32768xf32, #tpu.memory_space<vmem>>, vector<16xf32>,
    } {sc.loop_unroll_factor = 8 : i64, sc.parallel_access}
    "tpu.region"() ({
      %run_scoped3A = tpu.sem_alloc : memref<!tpu.dma_semaphore, #tpu.memory_space<semaphore_mem>>
      %dma_start3A = tpu.memref_slice %arg4[%mul3A_240] : memref<33554432xf32, #tpu.memory_space<hbm>> -> memref<32768xf32, #tpu.memory_space<hbm>>
      %dma_start3A_258 = tpu.memref_slice %arg4[%mul3A_240] : memref<33554432xf32, #tpu.memory_space<hbm>> -> memref<32768xf32, #tpu.memory_space<hbm>>
      tpu.enqueue_dma source(%arg6 : memref<32768xf32, #tpu.memory_space<vmem>>) target(%dma_start3A_258 : memref<32768xf32, #tpu.memory_space<hbm>>) target_semaphore(%run_scoped3A : memref<!tpu.dma_semaphore, #tpu.memory_space<semaphore_mem>>)
      %dma_wait3A = tpu.memref_slice %arg4[%mul3A_240] : memref<33554432xf32, #tpu.memory_space<hbm>> -> memref<32768xf32, #tpu.memory_space<hbm>>
      %dma_wait3A_259 = tpu.memref_slice %arg4[%mul3A_240] : memref<33554432xf32, #tpu.memory_space<hbm>> -> memref<32768xf32, #tpu.memory_space<hbm>>
      tpu.wait_dma2 semaphore(%run_scoped3A : memref<!tpu.dma_semaphore, #tpu.memory_space<semaphore_mem>>) src(%arg6 : memref<32768xf32, #tpu.memory_space<vmem>>) dst(%dma_wait3A_259 : memref<32768xf32, #tpu.memory_space<hbm>>)
      tpu.yield
    }) : () -> ()
    %add3A_244 = arith.constant 16384 : i32
    %add3A_245 = arith.addi %add3A_244, %add3A_227 : i32
    %mul3A_246 = arith.constant 1024 : i32
    %mul3A_247 = arith.muli %add3A_245, %mul3A_246 : i32
    "tpu.region"() ({
      %run_scoped3A = tpu.sem_alloc : memref<!tpu.dma_semaphore, #tpu.memory_space<semaphore_mem>>
      %dma_start3A = tpu.memref_slice %arg2[%mul3A_247] : memref<33554432xf32, #tpu.memory_space<hbm>> -> memref<32768xf32, #tpu.memory_space<hbm>>
      %dma_start3A_258 = tpu.memref_slice %arg2[%mul3A_247] : memref<33554432xf32, #tpu.memory_space<hbm>> -> memref<32768xf32, #tpu.memory_space<hbm>>
      tpu.enqueue_dma source(%dma_start3A_258 : memref<32768xf32, #tpu.memory_space<hbm>>) target(%arg6 : memref<32768xf32, #tpu.memory_space<vmem>>) target_semaphore(%run_scoped3A : memref<!tpu.dma_semaphore, #tpu.memory_space<semaphore_mem>>)
      %dma_wait3A = tpu.memref_slice %arg2[%mul3A_247] : memref<33554432xf32, #tpu.memory_space<hbm>> -> memref<32768xf32, #tpu.memory_space<hbm>>
      %dma_wait3A_259 = tpu.memref_slice %arg2[%mul3A_247] : memref<33554432xf32, #tpu.memory_space<hbm>> -> memref<32768xf32, #tpu.memory_space<hbm>>
      tpu.wait_dma2 semaphore(%run_scoped3A : memref<!tpu.dma_semaphore, #tpu.memory_space<semaphore_mem>>) src(%dma_wait3A_259 : memref<32768xf32, #tpu.memory_space<hbm>>) dst(%arg6 : memref<32768xf32, #tpu.memory_space<vmem>>)
      tpu.yield
    }) : () -> ()
    %parallel_loop3A_248 = arith.constant 0 : i32
    %parallel_loop3A_249 = arith.constant 32768 : i32
    %parallel_loop3A_250 = arith.constant 16 : i32
    scf.for %parallel_loop3A_258 = %parallel_loop3A_248 to %parallel_loop3A_249 step %parallel_loop3A_250  : i32 {
      %parallel_loop3A_259 = arith.index_cast %parallel_loop3A_258 : i32 to index
      %parallel_loop3A_260 = tpu.vector_load %arg5[%parallel_loop3A_259] {strides = array<i32>} : memref<32768xf32, #tpu.memory_space<vmem>>, vector<16xf32>,
      %parallel_loop3A_261 = vector.shape_cast %parallel_loop3A_260 : vector<16xf32> to vector<16xf32>
      %parallel_loop3A_262 = arith.index_cast %parallel_loop3A_258 : i32 to index
      %parallel_loop3A_263 = tpu.vector_load %arg6[%parallel_loop3A_262] {strides = array<i32>} : memref<32768xf32, #tpu.memory_space<vmem>>, vector<16xf32>,
      %parallel_loop3A_264 = vector.shape_cast %parallel_loop3A_263 : vector<16xf32> to vector<16xf32>
      %parallel_loop3A_265 = vector.shape_cast %parallel_loop3A_261 : vector<16xf32> to vector<16xf32>
      tpu.vector_store %arg6[%parallel_loop3A_262], %parallel_loop3A_265 {add = true, strides = array<i32>} : memref<32768xf32, #tpu.memory_space<vmem>>, vector<16xf32>,
    } {sc.loop_unroll_factor = 8 : i64, sc.parallel_access}
    "tpu.region"() ({
      %run_scoped3A = tpu.sem_alloc : memref<!tpu.dma_semaphore, #tpu.memory_space<semaphore_mem>>
      %dma_start3A = tpu.memref_slice %arg4[%mul3A_247] : memref<33554432xf32, #tpu.memory_space<hbm>> -> memref<32768xf32, #tpu.memory_space<hbm>>
      %dma_start3A_258 = tpu.memref_slice %arg4[%mul3A_247] : memref<33554432xf32, #tpu.memory_space<hbm>> -> memref<32768xf32, #tpu.memory_space<hbm>>
      tpu.enqueue_dma source(%arg6 : memref<32768xf32, #tpu.memory_space<vmem>>) target(%dma_start3A_258 : memref<32768xf32, #tpu.memory_space<hbm>>) target_semaphore(%run_scoped3A : memref<!tpu.dma_semaphore, #tpu.memory_space<semaphore_mem>>)
      %dma_wait3A = tpu.memref_slice %arg4[%mul3A_247] : memref<33554432xf32, #tpu.memory_space<hbm>> -> memref<32768xf32, #tpu.memory_space<hbm>>
      %dma_wait3A_259 = tpu.memref_slice %arg4[%mul3A_247] : memref<33554432xf32, #tpu.memory_space<hbm>> -> memref<32768xf32, #tpu.memory_space<hbm>>
      tpu.wait_dma2 semaphore(%run_scoped3A : memref<!tpu.dma_semaphore, #tpu.memory_space<semaphore_mem>>) src(%arg6 : memref<32768xf32, #tpu.memory_space<vmem>>) dst(%dma_wait3A_259 : memref<32768xf32, #tpu.memory_space<hbm>>)
      tpu.yield
    }) : () -> ()
    %add3A_251 = arith.constant 24576 : i32
    %add3A_252 = arith.addi %add3A_251, %add3A_227 : i32
    %mul3A_253 = arith.constant 1024 : i32
    %mul3A_254 = arith.muli %add3A_252, %mul3A_253 : i32
    "tpu.region"() ({
      %run_scoped3A = tpu.sem_alloc : memref<!tpu.dma_semaphore, #tpu.memory_space<semaphore_mem>>
      %dma_start3A = tpu.memref_slice %arg2[%mul3A_254] : memref<33554432xf32, #tpu.memory_space<hbm>> -> memref<32768xf32, #tpu.memory_space<hbm>>
      %dma_start3A_258 = tpu.memref_slice %arg2[%mul3A_254] : memref<33554432xf32, #tpu.memory_space<hbm>> -> memref<32768xf32, #tpu.memory_space<hbm>>
      tpu.enqueue_dma source(%dma_start3A_258 : memref<32768xf32, #tpu.memory_space<hbm>>) target(%arg6 : memref<32768xf32, #tpu.memory_space<vmem>>) target_semaphore(%run_scoped3A : memref<!tpu.dma_semaphore, #tpu.memory_space<semaphore_mem>>)
      %dma_wait3A = tpu.memref_slice %arg2[%mul3A_254] : memref<33554432xf32, #tpu.memory_space<hbm>> -> memref<32768xf32, #tpu.memory_space<hbm>>
      %dma_wait3A_259 = tpu.memref_slice %arg2[%mul3A_254] : memref<33554432xf32, #tpu.memory_space<hbm>> -> memref<32768xf32, #tpu.memory_space<hbm>>
      tpu.wait_dma2 semaphore(%run_scoped3A : memref<!tpu.dma_semaphore, #tpu.memory_space<semaphore_mem>>) src(%dma_wait3A_259 : memref<32768xf32, #tpu.memory_space<hbm>>) dst(%arg6 : memref<32768xf32, #tpu.memory_space<vmem>>)
      tpu.yield
    }) : () -> ()
    %parallel_loop3A_255 = arith.constant 0 : i32
    %parallel_loop3A_256 = arith.constant 32768 : i32
    %parallel_loop3A_257 = arith.constant 16 : i32
    scf.for %parallel_loop3A_258 = %parallel_loop3A_255 to %parallel_loop3A_256 step %parallel_loop3A_257  : i32 {
      %parallel_loop3A_259 = arith.index_cast %parallel_loop3A_258 : i32 to index
      %parallel_loop3A_260 = tpu.vector_load %arg5[%parallel_loop3A_259] {strides = array<i32>} : memref<32768xf32, #tpu.memory_space<vmem>>, vector<16xf32>,
      %parallel_loop3A_261 = vector.shape_cast %parallel_loop3A_260 : vector<16xf32> to vector<16xf32>
      %parallel_loop3A_262 = arith.index_cast %parallel_loop3A_258 : i32 to index
      %parallel_loop3A_263 = tpu.vector_load %arg6[%parallel_loop3A_262] {strides = array<i32>} : memref<32768xf32, #tpu.memory_space<vmem>>, vector<16xf32>,
      %parallel_loop3A_264 = vector.shape_cast %parallel_loop3A_263 : vector<16xf32> to vector<16xf32>
      %parallel_loop3A_265 = vector.shape_cast %parallel_loop3A_261 : vector<16xf32> to vector<16xf32>
      tpu.vector_store %arg6[%parallel_loop3A_262], %parallel_loop3A_265 {add = true, strides = array<i32>} : memref<32768xf32, #tpu.memory_space<vmem>>, vector<16xf32>,
    } {sc.loop_unroll_factor = 8 : i64, sc.parallel_access}
    "tpu.region"() ({
      %run_scoped3A = tpu.sem_alloc : memref<!tpu.dma_semaphore, #tpu.memory_space<semaphore_mem>>
      %dma_start3A = tpu.memref_slice %arg4[%mul3A_254] : memref<33554432xf32, #tpu.memory_space<hbm>> -> memref<32768xf32, #tpu.memory_space<hbm>>
      %dma_start3A_258 = tpu.memref_slice %arg4[%mul3A_254] : memref<33554432xf32, #tpu.memory_space<hbm>> -> memref<32768xf32, #tpu.memory_space<hbm>>
      tpu.enqueue_dma source(%arg6 : memref<32768xf32, #tpu.memory_space<vmem>>) target(%dma_start3A_258 : memref<32768xf32, #tpu.memory_space<hbm>>) target_semaphore(%run_scoped3A : memref<!tpu.dma_semaphore, #tpu.memory_space<semaphore_mem>>)
      %dma_wait3A = tpu.memref_slice %arg4[%mul3A_254] : memref<33554432xf32, #tpu.memory_space<hbm>> -> memref<32768xf32, #tpu.memory_space<hbm>>
      %dma_wait3A_259 = tpu.memref_slice %arg4[%mul3A_254] : memref<33554432xf32, #tpu.memory_space<hbm>> -> memref<32768xf32, #tpu.memory_space<hbm>>
      tpu.wait_dma2 semaphore(%run_scoped3A : memref<!tpu.dma_semaphore, #tpu.memory_space<semaphore_mem>>) src(%arg6 : memref<32768xf32, #tpu.memory_space<vmem>>) dst(%dma_wait3A_259 : memref<32768xf32, #tpu.memory_space<hbm>>)
      tpu.yield
    }) : () -> ()
    return
  }
}

</mosaic_0001>

<sc_bundles>
// kernel: _kernel_sc.3.cloned.1.call-start
scs
__scs_entry_jumppad:
0x0: {  	(pc) =	sbr.rel $0x88, $3  }
0x1: {  	(tag) =	ssettag $0x0;
	lr =	simm.s32 $0x1  }
0x2: {  	[smem:$0x3F9F] =	sst lr;
	_ =	strace $0xD0000000  }
0x3: {  	_ = 	snop  }
0x4: {  	_ = 	snop  }
0x5: {  	_ = 	snop  }
0x6: {  	_ = 	snop  }
0x7: {  	_ = 	snop  }
__scs_overlays_trampoline_lowered:
0x8: {  	[smem:$0x3FAE] =	sst s0  }
0x9: {  	[smem:$0x3FAF] =	sst s1  }
0xa: {  	[smem:$0x3FB0] =	sst s2  }
0xb: {  	[smem:$0x3FB1] =	sst s3  }
0xc: {  	[smem:$0x3FB2] =	sst s4  }
0xd: {  	[smem:$0x3FB3] =	sst s5  }
0xe: {  	[smem:$0x3FB4] =	sst s6  }
0xf: {  	[smem:$0x3FB5] =	sst s7  }
0x10: {  	[smem:$0x3FB6] =	sst s8  }
0x11: {  	[smem:$0x3FB7] =	sst s9;
	s0 =	simm.s32 @!p0 $0x0  }
0x12: {  	s1 =	sld [smem:$0x3F9D];
	s0 =	simm.s32 @p0 $0x1  }
0x13: {  	[smem:$0x3FB8] =	sst s0;
	s0 =	simm.s32 @!p1 $0x0  }
0x14: {  	s2 =	sld [smem:$0x3F9C];
	s0 =	simm.s32 @p1 $0x1  }
0x15: {  	[smem:$0x3FB9] =	sst s0;
	s0 =	simm.s32 @!p2 $0x0  }
0x16: {  	s3 =	sld [smem:$0x3FDB];
	s0 =	simm.s32 @p2 $0x1  }
0x17: {  	s4 =	simm.s32 $0x1BF5;
	[smem:$0x3FBB] =	sst s0  }
0x18: {  	s0 =	sld [smem:$0x3F9E];
	_ =	swait.ge [sflag:s4], $0x0  }
0x19: {  	s7 =	sld [smem:$0x3F9F]  }
0x1a: {  	s8 =	sadd.s32 $0xFFFFE003, lr  }
0x1b: {  	s9 =	sadd.s32 $0xFFFFFEF7, lr;
	s5 =	simm.s32 $0xFFFFFFFF;
	p2 =	slt.u32 s8, $0xFFFFF086  }
0x1c: {  	p1 =	slt.u32 s9, $0xF7A;
	s5 =	simm.s32 @!p2 $0x0  }
0x1d: {  	s5 =	simm.s32 @p1 $0x1;
	p0 =	seq.s32 s7, s2  }
0x1e: {  	s7 =	smul.u32 @!p0 $0xF7A, s2;
	p2 =	seq.s32 @!p0 s5, $0x0  }
0x1f: {  	s9 =	smul.u32 $0xF7A, s1;
	s8 =	simm.s32 @!p0 $0x1BF5;
	p2 =	por !p2, p0  }
0x20: {  	[sflag:s8] =	ssyncset.s32 @!p0 $0xFFFFF086;
	s6 =	sadd.s32 @!p0 s3, s7;
	s7 =	simm.s32 @!p0 $0x108  }
0x21: {  	s3 =	sadd.s32 s3, s9;
	s6 =	sadd.s32 @!p0 $0x88, s6;
	s7 =	simm.s32 @p2 $0x1082  }
0x22: {  	[simem:s7], [sflag:s8] =	dma.local @!p0 [hbm:s6], $0xF7A  }
0x23: {  	s9 =	sor.u32 $0xD0000000, s2;
	s6 =	simm.s32 $0x108;
	_ =	swait.ge @!p0 [sflag:s8], $0x0  }
0x24: {  	s3 =	sadd.s32 $0x88, s3;
	s6 =	simm.s32 @!p1 $0x1082;
	[sflag:s4] =	ssyncset.s32 $0xFFFFF086  }
0x25: {  	[simem:s6], [sflag:s4] =	dma.local [hbm:s3], $0xF7A  }
0x26: {  	[smem:$0x3F9F] =	sst s1;
	(tag) =	ssettag s2;
	_ =	strace s9  }
0x27: {  	s1 =	sld [smem:$0x3FAF]  }
0x28: {  	s2 =	sld [smem:$0x3FB0]  }
0x29: {  	s4 =	sld [smem:$0x3FB2]  }
0x2a: {  	p0 =	seq.s32 s5, $0x0;
	s5 =	sld [smem:$0x3FB3]  }
0x2b: {  	s6 =	sld [smem:$0x3FB4]  }
0x2c: {  	s7 =	sld [smem:$0x3FB5]  }
0x2d: {  	s3 =	simm.s32 $0x108;
	s8 =	sld [smem:$0x3FB6]  }
0x2e: {  	s3 =	simm.s32 @!p0 $0x1082;
	s9 =	sld [smem:$0x3FB7]  }
0x2f: {  	lr =	sadd.s32 s0, s3;
	s0 =	sld [smem:$0x3FAE]  }
0x30: {  	s3 =	sld [smem:$0x3FB1]  }
0x31: {  	[smem:$0x3FBA] =	sst s10  }
0x32: {  	s10 =	sld [smem:$0x3FB8];
	_ =	sdelay $0x3  }
0x33: {  	p0 =	seq.s32 s10, $0x1;
	s10 =	sld [smem:$0x3FBA];
	_ =	sdelay $0x3  }
0x34: {  	[smem:$0x3FBA] =	sst s10  }
0x35: {  	s10 =	sld [smem:$0x3FB9];
	_ =	sdelay $0x3  }
0x36: {  	p1 =	seq.s32 s10, $0x1;
	s10 =	sld [smem:$0x3FBA];
	_ =	sdelay $0x3  }
0x37: {  	[smem:$0x3FBA] =	sst s10  }
0x38: {  	s10 =	sld [smem:$0x3FBB]  }
0x39: {  	_ = 	snop;
	(pc) =	sbr.ind lr, $3  }
0x3a: {  	_ = 	snop  }
0x3b: {  	_ = 	snop  }
0x3c: {  	p2 =	seq.s32 s10, $0x1;
	s10 =	sld [smem:$0x3FBA]  }
0x3d: {  	_ =	shalt  }
0x3e: {  	_ =	shalt  }
0x3f: {  	_ =	shalt  }
0x40: {  	_ =	shalt  }
0x41: {  	_ =	shalt  }
0x42: {  	_ =	shalt  }
0x43: {  	_ =	shalt  }
0x44: {  	_ =	shalt  }
0x45: {  	_ =	shalt  }
0x46: {  	_ =	shalt  }
0x47: {  	_ =	shalt  }
0x48: {  	_ =	shalt  }
0x49: {  	_ =	shalt  }
0x4a: {  	_ =	shalt  }
0x4b: {  	_ =	shalt  }
0x4c: {  	_ =	shalt  }
0x4d: {  	_ =	shalt  }
0x4e: {  	_ =	shalt  }
0x4f: {  	_ =	shalt  }
0x50: {  	_ =	shalt  }
0x51: {  	_ =	shalt  }
0x52: {  	_ =	shalt  }
0x53: {  	_ =	shalt  }
0x54: {  	_ =	shalt  }
0x55: {  	_ =	shalt  }
0x56: {  	_ =	shalt  }
0x57: {  	_ =	shalt  }
0x58: {  	_ =	shalt  }
0x59: {  	_ =	shalt  }
0x5a: {  	_ =	shalt  }
0x5b: {  	_ =	shalt  }
0x5c: {  	_ =	shalt  }
0x5d: {  	_ =	shalt  }
0x5e: {  	_ =	shalt  }
0x5f: {  	_ =	shalt  }
0x60: {  	_ =	shalt  }
0x61: {  	_ =	shalt  }
0x62: {  	_ =	shalt  }
0x63: {  	_ =	shalt  }
0x64: {  	_ =	shalt  }
0x65: {  	_ =	shalt  }
0x66: {  	_ =	shalt  }
0x67: {  	_ =	shalt  }
0x68: {  	_ =	shalt  }
0x69: {  	_ =	shalt  }
0x6a: {  	_ =	shalt  }
0x6b: {  	_ =	shalt  }
0x6c: {  	_ =	shalt  }
0x6d: {  	_ =	shalt  }
0x6e: {  	_ =	shalt  }
0x6f: {  	_ =	shalt  }
0x70: {  	_ =	shalt  }
0x71: {  	_ =	shalt  }
0x72: {  	_ =	shalt  }
0x73: {  	_ =	shalt  }
0x74: {  	_ =	shalt  }
0x75: {  	_ =	shalt  }
0x76: {  	_ =	shalt  }
0x77: {  	_ =	shalt  }
0x78: {  	_ =	shalt  }
0x79: {  	_ =	shalt  }
0x7a: {  	_ =	shalt  }
0x7b: {  	_ =	shalt  }
0x7c: {  	_ =	shalt  }
0x7d: {  	_ =	shalt  }
0x7e: {  	_ =	shalt  }
0x7f: {  	_ =	shalt  }
0x80: {  	_ =	shalt  }
0x81: {  	_ =	shalt  }
0x82: {  	_ =	shalt  }
0x83: {  	_ =	shalt  }
0x84: {  	_ =	shalt  }
0x85: {  	_ =	shalt  }
0x86: {  	_ =	shalt  }
0x87: {  	_ =	shalt  }
.Lfunc_end0:
.L_simem_size_0:
called_computation.2_lowered:
.L_overlay_start_0:
0x88: {  	s2 =	sld [smem:$0x3FD9]  }
0x89: {  	s3 =	sld [smem:$0x3FFE];
	_ =	sdelay $0x1  }
0x8a: {  	s1 =	srdreg.scid  }
0x8b: {  	s0 =	sand.u32 $0x1, s1  }
0x8c: {  	s17 =	sshll.u32 s0, $0xA;
	s2 =	sadd.s32 s3, s2  }
0x8d: {  	s2 =	sadd.s32 s2, s17  }
0x8e: {  	[smem:$0x3FC6] =	sst s2  }
0x8f: {  	_ = 	snop  }
0x90: {  	s2 =	sld [smem:$0x3FD0];
	(tm) =	ssettm $0x1  }
0x91: {  	s18 =	sld [smem:$0x3FFB];
	_ =	sdelay $0x3  }
0x92: {  	_ =	strace s18  }
0x93: {  	s3 =	sld [smem:$0x3FFC];
	_ =	sdelay $0x3  }
0x94: {  	_ =	strace s3  }
0x95: {  	s3 =	sld [smem:$0x3FFD];
	_ =	sdelay $0x3  }
0x96: {  	_ =	strace s3  }
0x97: {  	_ =	strace $0x8FFFFFFF  }
0x98: {  	s19 =	sld [smem:$0x3FDB];
	_ =	sdelay $0x1  }
0x99: {  	s4 =	simm.s32 $_scs_section_size  }
0x9a: {  	s5 =	simm.s32 $_size__tile_overlayer_lowered;
	s6 =	simm.s32 $_tile_overlayer_lowered  }
0x9b: {  	s22 =	simm.s32 $0x1BFF;
	s21 =	sshll.u32 s6, $0x1;
	s3 =	sadd.s32 s4, s19  }
0x9c: {  	s7 =	simm.s32 $0x0;
	s20 =	sshll.u32 s5, $0x1;
	s5 =	sadd.s32 s21, s3  }
0x9d: {  	[timem:s7], [sflag:s22] =	dma.local [hbm:s5], s20  }
0x9e: {  	_ =	swait.ge [sflag:s22], s20  }
0x9f: {  	s4 =	ssub.s32 $0x0, s20;
	[sflag:s22] =	ssyncset.done $0x0  }
0xa0: {  	[sflag:s22] =	ssyncadd.s32 s4;
	_ =	sdelay $0x1  }
0xa1: {  	s23 =	simm.s32 $0x1B8B  }
0xa2: {  	_ =	swait.ge [sflag:s23], $0x1  }
0xa3: {  	[sflag:s23] =	ssyncset.done $0x0  }
0xa4: {  	s25 =	simm.s32 $0x1B8E;
	s24 =	sld [smem:$0x3FFE];
	[sflag:s23] =	ssyncadd.s32 $0xFFFFFFFF  }
0xa5: {  	s26 =	simm.s32 $execute0_lowered;
	[smem:$0x3FD2] =	sst s25  }
0xa6: {  	s5 =	sshll.u32 s26, $0x1;
	_ =	strace $0x8000004C;
	[dreg:$0x1] =	wrdreg $0xFFFFFFFF  }
0xa7: {  	s28 =	simm.s32 $_size_execute0_lowered;
	s3 =	sadd.s32 s3, s5;
	[dreg:$0x0] =	wrdreg $0x0  }
0xa8: {  	s5 =	sshll.u32 s28, $0x1;
	[dreg:$0x2] =	wrdreg s3  }
0xa9: {  	[dreg:$0x3] =	wrdreg s5  }
0xaa: {  	[dreg:$0x4] =	wrdreg $0xC0  }
0xab: {  	_ =	task [dreg:s7], $0x5FFFF  }
0xac: {  	[dreg:$0x1] =	wrdreg $0xFFFFFFFF  }
0xad: {  	[dreg:$0x0] =	wrdreg $0x60  }
0xae: {  	[dreg:$0x2] =	wrdreg s2  }
0xaf: {  	[dreg:$0x3] =	wrdreg s24  }
0xb0: {  	[dreg:$0x4] =	wrdreg $0x9  }
0xb1: {  	_ =	task.clear_ibuf [dreg:s7], $0x5FFFF;
	_ =	strace $0x9000004C  }
0xb2: {  	s29 =	simm.s32 $0x9;
	_ =	strace $0x8000004E  }
0xb3: {  	_ =	swait.ge [sflag:s29], $0x1  }
0xb4: {  	[sflag:s29] =	ssyncadd.s32 $0xFFFFFFFF  }
0xb5: {  	_ =	strace $0x9000004E  }
0xb6: {  	_ =	sfence  }
0xb7: {  	s30 =	sld [smem:$0x0];
	_ =	sdelay $0x2  }
0xb8: {  	s31 =	sshll.u32 s1, $0xD;
	s1 =	sshrl.u32 s1, $0x2  }
0xb9: {  	s3 =	sand.u32 $0x4000, s31;
	s1 =	sadd.s32 s1, s30  }
0xba: {  	s0 =	sor.u32 s3, s0;
	s1 =	sshll.u32 s1, $0x11  }
0xbb: {  	s0 =	sor.u32 s1, s0  }
0xbc: {  	s0 =	sadd.s32 $0x8F2B, s0  }
0xbd: {  	[sflag:s0] =	ssyncadd.remote.s32 $0x1  }
0xbe: {  	_ =	sfence.sel $0xFFFF  }
0xbf: {  	[dreg:$0x0] =	wrdreg $0xFFFFFFFF;
	(pc) =	sbr.abs _section_cstart, $3  }
0xc0: {  	[dreg:$0x1] =	wrdreg $0xFFFFFFFF  }
0xc1: {  	_ =	task.clear_ibuf [dreg:s7], $0x2FFFF;
	_ =	strace $0x9FFFFFFF  }
0xc2: {  	(tm) =	ssettm $0x7FFFFFFF  }
0xc3: {  	_ =	shalt  }
tec
execute0_lowered:
.L_overlay_start_1:
0x0: {  	(tag) =	ssettag $0x1  }
0x1: {  	s2 =	srdreg.scid  }
0x2: {  	s12 =	rddreg [dreg:$0x0];
	s3 =	stileid.u32;
	s2 =	sand.u32 $0x1, s2  }
0x3: {  	s5 =	sshll.u32 s3, $0x10;
	s4 =	ssub.s32 $0x2, s2;
	s2 =	sshll.u32 s2, $0xF  }
0x4: {  	s0 =	rddreg [dreg:$0x1];
	s1 =	simm.s32 $0x0;
	s10 =	sor.u32 s2, s5  }
0x5: {  	[smem:$0x7FF] =	sst s1;
	s3 =	sadd.s32 $0xC00, s0;
	s20 =	sor.u32 $0x100000, s10  }
0x6: {  	s13 =	sadd.s32 $0x100C00, s0;
	s6 =	sshrl.u32 s4, $0x1;
	s21 =	sadd.s32 s12, s20  }
0x7: {  	s22 =	sor.u32 $0x200000, s10;
	s0 =	sadd.s32 s13, s20;
	[dreg:$0x3] =	wrdreg s21  }
0x8: {  	s24 =	sor.u32 $0x300000, s10;
	s23 =	sadd.s32 s12, s22;
	[dreg:$0x4] =	wrdreg s0  }
0x9: {  	s26 =	sor.u32 $0x1000, s10;
	s25 =	sadd.s32 s12, s24;
	[dreg:$0x5] =	wrdreg s23  }
0xa: {  	s14 =	ssub.s32 s4, s6;
	s4 =	sadd.s32 s3, s26;
	[dreg:$0x7] =	wrdreg s25  }
0xb: {  	s6 =	sor.u32 $0x101000, s10;
	s5 =	sadd.s32 s12, s26;
	[dreg:$0x9] =	wrdreg s4  }
0xc: {  	s7 =	sadd.s32 s12, s6;
	[dreg:$0xa] =	wrdreg s5  }
0xd: {  	s8 =	sor.u32 $0x201000, s10;
	s2 =	sadd.s32 s13, s6;
	[dreg:$0xc] =	wrdreg s7  }
0xe: {  	s11 =	sor.u32 $0x301000, s10;
	s9 =	sadd.s32 s12, s8;
	[dreg:$0xd] =	wrdreg s2  }
0xf: {  	s16 =	sor.u32 $0x2000, s10;
	s15 =	sadd.s32 s12, s11;
	[dreg:$0xe] =	wrdreg s9  }
0x10: {  	s17 =	sadd.s32 s3, s16;
	[dreg:$0x10] =	wrdreg s15  }
0x11: {  	s18 =	sadd.s32 s12, s16;
	[dreg:$0x12] =	wrdreg s17  }
0x12: {  	s0 =	sadd.s32 s13, s22;
	[dreg:$0x13] =	wrdreg s18  }
0x13: {  	s19 =	sor.u32 $0x102000, s10;
	s2 =	sadd.s32 s13, s11;
	[dreg:$0x6] =	wrdreg s0  }
0x14: {  	s20 =	sor.u32 $0x202000, s10;
	s21 =	sadd.s32 s12, s19;
	[dreg:$0x11] =	wrdreg s2  }
0x15: {  	s22 =	sadd.s32 s12, s20;
	[dreg:$0x15] =	wrdreg s21  }
0x16: {  	s23 =	sadd.s32 s13, s20;
	[dreg:$0x17] =	wrdreg s22  }
0x17: {  	s25 =	sor.u32 $0x3000, s10;
	s0 =	sadd.s32 s13, s24;
	[dreg:$0x18] =	wrdreg s23  }
0x18: {  	s5 =	sadd.s32 s3, s25;
	[dreg:$0x8] =	wrdreg s0  }
0x19: {  	s6 =	sadd.s32 s12, s25;
	[dreg:$0x1b] =	wrdreg s5  }
0x1a: {  	s11 =	sor.u32 $0x203000, s10;
	s7 =	sadd.s32 s13, s25;
	[dreg:$0x1c] =	wrdreg s6  }
0x1b: {  	s18 =	sor.u32 $0x4000, s10;
	s15 =	sadd.s32 s12, s11;
	[dreg:$0x1d] =	wrdreg s7  }
0x1c: {  	s20 =	sadd.s32 s12, s18;
	[smem:$0x7EA] =	sst s15  }
0x1d: {  	s24 =	sor.u32 $0x302000, s10;
	s0 =	sadd.s32 s13, s26;
	[smem:$0x7EF] =	sst s20  }
0x1e: {  	s21 =	sor.u32 $0x104000, s10;
	s26 =	sadd.s32 s12, s24;
	[dreg:$0xb] =	wrdreg s0  }
0x1f: {  	s14 =	smax.u32 s14, $0x1;
	s22 =	sadd.s32 s12, s21;
	[dreg:$0x19] =	wrdreg s26  }
0x20: {  	s4 =	sor.u32 $0x5000, s10;
	s2 =	sadd.s32 s13, s21;
	[smem:$0x7F1] =	sst s22  }
0x21: {  	s23 =	sor.u32 $0x204000, s10;
	s5 =	sadd.s32 s3, s4;
	[smem:$0x7F2] =	sst s2  }
0x22: {  	s25 =	sor.u32 $0x304000, s10;
	s6 =	sadd.s32 s12, s4;
	[smem:$0x7F7] =	sst s5  }
0x23: {  	s7 =	sor.u32 $0x105000, s10;
	s0 =	sadd.s32 s13, s8;
	[smem:$0x7F8] =	sst s6  }
0x24: {  	s20 =	sor.u32 $0x306000, s10;
	s26 =	sadd.s32 s12, s25;
	[dreg:$0xf] =	wrdreg s0  }
0x25: {  	s8 =	sor.u32 $0x103000, s10;
	s2 =	sadd.s32 s13, s25;
	[smem:$0x7F5] =	sst s26  }
0x26: {  	s31 =	sadd.s32 s12, s20;
	s0 =	sadd.s32 s13, s16;
	[smem:$0x7F6] =	sst s2  }
0x27: {  	s5 =	sor.u32 $0x7000, s10;
	s9 =	sadd.s32 s12, s8;
	[dreg:$0x14] =	wrdreg s0  }
0x28: {  	s16 =	sor.u32 $0x303000, s10;
	s0 =	sadd.s32 s13, s19;
	[dreg:$0x1e] =	wrdreg s9  }
0x29: {  	s2 =	sadd.s32 s3, s10;
	s17 =	sadd.s32 s12, s16;
	[dreg:$0x16] =	wrdreg s0  }
0x2a: {  	s19 =	sadd.s32 s3, s18;
	s9 =	sadd.s32 s12, s7;
	[smem:$0x7EC] =	sst s17  }
0x2b: {  	s0 =	sadd.s32 s13, s24;
	[smem:$0x7EE] =	sst s19;
	s24 =	sadd.s32 s12, s23  }
0x2c: {  	[smem:$0x7FA] =	sst s9;
	s17 =	sor.u32 $0x6000, s10;
	s19 =	sor.u32 $0x206000, s10  }
0x2d: {  	s9 =	sadd.s32 s13, s10;
	[dreg:$0x1a] =	wrdreg s0;
	s0 =	sadd.s32 s13, s8  }
0x2e: {  	[smem:$0x7F3] =	sst s24;
	s8 =	sor.u32 $0x205000, s10;
	s24 =	sadd.s32 s12, s17  }
0x2f: {  	s25 =	sadd.s32 s13, s17;
	[dreg:$0x1f] =	wrdreg s0;
	s0 =	sadd.s32 s13, s11  }
0x30: {  	s29 =	sadd.s32 s12, s19;
	s11 =	sadd.s32 s12, s8;
	[smem:$0x7EB] =	sst s0  }
0x31: {  	s30 =	sadd.s32 s13, s19;
	s15 =	sadd.s32 s13, s8;
	[smem:$0x7FC] =	sst s11  }
0x32: {  	s8 =	sadd.s32 s12, s10;
	s0 =	sadd.s32 s13, s16;
	[smem:$0x7FD] =	sst s15  }
0x33: {  	s16 =	sor.u32 $0x305000, s10;
	s11 =	sor.u32 $0x207000, s10;
	s15 =	sor.u32 $0x307000, s10  }
0x34: {  	[smem:$0x7ED] =	sst s0;
	s0 =	sadd.s32 s13, s18;
	s21 =	sadd.s32 s12, s16  }
0x35: {  	s22 =	sadd.s32 s13, s16;
	s18 =	sor.u32 $0x106000, s10;
	s16 =	simm.s32 $0x8000  }
0x36: {  	[smem:$0x7F0] =	sst s0;
	s0 =	sadd.s32 s13, s23;
	s23 =	sadd.s32 s3, s17  }
0x37: {  	s26 =	sadd.s32 s12, s18;
	s28 =	sadd.s32 s13, s18;
	s3 =	sadd.s32 s3, s5  }
0x38: {  	s17 =	simm.s32 $0x0;
	[smem:$0x7F4] =	sst s0;
	s0 =	sadd.s32 s13, s4  }
0x39: {  	s4 =	sadd.s32 s12, s5;
	s5 =	sadd.s32 s13, s5;
	[smem:$0x7F9] =	sst s0  }
0x3a: {  	s0 =	sadd.s32 s13, s7;
	s7 =	sor.u32 $0x107000, s10;
	s10 =	sadd.s32 s12, s11  }
0x3b: {  	s11 =	sadd.s32 s13, s11;
	[smem:$0x7FB] =	sst s0;
	s0 =	sadd.s32 s13, s20  }
0x3c: {  	s6 =	sadd.s32 s12, s7;
	s7 =	sadd.s32 s13, s7;
	s12 =	sadd.s32 s12, s15  }
0x3d: {  	s13 =	sadd.s32 s13, s15;
	s15 =	simm.s32 $0x1;
	_ =	strace $0x8000004D  }
.LBB2_1:
0x3e: {  	[tilespmem:s1], [sflag:$0x1] =	stream.linear.gather [hbm4b:s2+s1], $0x8000, $0x38;
	[tilespmem:$0x10000] =	vst v63  }
0x3f: {  	_ =	swait.ge [sflag:s15], $0x8000  }
0x40: {  	[sflag:s15] =	ssyncset.done $0x0  }
0x41: {  	[sflag:s15] =	ssyncadd.s32 $0xFFFF8000  }
0x42: {  	[tilespmem:s16], [sflag:$0x1] =	stream.linear.gather [hbm4b:s8+s1], $0x8000, $0x38;
	[tilespmem:$0x10000] =	vst v63  }
0x43: {  	_ =	swait.ge [sflag:s15], $0x8000  }
0x44: {  	[sflag:s15] =	ssyncset.done $0x0  }
0x45: {  	s18 =	simm.s32 $0x0;
	[sflag:s15] =	ssyncadd.s32 $0xFFFF8000  }
0x46: {  	v0 =	vld [tilespmem:s18+$0x70]  }
0x47: {  	v1 =	vld [tilespmem:s18+$0x0]  }
0x48: {  	v2 =	vld [tilespmem:s18+$0x10]  }
0x49: {  	v3 =	vld [tilespmem:s18+$0x20]  }
0x4a: {  	v4 =	vld [tilespmem:s18+$0x30]  }
0x4b: {  	v5 =	vld [tilespmem:s18+$0x40]  }
0x4c: {  	v6 =	vld [tilespmem:s18+$0x50]  }
0x4d: {  	[tilespmem:s18+$0x8070] =	vst.add.f32.msk $0xffff, v0  }
0x4e: {  	v0 =	vld [tilespmem:s18+$0x60]  }
0x4f: {  	[tilespmem:s18+$0x8000] =	vst.add.f32.msk $0xffff, v1  }
0x50: {  	[tilespmem:s18+$0x8010] =	vst.add.f32.msk $0xffff, v2  }
0x51: {  	[tilespmem:s18+$0x8020] =	vst.add.f32.msk $0xffff, v3  }
0x52: {  	[tilespmem:s18+$0x8030] =	vst.add.f32.msk $0xffff, v4  }
0x53: {  	[tilespmem:s18+$0x8040] =	vst.add.f32.msk $0xffff, v5  }
0x54: {  	s19 =	simm.s32 $0x0;
	s20 =	simm.s32 $0x200;
	[tilespmem:s18+$0x8050] =	vst.add.f32.msk $0xffff, v6  }
.LBB2_2:
0x55: {  	s19 =	sadd.s32 $0x80, s19;
	[tilespmem:s18+$0x8060] =	vst.add.f32.msk $0xffff, v0;
	s18 =	sshra.s32 s20, $0x2  }
0x56: {  	v0 =	vld [tilespmem:s18+$0x70];
	p0 =	slt.u32 s19, $0x7F80  }
0x57: {  	v1 =	vld [tilespmem:s18+$0x0]  }
0x58: {  	v2 =	vld [tilespmem:s18+$0x10]  }
0x59: {  	v3 =	vld [tilespmem:s18+$0x20]  }
0x5a: {  	v4 =	vld [tilespmem:s18+$0x30]  }
0x5b: {  	[tilespmem:s18+$0x8070] =	vst.add.f32.msk $0xffff, v0  }
0x5c: {  	v5 =	vld [tilespmem:s18+$0x40]  }
0x5d: {  	v6 =	vld [tilespmem:s18+$0x50]  }
0x5e: {  	v0 =	vld [tilespmem:s18+$0x60]  }
0x5f: {  	[tilespmem:s18+$0x8000] =	vst.add.f32.msk $0xffff, v1  }
.Ltmp0:
0x60: {  	[tilespmem:s18+$0x8010] =	vst.add.f32.msk $0xffff, v2;
	(pc) =	sbr.rel @p0 .LBB2_2-.Ltmp0, $4  }
0x61: {  	[tilespmem:s18+$0x8020] =	vst.add.f32.msk $0xffff, v3  }
0x62: {  	[tilespmem:s18+$0x8030] =	vst.add.f32.msk $0xffff, v4  }
0x63: {  	[tilespmem:s18+$0x8040] =	vst.add.f32.msk $0xffff, v5  }
0x64: {  	s20 =	sadd.s32 $0x200, s20;
	[tilespmem:s18+$0x8050] =	vst.add.f32.msk $0xffff, v6  }
0x65: {  	[tilespmem:s18+$0x8060] =	vst.add.f32.msk $0xffff, v0;
	s20 =	simm.s32 $0x0  }
0x66: {  	[hbm4b:s9+s20] =	stream.linear.scatter [tilespmem:s16], [sflag:$0x1], $0x8000, $0x38;
	[tilespmem:$0x10000] =	vst v63  }
0x67: {  	_ =	swait.ge [sflag:s15], $0x8000  }
0x68: {  	[sflag:s15] =	ssyncset.done $0x0  }
0x69: {  	s19 =	rddreg [dreg:$0x3];
	[sflag:s15] =	ssyncadd.s32 $0xFFFF8000  }
0x6a: {  	[tilespmem:s16], [sflag:$0x1] =	stream.linear.gather [hbm4b:s19+s20], $0x8000, $0x38;
	[tilespmem:$0x10000] =	vst v63  }
0x6b: {  	_ =	swait.ge [sflag:s15], $0x8000  }
0x6c: {  	[sflag:s15] =	ssyncset.done $0x0  }
0x6d: {  	s18 =	simm.s32 $0x0;
	[sflag:s15] =	ssyncadd.s32 $0xFFFF8000  }
0x6e: {  	v0 =	vld [tilespmem:s18+$0x70]  }
0x6f: {  	v1 =	vld [tilespmem:s18+$0x0]  }
0x70: {  	v2 =	vld [tilespmem:s18+$0x10]  }
0x71: {  	v3 =	vld [tilespmem:s18+$0x20]  }
0x72: {  	v4 =	vld [tilespmem:s18+$0x30]  }
0x73: {  	v5 =	vld [tilespmem:s18+$0x40]  }
0x74: {  	v6 =	vld [tilespmem:s18+$0x50]  }
0x75: {  	[tilespmem:s18+$0x8070] =	vst.add.f32.msk $0xffff, v0  }
0x76: {  	v0 =	vld [tilespmem:s18+$0x60]  }
0x77: {  	[tilespmem:s18+$0x8000] =	vst.add.f32.msk $0xffff, v1  }
0x78: {  	[tilespmem:s18+$0x8010] =	vst.add.f32.msk $0xffff, v2  }
0x79: {  	[tilespmem:s18+$0x8020] =	vst.add.f32.msk $0xffff, v3  }
0x7a: {  	[tilespmem:s18+$0x8030] =	vst.add.f32.msk $0xffff, v4  }
0x7b: {  	[tilespmem:s18+$0x8040] =	vst.add.f32.msk $0xffff, v5  }
0x7c: {  	s19 =	simm.s32 $0x0;
	s20 =	simm.s32 $0x200;
	[tilespmem:s18+$0x8050] =	vst.add.f32.msk $0xffff, v6  }
.LBB2_4:
0x7d: {  	s19 =	sadd.s32 $0x80, s19;
	[tilespmem:s18+$0x8060] =	vst.add.f32.msk $0xffff, v0;
	s18 =	sshra.s32 s20, $0x2  }
0x7e: {  	v0 =	vld [tilespmem:s18+$0x70];
	p0 =	slt.u32 s19, $0x7F80  }
0x7f: {  	v1 =	vld [tilespmem:s18+$0x0]  }
0x80: {  	v2 =	vld [tilespmem:s18+$0x10]  }
0x81: {  	v3 =	vld [tilespmem:s18+$0x20]  }
0x82: {  	v4 =	vld [tilespmem:s18+$0x30]  }
0x83: {  	[tilespmem:s18+$0x8070] =	vst.add.f32.msk $0xffff, v0  }
0x84: {  	v5 =	vld [tilespmem:s18+$0x40]  }
0x85: {  	v6 =	vld [tilespmem:s18+$0x50]  }
0x86: {  	v0 =	vld [tilespmem:s18+$0x60]  }
0x87: {  	[tilespmem:s18+$0x8000] =	vst.add.f32.msk $0xffff, v1  }
.Ltmp1:
0x88: {  	[tilespmem:s18+$0x8010] =	vst.add.f32.msk $0xffff, v2;
	(pc) =	sbr.rel @p0 .LBB2_4-.Ltmp1, $4  }
0x89: {  	[tilespmem:s18+$0x8020] =	vst.add.f32.msk $0xffff, v3  }
0x8a: {  	[tilespmem:s18+$0x8030] =	vst.add.f32.msk $0xffff, v4  }
0x8b: {  	[tilespmem:s18+$0x8040] =	vst.add.f32.msk $0xffff, v5  }
0x8c: {  	s20 =	sadd.s32 $0x200, s20;
	[tilespmem:s18+$0x8050] =	vst.add.f32.msk $0xffff, v6  }
0x8d: {  	[tilespmem:s18+$0x8060] =	vst.add.f32.msk $0xffff, v0  }
0x8e: {  	s18 =	simm.s32 $0x0;
	s19 =	rddreg [dreg:$0x4]  }
0x8f: {  	[hbm4b:s19+s18] =	stream.linear.scatter [tilespmem:s16], [sflag:$0x1], $0x8000, $0x38;
	[tilespmem:$0x10000] =	vst v63  }
0x90: {  	_ =	swait.ge [sflag:s15], $0x8000  }
0x91: {  	[sflag:s15] =	ssyncset.done $0x0  }
0x92: {  	s20 =	rddreg [dreg:$0x5];
	[sflag:s15] =	ssyncadd.s32 $0xFFFF8000  }
0x93: {  	[tilespmem:s16], [sflag:$0x1] =	stream.linear.gather [hbm4b:s20+s18], $0x8000, $0x38;
	[tilespmem:$0x10000] =	vst v63  }
0x94: {  	_ =	swait.ge [sflag:s15], $0x8000  }
0x95: {  	[sflag:s15] =	ssyncset.done $0x0  }
0x96: {  	s18 =	simm.s32 $0x0;
	[sflag:s15] =	ssyncadd.s32 $0xFFFF8000  }
0x97: {  	v0 =	vld [tilespmem:s18+$0x70]  }
0x98: {  	v1 =	vld [tilespmem:s18+$0x0]  }
0x99: {  	v2 =	vld [tilespmem:s18+$0x10]  }
0x9a: {  	v3 =	vld [tilespmem:s18+$0x20]  }
0x9b: {  	v4 =	vld [tilespmem:s18+$0x30]  }
0x9c: {  	v5 =	vld [tilespmem:s18+$0x40]  }
0x9d: {  	v6 =	vld [tilespmem:s18+$0x50]  }
0x9e: {  	[tilespmem:s18+$0x8070] =	vst.add.f32.msk $0xffff, v0  }
0x9f: {  	v0 =	vld [tilespmem:s18+$0x60]  }
0xa0: {  	[tilespmem:s18+$0x8000] =	vst.add.f32.msk $0xffff, v1  }
0xa1: {  	[tilespmem:s18+$0x8010] =	vst.add.f32.msk $0xffff, v2  }
0xa2: {  	[tilespmem:s18+$0x8020] =	vst.add.f32.msk $0xffff, v3  }
0xa3: {  	[tilespmem:s18+$0x8030] =	vst.add.f32.msk $0xffff, v4  }
0xa4: {  	[tilespmem:s18+$0x8040] =	vst.add.f32.msk $0xffff, v5  }
0xa5: {  	s19 =	simm.s32 $0x0;
	s20 =	simm.s32 $0x200;
	[tilespmem:s18+$0x8050] =	vst.add.f32.msk $0xffff, v6  }
.LBB2_6:
0xa6: {  	s19 =	sadd.s32 $0x80, s19;
	[tilespmem:s18+$0x8060] =	vst.add.f32.msk $0xffff, v0;
	s18 =	sshra.s32 s20, $0x2  }
0xa7: {  	v0 =	vld [tilespmem:s18+$0x70];
	p0 =	slt.u32 s19, $0x7F80  }
0xa8: {  	v1 =	vld [tilespmem:s18+$0x0]  }
0xa9: {  	v2 =	vld [tilespmem:s18+$0x10]  }
0xaa: {  	v3 =	vld [tilespmem:s18+$0x20]  }
0xab: {  	v4 =	vld [tilespmem:s18+$0x30]  }
0xac: {  	[tilespmem:s18+$0x8070] =	vst.add.f32.msk $0xffff, v0  }
0xad: {  	v5 =	vld [tilespmem:s18+$0x40]  }
0xae: {  	v6 =	vld [tilespmem:s18+$0x50]  }
0xaf: {  	v0 =	vld [tilespmem:s18+$0x60]  }
0xb0: {  	[tilespmem:s18+$0x8000] =	vst.add.f32.msk $0xffff, v1  }
.Ltmp2:
0xb1: {  	[tilespmem:s18+$0x8010] =	vst.add.f32.msk $0xffff, v2;
	(pc) =	sbr.rel @p0 .LBB2_6-.Ltmp2, $4  }
0xb2: {  	[tilespmem:s18+$0x8020] =	vst.add.f32.msk $0xffff, v3  }
0xb3: {  	[tilespmem:s18+$0x8030] =	vst.add.f32.msk $0xffff, v4  }
0xb4: {  	[tilespmem:s18+$0x8040] =	vst.add.f32.msk $0xffff, v5  }
0xb5: {  	s20 =	sadd.s32 $0x200, s20;
	[tilespmem:s18+$0x8050] =	vst.add.f32.msk $0xffff, v6  }
0xb6: {  	[tilespmem:s18+$0x8060] =	vst.add.f32.msk $0xffff, v0  }
0xb7: {  	s18 =	simm.s32 $0x0;
	s19 =	rddreg [dreg:$0x6]  }
0xb8: {  	[hbm4b:s19+s18] =	stream.linear.scatter [tilespmem:s16], [sflag:$0x1], $0x8000, $0x38;
	[tilespmem:$0x10000] =	vst v63  }
0xb9: {  	_ =	swait.ge [sflag:s15], $0x8000  }
0xba: {  	[sflag:s15] =	ssyncset.done $0x0  }
0xbb: {  	s20 =	rddreg [dreg:$0x7];
	[sflag:s15] =	ssyncadd.s32 $0xFFFF8000  }
0xbc: {  	[tilespmem:s16], [sflag:$0x1] =	stream.linear.gather [hbm4b:s20+s18], $0x8000, $0x38;
	[tilespmem:$0x10000] =	vst v63  }
0xbd: {  	_ =	swait.ge [sflag:s15], $0x8000  }
0xbe: {  	[sflag:s15] =	ssyncset.done $0x0  }
0xbf: {  	s18 =	simm.s32 $0x0;
	[sflag:s15] =	ssyncadd.s32 $0xFFFF8000  }
0xc0: {  	v0 =	vld [tilespmem:s18+$0x70]  }
0xc1: {  	v1 =	vld [tilespmem:s18+$0x0]  }
0xc2: {  	v2 =	vld [tilespmem:s18+$0x10]  }
0xc3: {  	v3 =	vld [tilespmem:s18+$0x20]  }
0xc4: {  	v4 =	vld [tilespmem:s18+$0x30]  }
0xc5: {  	v5 =	vld [tilespmem:s18+$0x40]  }
0xc6: {  	v6 =	vld [tilespmem:s18+$0x50]  }
0xc7: {  	[tilespmem:s18+$0x8070] =	vst.add.f32.msk $0xffff, v0  }
0xc8: {  	v0 =	vld [tilespmem:s18+$0x60]  }
0xc9: {  	[tilespmem:s18+$0x8000] =	vst.add.f32.msk $0xffff, v1  }
0xca: {  	[tilespmem:s18+$0x8010] =	vst.add.f32.msk $0xffff, v2  }
0xcb: {  	[tilespmem:s18+$0x8020] =	vst.add.f32.msk $0xffff, v3  }
0xcc: {  	[tilespmem:s18+$0x8030] =	vst.add.f32.msk $0xffff, v4  }
0xcd: {  	[tilespmem:s18+$0x8040] =	vst.add.f32.msk $0xffff, v5  }
0xce: {  	s19 =	simm.s32 $0x0;
	s20 =	simm.s32 $0x200;
	[tilespmem:s18+$0x8050] =	vst.add.f32.msk $0xffff, v6  }
.LBB2_8:
0xcf: {  	s19 =	sadd.s32 $0x80, s19;
	[tilespmem:s18+$0x8060] =	vst.add.f32.msk $0xffff, v0;
	s18 =	sshra.s32 s20, $0x2  }
0xd0: {  	v0 =	vld [tilespmem:s18+$0x70];
	p0 =	slt.u32 s19, $0x7F80  }
0xd1: {  	v1 =	vld [tilespmem:s18+$0x0]  }
0xd2: {  	v2 =	vld [tilespmem:s18+$0x10]  }
0xd3: {  	v3 =	vld [tilespmem:s18+$0x20]  }
0xd4: {  	v4 =	vld [tilespmem:s18+$0x30]  }
0xd5: {  	[tilespmem:s18+$0x8070] =	vst.add.f32.msk $0xffff, v0  }
0xd6: {  	v5 =	vld [tilespmem:s18+$0x40]  }
0xd7: {  	v6 =	vld [tilespmem:s18+$0x50]  }
0xd8: {  	v0 =	vld [tilespmem:s18+$0x60]  }
0xd9: {  	[tilespmem:s18+$0x8000] =	vst.add.f32.msk $0xffff, v1  }
.Ltmp3:
0xda: {  	[tilespmem:s18+$0x8010] =	vst.add.f32.msk $0xffff, v2;
	(pc) =	sbr.rel @p0 .LBB2_8-.Ltmp3, $4  }
0xdb: {  	[tilespmem:s18+$0x8020] =	vst.add.f32.msk $0xffff, v3  }
0xdc: {  	[tilespmem:s18+$0x8030] =	vst.add.f32.msk $0xffff, v4  }
0xdd: {  	[tilespmem:s18+$0x8040] =	vst.add.f32.msk $0xffff, v5  }
0xde: {  	s20 =	sadd.s32 $0x200, s20;
	[tilespmem:s18+$0x8050] =	vst.add.f32.msk $0xffff, v6  }
0xdf: {  	[tilespmem:s18+$0x8060] =	vst.add.f32.msk $0xffff, v0  }
0xe0: {  	s18 =	simm.s32 $0x0;
	s19 =	rddreg [dreg:$0x8]  }
0xe1: {  	[hbm4b:s19+s18] =	stream.linear.scatter [tilespmem:s16], [sflag:$0x1], $0x8000, $0x38;
	[tilespmem:$0x10000] =	vst v63  }
0xe2: {  	_ =	swait.ge [sflag:s15], $0x8000  }
0xe3: {  	[sflag:s15] =	ssyncset.done $0x0  }
0xe4: {  	s20 =	rddreg [dreg:$0x9];
	[sflag:s15] =	ssyncadd.s32 $0xFFFF8000  }
0xe5: {  	[tilespmem:s18], [sflag:$0x1] =	stream.linear.gather [hbm4b:s20+s18], $0x8000, $0x38;
	[tilespmem:$0x10000] =	vst v63  }
0xe6: {  	_ =	swait.ge [sflag:s15], $0x8000  }
0xe7: {  	[sflag:s15] =	ssyncset.done $0x0  }
0xe8: {  	s20 =	rddreg [dreg:$0xa];
	[sflag:s15] =	ssyncadd.s32 $0xFFFF8000  }
0xe9: {  	[tilespmem:s16], [sflag:$0x1] =	stream.linear.gather [hbm4b:s20+s18], $0x8000, $0x38;
	[tilespmem:$0x10000] =	vst v63  }
0xea: {  	_ =	swait.ge [sflag:s15], $0x8000  }
0xeb: {  	[sflag:s15] =	ssyncset.done $0x0  }
0xec: {  	s18 =	simm.s32 $0x0;
	[sflag:s15] =	ssyncadd.s32 $0xFFFF8000  }
0xed: {  	v0 =	vld [tilespmem:s18+$0x70]  }
0xee: {  	v1 =	vld [tilespmem:s18+$0x0]  }
0xef: {  	v2 =	vld [tilespmem:s18+$0x10]  }
0xf0: {  	v3 =	vld [tilespmem:s18+$0x20]  }
0xf1: {  	v4 =	vld [tilespmem:s18+$0x30]  }
0xf2: {  	v5 =	vld [tilespmem:s18+$0x40]  }
0xf3: {  	v6 =	vld [tilespmem:s18+$0x50]  }
0xf4: {  	[tilespmem:s18+$0x8070] =	vst.add.f32.msk $0xffff, v0  }
0xf5: {  	v0 =	vld [tilespmem:s18+$0x60]  }
0xf6: {  	[tilespmem:s18+$0x8000] =	vst.add.f32.msk $0xffff, v1  }
0xf7: {  	[tilespmem:s18+$0x8010] =	vst.add.f32.msk $0xffff, v2  }
0xf8: {  	[tilespmem:s18+$0x8020] =	vst.add.f32.msk $0xffff, v3  }
0xf9: {  	[tilespmem:s18+$0x8030] =	vst.add.f32.msk $0xffff, v4  }
0xfa: {  	[tilespmem:s18+$0x8040] =	vst.add.f32.msk $0xffff, v5  }
0xfb: {  	s19 =	simm.s32 $0x0;
	s20 =	simm.s32 $0x200;
	[tilespmem:s18+$0x8050] =	vst.add.f32.msk $0xffff, v6  }
.LBB2_10:
0xfc: {  	s19 =	sadd.s32 $0x80, s19;
	[tilespmem:s18+$0x8060] =	vst.add.f32.msk $0xffff, v0;
	s18 =	sshra.s32 s20, $0x2  }
0xfd: {  	v0 =	vld [tilespmem:s18+$0x70];
	p0 =	slt.u32 s19, $0x7F80  }
0xfe: {  	v1 =	vld [tilespmem:s18+$0x0]  }
0xff: {  	v2 =	vld [tilespmem:s18+$0x10]  }
0x100: {  	v3 =	vld [tilespmem:s18+$0x20]  }
0x101: {  	v4 =	vld [tilespmem:s18+$0x30]  }
0x102: {  	[tilespmem:s18+$0x8070] =	vst.add.f32.msk $0xffff, v0  }
0x103: {  	v5 =	vld [tilespmem:s18+$0x40]  }
0x104: {  	v6 =	vld [tilespmem:s18+$0x50]  }
0x105: {  	v0 =	vld [tilespmem:s18+$0x60]  }
0x106: {  	[tilespmem:s18+$0x8000] =	vst.add.f32.msk $0xffff, v1  }
.Ltmp4:
0x107: {  	[tilespmem:s18+$0x8010] =	vst.add.f32.msk $0xffff, v2;
	(pc) =	sbr.rel @p0 .LBB2_10-.Ltmp4, $4  }
0x108: {  	[tilespmem:s18+$0x8020] =	vst.add.f32.msk $0xffff, v3  }
0x109: {  	[tilespmem:s18+$0x8030] =	vst.add.f32.msk $0xffff, v4  }
0x10a: {  	[tilespmem:s18+$0x8040] =	vst.add.f32.msk $0xffff, v5  }
0x10b: {  	s20 =	sadd.s32 $0x200, s20;
	[tilespmem:s18+$0x8050] =	vst.add.f32.msk $0xffff, v6  }
0x10c: {  	[tilespmem:s18+$0x8060] =	vst.add.f32.msk $0xffff, v0  }
0x10d: {  	s18 =	simm.s32 $0x0;
	s19 =	rddreg [dreg:$0xb]  }
0x10e: {  	[hbm4b:s19+s18] =	stream.linear.scatter [tilespmem:s16], [sflag:$0x1], $0x8000, $0x38;
	[tilespmem:$0x10000] =	vst v63  }
0x10f: {  	_ =	swait.ge [sflag:s15], $0x8000  }
0x110: {  	[sflag:s15] =	ssyncset.done $0x0  }
0x111: {  	s20 =	rddreg [dreg:$0xc];
	[sflag:s15] =	ssyncadd.s32 $0xFFFF8000  }
0x112: {  	[tilespmem:s16], [sflag:$0x1] =	stream.linear.gather [hbm4b:s20+s18], $0x8000, $0x38;
	[tilespmem:$0x10000] =	vst v63  }
0x113: {  	_ =	swait.ge [sflag:s15], $0x8000  }
0x114: {  	[sflag:s15] =	ssyncset.done $0x0  }
0x115: {  	s18 =	simm.s32 $0x0;
	[sflag:s15] =	ssyncadd.s32 $0xFFFF8000  }
0x116: {  	v0 =	vld [tilespmem:s18+$0x70]  }
0x117: {  	v1 =	vld [tilespmem:s18+$0x0]  }
0x118: {  	v2 =	vld [tilespmem:s18+$0x10]  }
0x119: {  	v3 =	vld [tilespmem:s18+$0x20]  }
0x11a: {  	v4 =	vld [tilespmem:s18+$0x30]  }
0x11b: {  	v5 =	vld [tilespmem:s18+$0x40]  }
0x11c: {  	v6 =	vld [tilespmem:s18+$0x50]  }
0x11d: {  	[tilespmem:s18+$0x8070] =	vst.add.f32.msk $0xffff, v0  }
0x11e: {  	v0 =	vld [tilespmem:s18+$0x60]  }
0x11f: {  	[tilespmem:s18+$0x8000] =	vst.add.f32.msk $0xffff, v1  }
0x120: {  	[tilespmem:s18+$0x8010] =	vst.add.f32.msk $0xffff, v2  }
0x121: {  	[tilespmem:s18+$0x8020] =	vst.add.f32.msk $0xffff, v3  }
0x122: {  	[tilespmem:s18+$0x8030] =	vst.add.f32.msk $0xffff, v4  }
0x123: {  	[tilespmem:s18+$0x8040] =	vst.add.f32.msk $0xffff, v5  }
0x124: {  	s19 =	simm.s32 $0x0;
	s20 =	simm.s32 $0x200;
	[tilespmem:s18+$0x8050] =	vst.add.f32.msk $0xffff, v6  }
.LBB2_12:
0x125: {  	s19 =	sadd.s32 $0x80, s19;
	[tilespmem:s18+$0x8060] =	vst.add.f32.msk $0xffff, v0;
	s18 =	sshra.s32 s20, $0x2  }
0x126: {  	v0 =	vld [tilespmem:s18+$0x70];
	p0 =	slt.u32 s19, $0x7F80  }
0x127: {  	v1 =	vld [tilespmem:s18+$0x0]  }
0x128: {  	v2 =	vld [tilespmem:s18+$0x10]  }
0x129: {  	v3 =	vld [tilespmem:s18+$0x20]  }
0x12a: {  	v4 =	vld [tilespmem:s18+$0x30]  }
0x12b: {  	[tilespmem:s18+$0x8070] =	vst.add.f32.msk $0xffff, v0  }
0x12c: {  	v5 =	vld [tilespmem:s18+$0x40]  }
0x12d: {  	v6 =	vld [tilespmem:s18+$0x50]  }
0x12e: {  	v0 =	vld [tilespmem:s18+$0x60]  }
0x12f: {  	[tilespmem:s18+$0x8000] =	vst.add.f32.msk $0xffff, v1  }
.Ltmp5:
0x130: {  	[tilespmem:s18+$0x8010] =	vst.add.f32.msk $0xffff, v2;
	(pc) =	sbr.rel @p0 .LBB2_12-.Ltmp5, $4  }
0x131: {  	[tilespmem:s18+$0x8020] =	vst.add.f32.msk $0xffff, v3  }
0x132: {  	[tilespmem:s18+$0x8030] =	vst.add.f32.msk $0xffff, v4  }
0x133: {  	[tilespmem:s18+$0x8040] =	vst.add.f32.msk $0xffff, v5  }
0x134: {  	s20 =	sadd.s32 $0x200, s20;
	[tilespmem:s18+$0x8050] =	vst.add.f32.msk $0xffff, v6  }
0x135: {  	[tilespmem:s18+$0x8060] =	vst.add.f32.msk $0xffff, v0  }
0x136: {  	s18 =	simm.s32 $0x0;
	s19 =	rddreg [dreg:$0xd]  }
0x137: {  	[hbm4b:s19+s18] =	stream.linear.scatter [tilespmem:s16], [sflag:$0x1], $0x8000, $0x38;
	[tilespmem:$0x10000] =	vst v63  }
0x138: {  	_ =	swait.ge [sflag:s15], $0x8000  }
0x139: {  	[sflag:s15] =	ssyncset.done $0x0  }
0x13a: {  	s20 =	rddreg [dreg:$0xe];
	[sflag:s15] =	ssyncadd.s32 $0xFFFF8000  }
0x13b: {  	[tilespmem:s16], [sflag:$0x1] =	stream.linear.gather [hbm4b:s20+s18], $0x8000, $0x38;
	[tilespmem:$0x10000] =	vst v63  }
0x13c: {  	_ =	swait.ge [sflag:s15], $0x8000  }
0x13d: {  	[sflag:s15] =	ssyncset.done $0x0  }
0x13e: {  	s18 =	simm.s32 $0x0;
	[sflag:s15] =	ssyncadd.s32 $0xFFFF8000  }
0x13f: {  	v0 =	vld [tilespmem:s18+$0x70]  }
0x140: {  	v1 =	vld [tilespmem:s18+$0x0]  }
0x141: {  	v2 =	vld [tilespmem:s18+$0x10]  }
0x142: {  	v3 =	vld [tilespmem:s18+$0x20]  }
0x143: {  	v4 =	vld [tilespmem:s18+$0x30]  }
0x144: {  	v5 =	vld [tilespmem:s18+$0x40]  }
0x145: {  	v6 =	vld [tilespmem:s18+$0x50]  }
0x146: {  	[tilespmem:s18+$0x8070] =	vst.add.f32.msk $0xffff, v0  }
0x147: {  	v0 =	vld [tilespmem:s18+$0x60]  }
0x148: {  	[tilespmem:s18+$0x8000] =	vst.add.f32.msk $0xffff, v1  }
0x149: {  	[tilespmem:s18+$0x8010] =	vst.add.f32.msk $0xffff, v2  }
0x14a: {  	[tilespmem:s18+$0x8020] =	vst.add.f32.msk $0xffff, v3  }
0x14b: {  	[tilespmem:s18+$0x8030] =	vst.add.f32.msk $0xffff, v4  }
0x14c: {  	[tilespmem:s18+$0x8040] =	vst.add.f32.msk $0xffff, v5  }
0x14d: {  	s19 =	simm.s32 $0x0;
	s20 =	simm.s32 $0x200;
	[tilespmem:s18+$0x8050] =	vst.add.f32.msk $0xffff, v6  }
.LBB2_14:
0x14e: {  	s19 =	sadd.s32 $0x80, s19;
	[tilespmem:s18+$0x8060] =	vst.add.f32.msk $0xffff, v0;
	s18 =	sshra.s32 s20, $0x2  }
0x14f: {  	v0 =	vld [tilespmem:s18+$0x70];
	p0 =	slt.u32 s19, $0x7F80  }
0x150: {  	v1 =	vld [tilespmem:s18+$0x0]  }
0x151: {  	v2 =	vld [tilespmem:s18+$0x10]  }
0x152: {  	v3 =	vld [tilespmem:s18+$0x20]  }
0x153: {  	v4 =	vld [tilespmem:s18+$0x30]  }
0x154: {  	[tilespmem:s18+$0x8070] =	vst.add.f32.msk $0xffff, v0  }
0x155: {  	v5 =	vld [tilespmem:s18+$0x40]  }
0x156: {  	v6 =	vld [tilespmem:s18+$0x50]  }
0x157: {  	v0 =	vld [tilespmem:s18+$0x60]  }
0x158: {  	[tilespmem:s18+$0x8000] =	vst.add.f32.msk $0xffff, v1  }
.Ltmp6:
0x159: {  	[tilespmem:s18+$0x8010] =	vst.add.f32.msk $0xffff, v2;
	(pc) =	sbr.rel @p0 .LBB2_14-.Ltmp6, $4  }
0x15a: {  	[tilespmem:s18+$0x8020] =	vst.add.f32.msk $0xffff, v3  }
0x15b: {  	[tilespmem:s18+$0x8030] =	vst.add.f32.msk $0xffff, v4  }
0x15c: {  	[tilespmem:s18+$0x8040] =	vst.add.f32.msk $0xffff, v5  }
0x15d: {  	s20 =	sadd.s32 $0x200, s20;
	[tilespmem:s18+$0x8050] =	vst.add.f32.msk $0xffff, v6  }
0x15e: {  	[tilespmem:s18+$0x8060] =	vst.add.f32.msk $0xffff, v0  }
0x15f: {  	s18 =	simm.s32 $0x0;
	s19 =	rddreg [dreg:$0xf]  }
0x160: {  	[hbm4b:s19+s18] =	stream.linear.scatter [tilespmem:s16], [sflag:$0x1], $0x8000, $0x38;
	[tilespmem:$0x10000] =	vst v63  }
0x161: {  	_ =	swait.ge [sflag:s15], $0x8000  }
0x162: {  	[sflag:s15] =	ssyncset.done $0x0  }
0x163: {  	s20 =	rddreg [dreg:$0x10];
	[sflag:s15] =	ssyncadd.s32 $0xFFFF8000  }
0x164: {  	[tilespmem:s16], [sflag:$0x1] =	stream.linear.gather [hbm4b:s20+s18], $0x8000, $0x38;
	[tilespmem:$0x10000] =	vst v63  }
0x165: {  	_ =	swait.ge [sflag:s15], $0x8000  }
0x166: {  	[sflag:s15] =	ssyncset.done $0x0  }
0x167: {  	s18 =	simm.s32 $0x0;
	[sflag:s15] =	ssyncadd.s32 $0xFFFF8000  }
0x168: {  	v0 =	vld [tilespmem:s18+$0x70]  }
0x169: {  	v1 =	vld [tilespmem:s18+$0x0]  }
0x16a: {  	v2 =	vld [tilespmem:s18+$0x10]  }
0x16b: {  	v3 =	vld [tilespmem:s18+$0x20]  }
0x16c: {  	v4 =	vld [tilespmem:s18+$0x30]  }
0x16d: {  	v5 =	vld [tilespmem:s18+$0x40]  }
0x16e: {  	v6 =	vld [tilespmem:s18+$0x50]  }
0x16f: {  	[tilespmem:s18+$0x8070] =	vst.add.f32.msk $0xffff, v0  }
0x170: {  	v0 =	vld [tilespmem:s18+$0x60]  }
0x171: {  	[tilespmem:s18+$0x8000] =	vst.add.f32.msk $0xffff, v1  }
0x172: {  	[tilespmem:s18+$0x8010] =	vst.add.f32.msk $0xffff, v2  }
0x173: {  	[tilespmem:s18+$0x8020] =	vst.add.f32.msk $0xffff, v3  }
0x174: {  	[tilespmem:s18+$0x8030] =	vst.add.f32.msk $0xffff, v4  }
0x175: {  	[tilespmem:s18+$0x8040] =	vst.add.f32.msk $0xffff, v5  }
0x176: {  	s19 =	simm.s32 $0x0;
	s20 =	simm.s32 $0x200;
	[tilespmem:s18+$0x8050] =	vst.add.f32.msk $0xffff, v6  }
.LBB2_16:
0x177: {  	s19 =	sadd.s32 $0x80, s19;
	[tilespmem:s18+$0x8060] =	vst.add.f32.msk $0xffff, v0;
	s18 =	sshra.s32 s20, $0x2  }
0x178: {  	v0 =	vld [tilespmem:s18+$0x70];
	p0 =	slt.u32 s19, $0x7F80  }
0x179: {  	v1 =	vld [tilespmem:s18+$0x0]  }
0x17a: {  	v2 =	vld [tilespmem:s18+$0x10]  }
0x17b: {  	v3 =	vld [tilespmem:s18+$0x20]  }
0x17c: {  	v4 =	vld [tilespmem:s18+$0x30]  }
0x17d: {  	[tilespmem:s18+$0x8070] =	vst.add.f32.msk $0xffff, v0  }
0x17e: {  	v5 =	vld [tilespmem:s18+$0x40]  }
0x17f: {  	v6 =	vld [tilespmem:s18+$0x50]  }
0x180: {  	v0 =	vld [tilespmem:s18+$0x60]  }
0x181: {  	[tilespmem:s18+$0x8000] =	vst.add.f32.msk $0xffff, v1  }
.Ltmp7:
0x182: {  	[tilespmem:s18+$0x8010] =	vst.add.f32.msk $0xffff, v2;
	(pc) =	sbr.rel @p0 .LBB2_16-.Ltmp7, $4  }
0x183: {  	[tilespmem:s18+$0x8020] =	vst.add.f32.msk $0xffff, v3  }
0x184: {  	[tilespmem:s18+$0x8030] =	vst.add.f32.msk $0xffff, v4  }
0x185: {  	[tilespmem:s18+$0x8040] =	vst.add.f32.msk $0xffff, v5  }
0x186: {  	s20 =	sadd.s32 $0x200, s20;
	[tilespmem:s18+$0x8050] =	vst.add.f32.msk $0xffff, v6  }
0x187: {  	[tilespmem:s18+$0x8060] =	vst.add.f32.msk $0xffff, v0  }
0x188: {  	s18 =	simm.s32 $0x0;
	s19 =	rddreg [dreg:$0x11]  }
0x189: {  	[hbm4b:s19+s18] =	stream.linear.scatter [tilespmem:s16], [sflag:$0x1], $0x8000, $0x38;
	[tilespmem:$0x10000] =	vst v63  }
0x18a: {  	_ =	swait.ge [sflag:s15], $0x8000  }
0x18b: {  	[sflag:s15] =	ssyncset.done $0x0  }
0x18c: {  	s20 =	rddreg [dreg:$0x12];
	[sflag:s15] =	ssyncadd.s32 $0xFFFF8000  }
0x18d: {  	[tilespmem:s18], [sflag:$0x1] =	stream.linear.gather [hbm4b:s20+s18], $0x8000, $0x38;
	[tilespmem:$0x10000] =	vst v63  }
0x18e: {  	_ =	swait.ge [sflag:s15], $0x8000  }
0x18f: {  	[sflag:s15] =	ssyncset.done $0x0  }
0x190: {  	s20 =	rddreg [dreg:$0x13];
	[sflag:s15] =	ssyncadd.s32 $0xFFFF8000  }
0x191: {  	[tilespmem:s16], [sflag:$0x1] =	stream.linear.gather [hbm4b:s20+s18], $0x8000, $0x38;
	[tilespmem:$0x10000] =	vst v63  }
0x192: {  	_ =	swait.ge [sflag:s15], $0x8000  }
0x193: {  	[sflag:s15] =	ssyncset.done $0x0  }
0x194: {  	s18 =	simm.s32 $0x0;
	[sflag:s15] =	ssyncadd.s32 $0xFFFF8000  }
0x195: {  	v0 =	vld [tilespmem:s18+$0x70]  }
0x196: {  	v1 =	vld [tilespmem:s18+$0x0]  }
0x197: {  	v2 =	vld [tilespmem:s18+$0x10]  }
0x198: {  	v3 =	vld [tilespmem:s18+$0x20]  }
0x199: {  	v4 =	vld [tilespmem:s18+$0x30]  }
0x19a: {  	v5 =	vld [tilespmem:s18+$0x40]  }
0x19b: {  	v6 =	vld [tilespmem:s18+$0x50]  }
0x19c: {  	[tilespmem:s18+$0x8070] =	vst.add.f32.msk $0xffff, v0  }
0x19d: {  	v0 =	vld [tilespmem:s18+$0x60]  }
0x19e: {  	[tilespmem:s18+$0x8000] =	vst.add.f32.msk $0xffff, v1  }
0x19f: {  	[tilespmem:s18+$0x8010] =	vst.add.f32.msk $0xffff, v2  }
0x1a0: {  	[tilespmem:s18+$0x8020] =	vst.add.f32.msk $0xffff, v3  }
0x1a1: {  	[tilespmem:s18+$0x8030] =	vst.add.f32.msk $0xffff, v4  }
0x1a2: {  	[tilespmem:s18+$0x8040] =	vst.add.f32.msk $0xffff, v5  }
0x1a3: {  	s19 =	simm.s32 $0x0;
	s20 =	simm.s32 $0x200;
	[tilespmem:s18+$0x8050] =	vst.add.f32.msk $0xffff, v6  }
.LBB2_18:
0x1a4: {  	s19 =	sadd.s32 $0x80, s19;
	[tilespmem:s18+$0x8060] =	vst.add.f32.msk $0xffff, v0;
	s18 =	sshra.s32 s20, $0x2  }
0x1a5: {  	v0 =	vld [tilespmem:s18+$0x70];
	p0 =	slt.u32 s19, $0x7F80  }
0x1a6: {  	v1 =	vld [tilespmem:s18+$0x0]  }
0x1a7: {  	v2 =	vld [tilespmem:s18+$0x10]  }
0x1a8: {  	v3 =	vld [tilespmem:s18+$0x20]  }
0x1a9: {  	v4 =	vld [tilespmem:s18+$0x30]  }
0x1aa: {  	[tilespmem:s18+$0x8070] =	vst.add.f32.msk $0xffff, v0  }
0x1ab: {  	v5 =	vld [tilespmem:s18+$0x40]  }
0x1ac: {  	v6 =	vld [tilespmem:s18+$0x50]  }
0x1ad: {  	v0 =	vld [tilespmem:s18+$0x60]  }
0x1ae: {  	[tilespmem:s18+$0x8000] =	vst.add.f32.msk $0xffff, v1  }
.Ltmp8:
0x1af: {  	[tilespmem:s18+$0x8010] =	vst.add.f32.msk $0xffff, v2;
	(pc) =	sbr.rel @p0 .LBB2_18-.Ltmp8, $4  }
0x1b0: {  	[tilespmem:s18+$0x8020] =	vst.add.f32.msk $0xffff, v3  }
0x1b1: {  	[tilespmem:s18+$0x8030] =	vst.add.f32.msk $0xffff, v4  }
0x1b2: {  	[tilespmem:s18+$0x8040] =	vst.add.f32.msk $0xffff, v5  }
0x1b3: {  	s20 =	sadd.s32 $0x200, s20;
	[tilespmem:s18+$0x8050] =	vst.add.f32.msk $0xffff, v6  }
0x1b4: {  	[tilespmem:s18+$0x8060] =	vst.add.f32.msk $0xffff, v0  }
0x1b5: {  	s18 =	simm.s32 $0x0;
	s19 =	rddreg [dreg:$0x14]  }
0x1b6: {  	[hbm4b:s19+s18] =	stream.linear.scatter [tilespmem:s16], [sflag:$0x1], $0x8000, $0x38;
	[tilespmem:$0x10000] =	vst v63  }
0x1b7: {  	_ =	swait.ge [sflag:s15], $0x8000  }
0x1b8: {  	[sflag:s15] =	ssyncset.done $0x0  }
0x1b9: {  	s20 =	rddreg [dreg:$0x15];
	[sflag:s15] =	ssyncadd.s32 $0xFFFF8000  }
0x1ba: {  	[tilespmem:s16], [sflag:$0x1] =	stream.linear.gather [hbm4b:s20+s18], $0x8000, $0x38;
	[tilespmem:$0x10000] =	vst v63  }
0x1bb: {  	_ =	swait.ge [sflag:s15], $0x8000  }
0x1bc: {  	[sflag:s15] =	ssyncset.done $0x0  }
0x1bd: {  	s18 =	simm.s32 $0x0;
	[sflag:s15] =	ssyncadd.s32 $0xFFFF8000  }
0x1be: {  	v0 =	vld [tilespmem:s18+$0x70]  }
0x1bf: {  	v1 =	vld [tilespmem:s18+$0x0]  }
0x1c0: {  	v2 =	vld [tilespmem:s18+$0x10]  }
0x1c1: {  	v3 =	vld [tilespmem:s18+$0x20]  }
0x1c2: {  	v4 =	vld [tilespmem:s18+$0x30]  }
0x1c3: {  	v5 =	vld [tilespmem:s18+$0x40]  }
0x1c4: {  	v6 =	vld [tilespmem:s18+$0x50]  }
0x1c5: {  	[tilespmem:s18+$0x8070] =	vst.add.f32.msk $0xffff, v0  }
0x1c6: {  	v0 =	vld [tilespmem:s18+$0x60]  }
0x1c7: {  	[tilespmem:s18+$0x8000] =	vst.add.f32.msk $0xffff, v1  }
0x1c8: {  	[tilespmem:s18+$0x8010] =	vst.add.f32.msk $0xffff, v2  }
0x1c9: {  	[tilespmem:s18+$0x8020] =	vst.add.f32.msk $0xffff, v3  }
0x1ca: {  	[tilespmem:s18+$0x8030] =	vst.add.f32.msk $0xffff, v4  }
0x1cb: {  	[tilespmem:s18+$0x8040] =	vst.add.f32.msk $0xffff, v5  }
0x1cc: {  	s19 =	simm.s32 $0x0;
	s20 =	simm.s32 $0x200;
	[tilespmem:s18+$0x8050] =	vst.add.f32.msk $0xffff, v6  }
.LBB2_20:
0x1cd: {  	s19 =	sadd.s32 $0x80, s19;
	[tilespmem:s18+$0x8060] =	vst.add.f32.msk $0xffff, v0;
	s18 =	sshra.s32 s20, $0x2  }
0x1ce: {  	v0 =	vld [tilespmem:s18+$0x70];
	p0 =	slt.u32 s19, $0x7F80  }
0x1cf: {  	v1 =	vld [tilespmem:s18+$0x0]  }
0x1d0: {  	v2 =	vld [tilespmem:s18+$0x10]  }
0x1d1: {  	v3 =	vld [tilespmem:s18+$0x20]  }
0x1d2: {  	v4 =	vld [tilespmem:s18+$0x30]  }
0x1d3: {  	[tilespmem:s18+$0x8070] =	vst.add.f32.msk $0xffff, v0  }
0x1d4: {  	v5 =	vld [tilespmem:s18+$0x40]  }
0x1d5: {  	v6 =	vld [tilespmem:s18+$0x50]  }
0x1d6: {  	v0 =	vld [tilespmem:s18+$0x60]  }
0x1d7: {  	[tilespmem:s18+$0x8000] =	vst.add.f32.msk $0xffff, v1  }
.Ltmp9:
0x1d8: {  	[tilespmem:s18+$0x8010] =	vst.add.f32.msk $0xffff, v2;
	(pc) =	sbr.rel @p0 .LBB2_20-.Ltmp9, $4  }
0x1d9: {  	[tilespmem:s18+$0x8020] =	vst.add.f32.msk $0xffff, v3  }
0x1da: {  	[tilespmem:s18+$0x8030] =	vst.add.f32.msk $0xffff, v4  }
0x1db: {  	[tilespmem:s18+$0x8040] =	vst.add.f32.msk $0xffff, v5  }
0x1dc: {  	s20 =	sadd.s32 $0x200, s20;
	[tilespmem:s18+$0x8050] =	vst.add.f32.msk $0xffff, v6  }
0x1dd: {  	[tilespmem:s18+$0x8060] =	vst.add.f32.msk $0xffff, v0  }
0x1de: {  	s18 =	simm.s32 $0x0;
	s19 =	rddreg [dreg:$0x16]  }
0x1df: {  	[hbm4b:s19+s18] =	stream.linear.scatter [tilespmem:s16], [sflag:$0x1], $0x8000, $0x38;
	[tilespmem:$0x10000] =	vst v63  }
0x1e0: {  	_ =	swait.ge [sflag:s15], $0x8000  }
0x1e1: {  	[sflag:s15] =	ssyncset.done $0x0  }
0x1e2: {  	s20 =	rddreg [dreg:$0x17];
	[sflag:s15] =	ssyncadd.s32 $0xFFFF8000  }
0x1e3: {  	[tilespmem:s16], [sflag:$0x1] =	stream.linear.gather [hbm4b:s20+s18], $0x8000, $0x38;
	[tilespmem:$0x10000] =	vst v63  }
0x1e4: {  	_ =	swait.ge [sflag:s15], $0x8000  }
0x1e5: {  	[sflag:s15] =	ssyncset.done $0x0  }
0x1e6: {  	s18 =	simm.s32 $0x0;
	[sflag:s15] =	ssyncadd.s32 $0xFFFF8000  }
0x1e7: {  	v0 =	vld [tilespmem:s18+$0x70]  }
0x1e8: {  	v1 =	vld [tilespmem:s18+$0x0]  }
0x1e9: {  	v2 =	vld [tilespmem:s18+$0x10]  }
0x1ea: {  	v3 =	vld [tilespmem:s18+$0x20]  }
0x1eb: {  	v4 =	vld [tilespmem:s18+$0x30]  }
0x1ec: {  	v5 =	vld [tilespmem:s18+$0x40]  }
0x1ed: {  	v6 =	vld [tilespmem:s18+$0x50]  }
0x1ee: {  	[tilespmem:s18+$0x8070] =	vst.add.f32.msk $0xffff, v0  }
0x1ef: {  	v0 =	vld [tilespmem:s18+$0x60]  }
0x1f0: {  	[tilespmem:s18+$0x8000] =	vst.add.f32.msk $0xffff, v1  }
0x1f1: {  	[tilespmem:s18+$0x8010] =	vst.add.f32.msk $0xffff, v2  }
0x1f2: {  	[tilespmem:s18+$0x8020] =	vst.add.f32.msk $0xffff, v3  }
0x1f3: {  	[tilespmem:s18+$0x8030] =	vst.add.f32.msk $0xffff, v4  }
0x1f4: {  	[tilespmem:s18+$0x8040] =	vst.add.f32.msk $0xffff, v5  }
0x1f5: {  	s19 =	simm.s32 $0x0;
	s20 =	simm.s32 $0x200;
	[tilespmem:s18+$0x8050] =	vst.add.f32.msk $0xffff, v6  }
.LBB2_22:
0x1f6: {  	s19 =	sadd.s32 $0x80, s19;
	[tilespmem:s18+$0x8060] =	vst.add.f32.msk $0xffff, v0;
	s18 =	sshra.s32 s20, $0x2  }
0x1f7: {  	v0 =	vld [tilespmem:s18+$0x70];
	p0 =	slt.u32 s19, $0x7F80  }
0x1f8: {  	v1 =	vld [tilespmem:s18+$0x0]  }
0x1f9: {  	v2 =	vld [tilespmem:s18+$0x10]  }
0x1fa: {  	v3 =	vld [tilespmem:s18+$0x20]  }
0x1fb: {  	v4 =	vld [tilespmem:s18+$0x30]  }
0x1fc: {  	[tilespmem:s18+$0x8070] =	vst.add.f32.msk $0xffff, v0  }
0x1fd: {  	v5 =	vld [tilespmem:s18+$0x40]  }
0x1fe: {  	v6 =	vld [tilespmem:s18+$0x50]  }
0x1ff: {  	v0 =	vld [tilespmem:s18+$0x60]  }
0x200: {  	[tilespmem:s18+$0x8000] =	vst.add.f32.msk $0xffff, v1  }
.Ltmp10:
0x201: {  	[tilespmem:s18+$0x8010] =	vst.add.f32.msk $0xffff, v2;
	(pc) =	sbr.rel @p0 .LBB2_22-.Ltmp10, $4  }
0x202: {  	[tilespmem:s18+$0x8020] =	vst.add.f32.msk $0xffff, v3  }
0x203: {  	[tilespmem:s18+$0x8030] =	vst.add.f32.msk $0xffff, v4  }
0x204: {  	[tilespmem:s18+$0x8040] =	vst.add.f32.msk $0xffff, v5  }
0x205: {  	s20 =	sadd.s32 $0x200, s20;
	[tilespmem:s18+$0x8050] =	vst.add.f32.msk $0xffff, v6  }
0x206: {  	[tilespmem:s18+$0x8060] =	vst.add.f32.msk $0xffff, v0  }
0x207: {  	s18 =	simm.s32 $0x0;
	s19 =	rddreg [dreg:$0x18]  }
0x208: {  	[hbm4b:s19+s18] =	stream.linear.scatter [tilespmem:s16], [sflag:$0x1], $0x8000, $0x38;
	[tilespmem:$0x10000] =	vst v63  }
0x209: {  	_ =	swait.ge [sflag:s15], $0x8000  }
0x20a: {  	[sflag:s15] =	ssyncset.done $0x0  }
0x20b: {  	s20 =	rddreg [dreg:$0x19];
	[sflag:s15] =	ssyncadd.s32 $0xFFFF8000  }
0x20c: {  	[tilespmem:s16], [sflag:$0x1] =	stream.linear.gather [hbm4b:s20+s18], $0x8000, $0x38;
	[tilespmem:$0x10000] =	vst v63  }
0x20d: {  	_ =	swait.ge [sflag:s15], $0x8000  }
0x20e: {  	[sflag:s15] =	ssyncset.done $0x0  }
0x20f: {  	s18 =	simm.s32 $0x0;
	[sflag:s15] =	ssyncadd.s32 $0xFFFF8000  }
0x210: {  	v0 =	vld [tilespmem:s18+$0x70]  }
0x211: {  	v1 =	vld [tilespmem:s18+$0x0]  }
0x212: {  	v2 =	vld [tilespmem:s18+$0x10]  }
0x213: {  	v3 =	vld [tilespmem:s18+$0x20]  }
0x214: {  	v4 =	vld [tilespmem:s18+$0x30]  }
0x215: {  	v5 =	vld [tilespmem:s18+$0x40]  }
0x216: {  	v6 =	vld [tilespmem:s18+$0x50]  }
0x217: {  	[tilespmem:s18+$0x8070] =	vst.add.f32.msk $0xffff, v0  }
0x218: {  	v0 =	vld [tilespmem:s18+$0x60]  }
0x219: {  	[tilespmem:s18+$0x8000] =	vst.add.f32.msk $0xffff, v1  }
0x21a: {  	[tilespmem:s18+$0x8010] =	vst.add.f32.msk $0xffff, v2  }
0x21b: {  	[tilespmem:s18+$0x8020] =	vst.add.f32.msk $0xffff, v3  }
0x21c: {  	[tilespmem:s18+$0x8030] =	vst.add.f32.msk $0xffff, v4  }
0x21d: {  	[tilespmem:s18+$0x8040] =	vst.add.f32.msk $0xffff, v5  }
0x21e: {  	s19 =	simm.s32 $0x0;
	s20 =	simm.s32 $0x200;
	[tilespmem:s18+$0x8050] =	vst.add.f32.msk $0xffff, v6  }
.LBB2_24:
0x21f: {  	s19 =	sadd.s32 $0x80, s19;
	[tilespmem:s18+$0x8060] =	vst.add.f32.msk $0xffff, v0;
	s18 =	sshra.s32 s20, $0x2  }
0x220: {  	v0 =	vld [tilespmem:s18+$0x70];
	p0 =	slt.u32 s19, $0x7F80  }
0x221: {  	v1 =	vld [tilespmem:s18+$0x0]  }
0x222: {  	v2 =	vld [tilespmem:s18+$0x10]  }
0x223: {  	v3 =	vld [tilespmem:s18+$0x20]  }
0x224: {  	v4 =	vld [tilespmem:s18+$0x30]  }
0x225: {  	[tilespmem:s18+$0x8070] =	vst.add.f32.msk $0xffff, v0  }
0x226: {  	v5 =	vld [tilespmem:s18+$0x40]  }
0x227: {  	v6 =	vld [tilespmem:s18+$0x50]  }
0x228: {  	v0 =	vld [tilespmem:s18+$0x60]  }
0x229: {  	[tilespmem:s18+$0x8000] =	vst.add.f32.msk $0xffff, v1  }
.Ltmp11:
0x22a: {  	[tilespmem:s18+$0x8010] =	vst.add.f32.msk $0xffff, v2;
	(pc) =	sbr.rel @p0 .LBB2_24-.Ltmp11, $4  }
0x22b: {  	[tilespmem:s18+$0x8020] =	vst.add.f32.msk $0xffff, v3  }
0x22c: {  	[tilespmem:s18+$0x8030] =	vst.add.f32.msk $0xffff, v4  }
0x22d: {  	[tilespmem:s18+$0x8040] =	vst.add.f32.msk $0xffff, v5  }
0x22e: {  	s20 =	sadd.s32 $0x200, s20;
	[tilespmem:s18+$0x8050] =	vst.add.f32.msk $0xffff, v6  }
0x22f: {  	[tilespmem:s18+$0x8060] =	vst.add.f32.msk $0xffff, v0  }
0x230: {  	s18 =	simm.s32 $0x0;
	s19 =	rddreg [dreg:$0x1a]  }
0x231: {  	[hbm4b:s19+s18] =	stream.linear.scatter [tilespmem:s16], [sflag:$0x1], $0x8000, $0x38;
	[tilespmem:$0x10000] =	vst v63  }
0x232: {  	_ =	swait.ge [sflag:s15], $0x8000  }
0x233: {  	[sflag:s15] =	ssyncset.done $0x0  }
0x234: {  	s20 =	rddreg [dreg:$0x1b];
	[sflag:s15] =	ssyncadd.s32 $0xFFFF8000  }
0x235: {  	[tilespmem:s18], [sflag:$0x1] =	stream.linear.gather [hbm4b:s20+s18], $0x8000, $0x38;
	[tilespmem:$0x10000] =	vst v63  }
0x236: {  	_ =	swait.ge [sflag:s15], $0x8000  }
0x237: {  	[sflag:s15] =	ssyncset.done $0x0  }
0x238: {  	s20 =	rddreg [dreg:$0x1c];
	[sflag:s15] =	ssyncadd.s32 $0xFFFF8000  }
0x239: {  	[tilespmem:s16], [sflag:$0x1] =	stream.linear.gather [hbm4b:s20+s18], $0x8000, $0x38;
	[tilespmem:$0x10000] =	vst v63  }
0x23a: {  	_ =	swait.ge [sflag:s15], $0x8000  }
0x23b: {  	[sflag:s15] =	ssyncset.done $0x0  }
0x23c: {  	s18 =	simm.s32 $0x0;
	[sflag:s15] =	ssyncadd.s32 $0xFFFF8000  }
0x23d: {  	v0 =	vld [tilespmem:s18+$0x70]  }
0x23e: {  	v1 =	vld [tilespmem:s18+$0x0]  }
0x23f: {  	v2 =	vld [tilespmem:s18+$0x10]  }
0x240: {  	v3 =	vld [tilespmem:s18+$0x20]  }
0x241: {  	v4 =	vld [tilespmem:s18+$0x30]  }
0x242: {  	v5 =	vld [tilespmem:s18+$0x40]  }
0x243: {  	v6 =	vld [tilespmem:s18+$0x50]  }
0x244: {  	[tilespmem:s18+$0x8070] =	vst.add.f32.msk $0xffff, v0  }
0x245: {  	v0 =	vld [tilespmem:s18+$0x60]  }
0x246: {  	[tilespmem:s18+$0x8000] =	vst.add.f32.msk $0xffff, v1  }
0x247: {  	[tilespmem:s18+$0x8010] =	vst.add.f32.msk $0xffff, v2  }
0x248: {  	[tilespmem:s18+$0x8020] =	vst.add.f32.msk $0xffff, v3  }
0x249: {  	[tilespmem:s18+$0x8030] =	vst.add.f32.msk $0xffff, v4  }
0x24a: {  	[tilespmem:s18+$0x8040] =	vst.add.f32.msk $0xffff, v5  }
0x24b: {  	s19 =	simm.s32 $0x0;
	s20 =	simm.s32 $0x200;
	[tilespmem:s18+$0x8050] =	vst.add.f32.msk $0xffff, v6  }
.LBB2_26:
0x24c: {  	s19 =	sadd.s32 $0x80, s19;
	[tilespmem:s18+$0x8060] =	vst.add.f32.msk $0xffff, v0;
	s18 =	sshra.s32 s20, $0x2  }
0x24d: {  	v0 =	vld [tilespmem:s18+$0x70];
	p0 =	slt.u32 s19, $0x7F80  }
0x24e: {  	v1 =	vld [tilespmem:s18+$0x0]  }
0x24f: {  	v2 =	vld [tilespmem:s18+$0x10]  }
0x250: {  	v3 =	vld [tilespmem:s18+$0x20]  }
0x251: {  	v4 =	vld [tilespmem:s18+$0x30]  }
0x252: {  	[tilespmem:s18+$0x8070] =	vst.add.f32.msk $0xffff, v0  }
0x253: {  	v5 =	vld [tilespmem:s18+$0x40]  }
0x254: {  	v6 =	vld [tilespmem:s18+$0x50]  }
0x255: {  	v0 =	vld [tilespmem:s18+$0x60]  }
0x256: {  	[tilespmem:s18+$0x8000] =	vst.add.f32.msk $0xffff, v1  }
.Ltmp12:
0x257: {  	[tilespmem:s18+$0x8010] =	vst.add.f32.msk $0xffff, v2;
	(pc) =	sbr.rel @p0 .LBB2_26-.Ltmp12, $4  }
0x258: {  	[tilespmem:s18+$0x8020] =	vst.add.f32.msk $0xffff, v3  }
0x259: {  	[tilespmem:s18+$0x8030] =	vst.add.f32.msk $0xffff, v4  }
0x25a: {  	[tilespmem:s18+$0x8040] =	vst.add.f32.msk $0xffff, v5  }
0x25b: {  	s20 =	sadd.s32 $0x200, s20;
	[tilespmem:s18+$0x8050] =	vst.add.f32.msk $0xffff, v6  }
0x25c: {  	[tilespmem:s18+$0x8060] =	vst.add.f32.msk $0xffff, v0  }
0x25d: {  	s18 =	simm.s32 $0x0;
	s19 =	rddreg [dreg:$0x1d]  }
0x25e: {  	[hbm4b:s19+s18] =	stream.linear.scatter [tilespmem:s16], [sflag:$0x1], $0x8000, $0x38;
	[tilespmem:$0x10000] =	vst v63  }
0x25f: {  	_ =	swait.ge [sflag:s15], $0x8000  }
0x260: {  	[sflag:s15] =	ssyncset.done $0x0  }
0x261: {  	s20 =	rddreg [dreg:$0x1e];
	[sflag:s15] =	ssyncadd.s32 $0xFFFF8000  }
0x262: {  	[tilespmem:s16], [sflag:$0x1] =	stream.linear.gather [hbm4b:s20+s18], $0x8000, $0x38;
	[tilespmem:$0x10000] =	vst v63  }
0x263: {  	_ =	swait.ge [sflag:s15], $0x8000  }
0x264: {  	[sflag:s15] =	ssyncset.done $0x0  }
0x265: {  	s18 =	simm.s32 $0x0;
	[sflag:s15] =	ssyncadd.s32 $0xFFFF8000  }
0x266: {  	v0 =	vld [tilespmem:s18+$0x70]  }
0x267: {  	v1 =	vld [tilespmem:s18+$0x0]  }
0x268: {  	v2 =	vld [tilespmem:s18+$0x10]  }
0x269: {  	v3 =	vld [tilespmem:s18+$0x20]  }
0x26a: {  	v4 =	vld [tilespmem:s18+$0x30]  }
0x26b: {  	v5 =	vld [tilespmem:s18+$0x40]  }
0x26c: {  	v6 =	vld [tilespmem:s18+$0x50]  }
0x26d: {  	[tilespmem:s18+$0x8070] =	vst.add.f32.msk $0xffff, v0  }
0x26e: {  	v0 =	vld [tilespmem:s18+$0x60]  }
0x26f: {  	[tilespmem:s18+$0x8000] =	vst.add.f32.msk $0xffff, v1  }
0x270: {  	[tilespmem:s18+$0x8010] =	vst.add.f32.msk $0xffff, v2  }
0x271: {  	[tilespmem:s18+$0x8020] =	vst.add.f32.msk $0xffff, v3  }
0x272: {  	[tilespmem:s18+$0x8030] =	vst.add.f32.msk $0xffff, v4  }
0x273: {  	[tilespmem:s18+$0x8040] =	vst.add.f32.msk $0xffff, v5  }
0x274: {  	s19 =	simm.s32 $0x0;
	s20 =	simm.s32 $0x200;
	[tilespmem:s18+$0x8050] =	vst.add.f32.msk $0xffff, v6  }
.LBB2_28:
0x275: {  	s19 =	sadd.s32 $0x80, s19;
	[tilespmem:s18+$0x8060] =	vst.add.f32.msk $0xffff, v0;
	s18 =	sshra.s32 s20, $0x2  }
0x276: {  	v0 =	vld [tilespmem:s18+$0x70];
	p0 =	slt.u32 s19, $0x7F80  }
0x277: {  	v1 =	vld [tilespmem:s18+$0x0]  }
0x278: {  	v2 =	vld [tilespmem:s18+$0x10]  }
0x279: {  	v3 =	vld [tilespmem:s18+$0x20]  }
0x27a: {  	v4 =	vld [tilespmem:s18+$0x30]  }
0x27b: {  	[tilespmem:s18+$0x8070] =	vst.add.f32.msk $0xffff, v0  }
0x27c: {  	v5 =	vld [tilespmem:s18+$0x40]  }
0x27d: {  	v6 =	vld [tilespmem:s18+$0x50]  }
0x27e: {  	v0 =	vld [tilespmem:s18+$0x60]  }
0x27f: {  	[tilespmem:s18+$0x8000] =	vst.add.f32.msk $0xffff, v1  }
.Ltmp13:
0x280: {  	[tilespmem:s18+$0x8010] =	vst.add.f32.msk $0xffff, v2;
	(pc) =	sbr.rel @p0 .LBB2_28-.Ltmp13, $4  }
0x281: {  	[tilespmem:s18+$0x8020] =	vst.add.f32.msk $0xffff, v3  }
0x282: {  	[tilespmem:s18+$0x8030] =	vst.add.f32.msk $0xffff, v4  }
0x283: {  	[tilespmem:s18+$0x8040] =	vst.add.f32.msk $0xffff, v5  }
0x284: {  	s20 =	sadd.s32 $0x200, s20;
	[tilespmem:s18+$0x8050] =	vst.add.f32.msk $0xffff, v6  }
0x285: {  	[tilespmem:s18+$0x8060] =	vst.add.f32.msk $0xffff, v0  }
0x286: {  	s18 =	simm.s32 $0x0;
	s19 =	rddreg [dreg:$0x1f]  }
0x287: {  	[hbm4b:s19+s18] =	stream.linear.scatter [tilespmem:s16], [sflag:$0x1], $0x8000, $0x38;
	[tilespmem:$0x10000] =	vst v63  }
0x288: {  	_ =	swait.ge [sflag:s15], $0x8000  }
0x289: {  	s20 =	sld [smem:$0x7EA]  }
0x28a: {  	[sflag:s15] =	ssyncset.done $0x0  }
0x28b: {  	[sflag:s15] =	ssyncadd.s32 $0xFFFF8000  }
0x28c: {  	[tilespmem:s16], [sflag:$0x1] =	stream.linear.gather [hbm4b:s20+s18], $0x8000, $0x38;
	[tilespmem:$0x10000] =	vst v63  }
0x28d: {  	_ =	swait.ge [sflag:s15], $0x8000  }
0x28e: {  	[sflag:s15] =	ssyncset.done $0x0  }
0x28f: {  	s18 =	simm.s32 $0x0;
	[sflag:s15] =	ssyncadd.s32 $0xFFFF8000  }
0x290: {  	v0 =	vld [tilespmem:s18+$0x70]  }
0x291: {  	v1 =	vld [tilespmem:s18+$0x0]  }
0x292: {  	v2 =	vld [tilespmem:s18+$0x10]  }
0x293: {  	v3 =	vld [tilespmem:s18+$0x20]  }
0x294: {  	v4 =	vld [tilespmem:s18+$0x30]  }
0x295: {  	v5 =	vld [tilespmem:s18+$0x40]  }
0x296: {  	v6 =	vld [tilespmem:s18+$0x50]  }
0x297: {  	[tilespmem:s18+$0x8070] =	vst.add.f32.msk $0xffff, v0  }
0x298: {  	v0 =	vld [tilespmem:s18+$0x60]  }
0x299: {  	[tilespmem:s18+$0x8000] =	vst.add.f32.msk $0xffff, v1  }
0x29a: {  	[tilespmem:s18+$0x8010] =	vst.add.f32.msk $0xffff, v2  }
0x29b: {  	[tilespmem:s18+$0x8020] =	vst.add.f32.msk $0xffff, v3  }
0x29c: {  	[tilespmem:s18+$0x8030] =	vst.add.f32.msk $0xffff, v4  }
0x29d: {  	[tilespmem:s18+$0x8040] =	vst.add.f32.msk $0xffff, v5  }
0x29e: {  	s19 =	simm.s32 $0x0;
	s20 =	simm.s32 $0x200;
	[tilespmem:s18+$0x8050] =	vst.add.f32.msk $0xffff, v6  }
.LBB2_30:
0x29f: {  	s19 =	sadd.s32 $0x80, s19;
	[tilespmem:s18+$0x8060] =	vst.add.f32.msk $0xffff, v0;
	s18 =	sshra.s32 s20, $0x2  }
0x2a0: {  	v0 =	vld [tilespmem:s18+$0x70];
	p0 =	slt.u32 s19, $0x7F80  }
0x2a1: {  	v1 =	vld [tilespmem:s18+$0x0]  }
0x2a2: {  	v2 =	vld [tilespmem:s18+$0x10]  }
0x2a3: {  	v3 =	vld [tilespmem:s18+$0x20]  }
0x2a4: {  	v4 =	vld [tilespmem:s18+$0x30]  }
0x2a5: {  	[tilespmem:s18+$0x8070] =	vst.add.f32.msk $0xffff, v0  }
0x2a6: {  	v5 =	vld [tilespmem:s18+$0x40]  }
0x2a7: {  	v6 =	vld [tilespmem:s18+$0x50]  }
0x2a8: {  	v0 =	vld [tilespmem:s18+$0x60]  }
0x2a9: {  	[tilespmem:s18+$0x8000] =	vst.add.f32.msk $0xffff, v1  }
.Ltmp14:
0x2aa: {  	[tilespmem:s18+$0x8010] =	vst.add.f32.msk $0xffff, v2;
	(pc) =	sbr.rel @p0 .LBB2_30-.Ltmp14, $4  }
0x2ab: {  	[tilespmem:s18+$0x8020] =	vst.add.f32.msk $0xffff, v3  }
0x2ac: {  	[tilespmem:s18+$0x8030] =	vst.add.f32.msk $0xffff, v4  }
0x2ad: {  	[tilespmem:s18+$0x8040] =	vst.add.f32.msk $0xffff, v5  }
0x2ae: {  	s20 =	sadd.s32 $0x200, s20;
	[tilespmem:s18+$0x8050] =	vst.add.f32.msk $0xffff, v6  }
0x2af: {  	[tilespmem:s18+$0x8060] =	vst.add.f32.msk $0xffff, v0  }
0x2b0: {  	s19 =	sld [smem:$0x7EB];
	_ =	sdelay $0x1  }
0x2b1: {  	s18 =	simm.s32 $0x0  }
0x2b2: {  	[hbm4b:s19+s18] =	stream.linear.scatter [tilespmem:s16], [sflag:$0x1], $0x8000, $0x38;
	[tilespmem:$0x10000] =	vst v63  }
0x2b3: {  	_ =	swait.ge [sflag:s15], $0x8000  }
0x2b4: {  	s20 =	sld [smem:$0x7EC]  }
0x2b5: {  	[sflag:s15] =	ssyncset.done $0x0  }
0x2b6: {  	[sflag:s15] =	ssyncadd.s32 $0xFFFF8000  }
0x2b7: {  	[tilespmem:s16], [sflag:$0x1] =	stream.linear.gather [hbm4b:s20+s18], $0x8000, $0x38;
	[tilespmem:$0x10000] =	vst v63  }
0x2b8: {  	_ =	swait.ge [sflag:s15], $0x8000  }
0x2b9: {  	[sflag:s15] =	ssyncset.done $0x0  }
0x2ba: {  	s18 =	simm.s32 $0x0;
	[sflag:s15] =	ssyncadd.s32 $0xFFFF8000  }
0x2bb: {  	v0 =	vld [tilespmem:s18+$0x70]  }
0x2bc: {  	v1 =	vld [tilespmem:s18+$0x0]  }
0x2bd: {  	v2 =	vld [tilespmem:s18+$0x10]  }
0x2be: {  	v3 =	vld [tilespmem:s18+$0x20]  }
0x2bf: {  	v4 =	vld [tilespmem:s18+$0x30]  }
0x2c0: {  	v5 =	vld [tilespmem:s18+$0x40]  }
0x2c1: {  	v6 =	vld [tilespmem:s18+$0x50]  }
0x2c2: {  	[tilespmem:s18+$0x8070] =	vst.add.f32.msk $0xffff, v0  }
0x2c3: {  	v0 =	vld [tilespmem:s18+$0x60]  }
0x2c4: {  	[tilespmem:s18+$0x8000] =	vst.add.f32.msk $0xffff, v1  }
0x2c5: {  	[tilespmem:s18+$0x8010] =	vst.add.f32.msk $0xffff, v2  }
0x2c6: {  	[tilespmem:s18+$0x8020] =	vst.add.f32.msk $0xffff, v3  }
0x2c7: {  	[tilespmem:s18+$0x8030] =	vst.add.f32.msk $0xffff, v4  }
0x2c8: {  	[tilespmem:s18+$0x8040] =	vst.add.f32.msk $0xffff, v5  }
0x2c9: {  	s19 =	simm.s32 $0x0;
	s20 =	simm.s32 $0x200;
	[tilespmem:s18+$0x8050] =	vst.add.f32.msk $0xffff, v6  }
.LBB2_32:
0x2ca: {  	s19 =	sadd.s32 $0x80, s19;
	[tilespmem:s18+$0x8060] =	vst.add.f32.msk $0xffff, v0;
	s18 =	sshra.s32 s20, $0x2  }
0x2cb: {  	v0 =	vld [tilespmem:s18+$0x70];
	p0 =	slt.u32 s19, $0x7F80  }
0x2cc: {  	v1 =	vld [tilespmem:s18+$0x0]  }
0x2cd: {  	v2 =	vld [tilespmem:s18+$0x10]  }
0x2ce: {  	v3 =	vld [tilespmem:s18+$0x20]  }
0x2cf: {  	v4 =	vld [tilespmem:s18+$0x30]  }
0x2d0: {  	[tilespmem:s18+$0x8070] =	vst.add.f32.msk $0xffff, v0  }
0x2d1: {  	v5 =	vld [tilespmem:s18+$0x40]  }
0x2d2: {  	v6 =	vld [tilespmem:s18+$0x50]  }
0x2d3: {  	v0 =	vld [tilespmem:s18+$0x60]  }
0x2d4: {  	[tilespmem:s18+$0x8000] =	vst.add.f32.msk $0xffff, v1  }
.Ltmp15:
0x2d5: {  	[tilespmem:s18+$0x8010] =	vst.add.f32.msk $0xffff, v2;
	(pc) =	sbr.rel @p0 .LBB2_32-.Ltmp15, $4  }
0x2d6: {  	[tilespmem:s18+$0x8020] =	vst.add.f32.msk $0xffff, v3  }
0x2d7: {  	[tilespmem:s18+$0x8030] =	vst.add.f32.msk $0xffff, v4  }
0x2d8: {  	[tilespmem:s18+$0x8040] =	vst.add.f32.msk $0xffff, v5  }
0x2d9: {  	s20 =	sadd.s32 $0x200, s20;
	[tilespmem:s18+$0x8050] =	vst.add.f32.msk $0xffff, v6  }
0x2da: {  	[tilespmem:s18+$0x8060] =	vst.add.f32.msk $0xffff, v0  }
0x2db: {  	s19 =	sld [smem:$0x7ED];
	_ =	sdelay $0x1  }
0x2dc: {  	s18 =	simm.s32 $0x0  }
0x2dd: {  	[hbm4b:s19+s18] =	stream.linear.scatter [tilespmem:s16], [sflag:$0x1], $0x8000, $0x38;
	[tilespmem:$0x10000] =	vst v63  }
0x2de: {  	_ =	swait.ge [sflag:s15], $0x8000  }
0x2df: {  	s20 =	sld [smem:$0x7EE]  }
0x2e0: {  	[sflag:s15] =	ssyncset.done $0x0  }
0x2e1: {  	[sflag:s15] =	ssyncadd.s32 $0xFFFF8000  }
0x2e2: {  	[tilespmem:s18], [sflag:$0x1] =	stream.linear.gather [hbm4b:s20+s18], $0x8000, $0x38;
	[tilespmem:$0x10000] =	vst v63  }
0x2e3: {  	_ =	swait.ge [sflag:s15], $0x8000  }
0x2e4: {  	s20 =	sld [smem:$0x7EF]  }
0x2e5: {  	[sflag:s15] =	ssyncset.done $0x0  }
0x2e6: {  	[sflag:s15] =	ssyncadd.s32 $0xFFFF8000  }
0x2e7: {  	[tilespmem:s16], [sflag:$0x1] =	stream.linear.gather [hbm4b:s20+s18], $0x8000, $0x38;
	[tilespmem:$0x10000] =	vst v63  }
0x2e8: {  	_ =	swait.ge [sflag:s15], $0x8000  }
0x2e9: {  	[sflag:s15] =	ssyncset.done $0x0  }
0x2ea: {  	s18 =	simm.s32 $0x0;
	[sflag:s15] =	ssyncadd.s32 $0xFFFF8000  }
0x2eb: {  	v0 =	vld [tilespmem:s18+$0x70]  }
0x2ec: {  	v1 =	vld [tilespmem:s18+$0x0]  }
0x2ed: {  	v2 =	vld [tilespmem:s18+$0x10]  }
0x2ee: {  	v3 =	vld [tilespmem:s18+$0x20]  }
0x2ef: {  	v4 =	vld [tilespmem:s18+$0x30]  }
0x2f0: {  	v5 =	vld [tilespmem:s18+$0x40]  }
0x2f1: {  	v6 =	vld [tilespmem:s18+$0x50]  }
0x2f2: {  	[tilespmem:s18+$0x8070] =	vst.add.f32.msk $0xffff, v0  }
0x2f3: {  	v0 =	vld [tilespmem:s18+$0x60]  }
0x2f4: {  	[tilespmem:s18+$0x8000] =	vst.add.f32.msk $0xffff, v1  }
0x2f5: {  	[tilespmem:s18+$0x8010] =	vst.add.f32.msk $0xffff, v2  }
0x2f6: {  	[tilespmem:s18+$0x8020] =	vst.add.f32.msk $0xffff, v3  }
0x2f7: {  	[tilespmem:s18+$0x8030] =	vst.add.f32.msk $0xffff, v4  }
0x2f8: {  	[tilespmem:s18+$0x8040] =	vst.add.f32.msk $0xffff, v5  }
0x2f9: {  	s19 =	simm.s32 $0x0;
	s20 =	simm.s32 $0x200;
	[tilespmem:s18+$0x8050] =	vst.add.f32.msk $0xffff, v6  }
.LBB2_34:
0x2fa: {  	s19 =	sadd.s32 $0x80, s19;
	[tilespmem:s18+$0x8060] =	vst.add.f32.msk $0xffff, v0;
	s18 =	sshra.s32 s20, $0x2  }
0x2fb: {  	v0 =	vld [tilespmem:s18+$0x70];
	p0 =	slt.u32 s19, $0x7F80  }
0x2fc: {  	v1 =	vld [tilespmem:s18+$0x0]  }
0x2fd: {  	v2 =	vld [tilespmem:s18+$0x10]  }
0x2fe: {  	v3 =	vld [tilespmem:s18+$0x20]  }
0x2ff: {  	v4 =	vld [tilespmem:s18+$0x30]  }
0x300: {  	[tilespmem:s18+$0x8070] =	vst.add.f32.msk $0xffff, v0  }
0x301: {  	v5 =	vld [tilespmem:s18+$0x40]  }
0x302: {  	v6 =	vld [tilespmem:s18+$0x50]  }
0x303: {  	v0 =	vld [tilespmem:s18+$0x60]  }
0x304: {  	[tilespmem:s18+$0x8000] =	vst.add.f32.msk $0xffff, v1  }
.Ltmp16:
0x305: {  	[tilespmem:s18+$0x8010] =	vst.add.f32.msk $0xffff, v2;
	(pc) =	sbr.rel @p0 .LBB2_34-.Ltmp16, $4  }
0x306: {  	[tilespmem:s18+$0x8020] =	vst.add.f32.msk $0xffff, v3  }
0x307: {  	[tilespmem:s18+$0x8030] =	vst.add.f32.msk $0xffff, v4  }
0x308: {  	[tilespmem:s18+$0x8040] =	vst.add.f32.msk $0xffff, v5  }
0x309: {  	s20 =	sadd.s32 $0x200, s20;
	[tilespmem:s18+$0x8050] =	vst.add.f32.msk $0xffff, v6  }
0x30a: {  	[tilespmem:s18+$0x8060] =	vst.add.f32.msk $0xffff, v0  }
0x30b: {  	s19 =	sld [smem:$0x7F0];
	_ =	sdelay $0x1  }
0x30c: {  	s18 =	simm.s32 $0x0  }
0x30d: {  	[hbm4b:s19+s18] =	stream.linear.scatter [tilespmem:s16], [sflag:$0x1], $0x8000, $0x38;
	[tilespmem:$0x10000] =	vst v63  }
0x30e: {  	_ =	swait.ge [sflag:s15], $0x8000  }
0x30f: {  	s20 =	sld [smem:$0x7F1]  }
0x310: {  	[sflag:s15] =	ssyncset.done $0x0  }
0x311: {  	[sflag:s15] =	ssyncadd.s32 $0xFFFF8000  }
0x312: {  	[tilespmem:s16], [sflag:$0x1] =	stream.linear.gather [hbm4b:s20+s18], $0x8000, $0x38;
	[tilespmem:$0x10000] =	vst v63  }
0x313: {  	_ =	swait.ge [sflag:s15], $0x8000  }
0x314: {  	[sflag:s15] =	ssyncset.done $0x0  }
0x315: {  	s18 =	simm.s32 $0x0;
	[sflag:s15] =	ssyncadd.s32 $0xFFFF8000  }
0x316: {  	v0 =	vld [tilespmem:s18+$0x70]  }
0x317: {  	v1 =	vld [tilespmem:s18+$0x0]  }
0x318: {  	v2 =	vld [tilespmem:s18+$0x10]  }
0x319: {  	v3 =	vld [tilespmem:s18+$0x20]  }
0x31a: {  	v4 =	vld [tilespmem:s18+$0x30]  }
0x31b: {  	v5 =	vld [tilespmem:s18+$0x40]  }
0x31c: {  	v6 =	vld [tilespmem:s18+$0x50]  }
0x31d: {  	[tilespmem:s18+$0x8070] =	vst.add.f32.msk $0xffff, v0  }
0x31e: {  	v0 =	vld [tilespmem:s18+$0x60]  }
0x31f: {  	[tilespmem:s18+$0x8000] =	vst.add.f32.msk $0xffff, v1  }
0x320: {  	[tilespmem:s18+$0x8010] =	vst.add.f32.msk $0xffff, v2  }
0x321: {  	[tilespmem:s18+$0x8020] =	vst.add.f32.msk $0xffff, v3  }
0x322: {  	[tilespmem:s18+$0x8030] =	vst.add.f32.msk $0xffff, v4  }
0x323: {  	[tilespmem:s18+$0x8040] =	vst.add.f32.msk $0xffff, v5  }
0x324: {  	s19 =	simm.s32 $0x0;
	s20 =	simm.s32 $0x200;
	[tilespmem:s18+$0x8050] =	vst.add.f32.msk $0xffff, v6  }
.LBB2_36:
0x325: {  	s19 =	sadd.s32 $0x80, s19;
	[tilespmem:s18+$0x8060] =	vst.add.f32.msk $0xffff, v0;
	s18 =	sshra.s32 s20, $0x2  }
0x326: {  	v0 =	vld [tilespmem:s18+$0x70];
	p0 =	slt.u32 s19, $0x7F80  }
0x327: {  	v1 =	vld [tilespmem:s18+$0x0]  }
0x328: {  	v2 =	vld [tilespmem:s18+$0x10]  }
0x329: {  	v3 =	vld [tilespmem:s18+$0x20]  }
0x32a: {  	v4 =	vld [tilespmem:s18+$0x30]  }
0x32b: {  	[tilespmem:s18+$0x8070] =	vst.add.f32.msk $0xffff, v0  }
0x32c: {  	v5 =	vld [tilespmem:s18+$0x40]  }
0x32d: {  	v6 =	vld [tilespmem:s18+$0x50]  }
0x32e: {  	v0 =	vld [tilespmem:s18+$0x60]  }
0x32f: {  	[tilespmem:s18+$0x8000] =	vst.add.f32.msk $0xffff, v1  }
.Ltmp17:
0x330: {  	[tilespmem:s18+$0x8010] =	vst.add.f32.msk $0xffff, v2;
	(pc) =	sbr.rel @p0 .LBB2_36-.Ltmp17, $4  }
0x331: {  	[tilespmem:s18+$0x8020] =	vst.add.f32.msk $0xffff, v3  }
0x332: {  	[tilespmem:s18+$0x8030] =	vst.add.f32.msk $0xffff, v4  }
0x333: {  	[tilespmem:s18+$0x8040] =	vst.add.f32.msk $0xffff, v5  }
0x334: {  	s20 =	sadd.s32 $0x200, s20;
	[tilespmem:s18+$0x8050] =	vst.add.f32.msk $0xffff, v6  }
0x335: {  	[tilespmem:s18+$0x8060] =	vst.add.f32.msk $0xffff, v0  }
0x336: {  	s19 =	sld [smem:$0x7F2];
	_ =	sdelay $0x1  }
0x337: {  	s18 =	simm.s32 $0x0  }
0x338: {  	[hbm4b:s19+s18] =	stream.linear.scatter [tilespmem:s16], [sflag:$0x1], $0x8000, $0x38;
	[tilespmem:$0x10000] =	vst v63  }
0x339: {  	_ =	swait.ge [sflag:s15], $0x8000  }
0x33a: {  	s20 =	sld [smem:$0x7F3]  }
0x33b: {  	[sflag:s15] =	ssyncset.done $0x0  }
0x33c: {  	[sflag:s15] =	ssyncadd.s32 $0xFFFF8000  }
0x33d: {  	[tilespmem:s16], [sflag:$0x1] =	stream.linear.gather [hbm4b:s20+s18], $0x8000, $0x38;
	[tilespmem:$0x10000] =	vst v63  }
0x33e: {  	_ =	swait.ge [sflag:s15], $0x8000  }
0x33f: {  	[sflag:s15] =	ssyncset.done $0x0  }
0x340: {  	s18 =	simm.s32 $0x0;
	[sflag:s15] =	ssyncadd.s32 $0xFFFF8000  }
0x341: {  	v0 =	vld [tilespmem:s18+$0x70]  }
0x342: {  	v1 =	vld [tilespmem:s18+$0x0]  }
0x343: {  	v2 =	vld [tilespmem:s18+$0x10]  }
0x344: {  	v3 =	vld [tilespmem:s18+$0x20]  }
0x345: {  	v4 =	vld [tilespmem:s18+$0x30]  }
0x346: {  	v5 =	vld [tilespmem:s18+$0x40]  }
0x347: {  	v6 =	vld [tilespmem:s18+$0x50]  }
0x348: {  	[tilespmem:s18+$0x8070] =	vst.add.f32.msk $0xffff, v0  }
0x349: {  	v0 =	vld [tilespmem:s18+$0x60]  }
0x34a: {  	[tilespmem:s18+$0x8000] =	vst.add.f32.msk $0xffff, v1  }
0x34b: {  	[tilespmem:s18+$0x8010] =	vst.add.f32.msk $0xffff, v2  }
0x34c: {  	[tilespmem:s18+$0x8020] =	vst.add.f32.msk $0xffff, v3  }
0x34d: {  	[tilespmem:s18+$0x8030] =	vst.add.f32.msk $0xffff, v4  }
0x34e: {  	[tilespmem:s18+$0x8040] =	vst.add.f32.msk $0xffff, v5  }
0x34f: {  	s19 =	simm.s32 $0x0;
	s20 =	simm.s32 $0x200;
	[tilespmem:s18+$0x8050] =	vst.add.f32.msk $0xffff, v6  }
.LBB2_38:
0x350: {  	s19 =	sadd.s32 $0x80, s19;
	[tilespmem:s18+$0x8060] =	vst.add.f32.msk $0xffff, v0;
	s18 =	sshra.s32 s20, $0x2  }
0x351: {  	v0 =	vld [tilespmem:s18+$0x70];
	p0 =	slt.u32 s19, $0x7F80  }
0x352: {  	v1 =	vld [tilespmem:s18+$0x0]  }
0x353: {  	v2 =	vld [tilespmem:s18+$0x10]  }
0x354: {  	v3 =	vld [tilespmem:s18+$0x20]  }
0x355: {  	v4 =	vld [tilespmem:s18+$0x30]  }
0x356: {  	[tilespmem:s18+$0x8070] =	vst.add.f32.msk $0xffff, v0  }
0x357: {  	v5 =	vld [tilespmem:s18+$0x40]  }
0x358: {  	v6 =	vld [tilespmem:s18+$0x50]  }
0x359: {  	v0 =	vld [tilespmem:s18+$0x60]  }
0x35a: {  	[tilespmem:s18+$0x8000] =	vst.add.f32.msk $0xffff, v1  }
.Ltmp18:
0x35b: {  	[tilespmem:s18+$0x8010] =	vst.add.f32.msk $0xffff, v2;
	(pc) =	sbr.rel @p0 .LBB2_38-.Ltmp18, $4  }
0x35c: {  	[tilespmem:s18+$0x8020] =	vst.add.f32.msk $0xffff, v3  }
0x35d: {  	[tilespmem:s18+$0x8030] =	vst.add.f32.msk $0xffff, v4  }
0x35e: {  	[tilespmem:s18+$0x8040] =	vst.add.f32.msk $0xffff, v5  }
0x35f: {  	s20 =	sadd.s32 $0x200, s20;
	[tilespmem:s18+$0x8050] =	vst.add.f32.msk $0xffff, v6  }
0x360: {  	[tilespmem:s18+$0x8060] =	vst.add.f32.msk $0xffff, v0  }
0x361: {  	s19 =	sld [smem:$0x7F4];
	_ =	sdelay $0x1  }
0x362: {  	s18 =	simm.s32 $0x0  }
0x363: {  	[hbm4b:s19+s18] =	stream.linear.scatter [tilespmem:s16], [sflag:$0x1], $0x8000, $0x38;
	[tilespmem:$0x10000] =	vst v63  }
0x364: {  	_ =	swait.ge [sflag:s15], $0x8000  }
0x365: {  	s20 =	sld [smem:$0x7F5]  }
0x366: {  	[sflag:s15] =	ssyncset.done $0x0  }
0x367: {  	[sflag:s15] =	ssyncadd.s32 $0xFFFF8000  }
0x368: {  	[tilespmem:s16], [sflag:$0x1] =	stream.linear.gather [hbm4b:s20+s18], $0x8000, $0x38;
	[tilespmem:$0x10000] =	vst v63  }
0x369: {  	_ =	swait.ge [sflag:s15], $0x8000  }
0x36a: {  	[sflag:s15] =	ssyncset.done $0x0  }
0x36b: {  	s18 =	simm.s32 $0x0;
	[sflag:s15] =	ssyncadd.s32 $0xFFFF8000  }
0x36c: {  	v0 =	vld [tilespmem:s18+$0x70]  }
0x36d: {  	v1 =	vld [tilespmem:s18+$0x0]  }
0x36e: {  	v2 =	vld [tilespmem:s18+$0x10]  }
0x36f: {  	v3 =	vld [tilespmem:s18+$0x20]  }
0x370: {  	v4 =	vld [tilespmem:s18+$0x30]  }
0x371: {  	v5 =	vld [tilespmem:s18+$0x40]  }
0x372: {  	v6 =	vld [tilespmem:s18+$0x50]  }
0x373: {  	[tilespmem:s18+$0x8070] =	vst.add.f32.msk $0xffff, v0  }
0x374: {  	v0 =	vld [tilespmem:s18+$0x60]  }
0x375: {  	[tilespmem:s18+$0x8000] =	vst.add.f32.msk $0xffff, v1  }
0x376: {  	[tilespmem:s18+$0x8010] =	vst.add.f32.msk $0xffff, v2  }
0x377: {  	[tilespmem:s18+$0x8020] =	vst.add.f32.msk $0xffff, v3  }
0x378: {  	[tilespmem:s18+$0x8030] =	vst.add.f32.msk $0xffff, v4  }
0x379: {  	[tilespmem:s18+$0x8040] =	vst.add.f32.msk $0xffff, v5  }
0x37a: {  	s19 =	simm.s32 $0x0;
	s20 =	simm.s32 $0x200;
	[tilespmem:s18+$0x8050] =	vst.add.f32.msk $0xffff, v6  }
.LBB2_40:
0x37b: {  	s19 =	sadd.s32 $0x80, s19;
	[tilespmem:s18+$0x8060] =	vst.add.f32.msk $0xffff, v0;
	s18 =	sshra.s32 s20, $0x2  }
0x37c: {  	v0 =	vld [tilespmem:s18+$0x70];
	p0 =	slt.u32 s19, $0x7F80  }
0x37d: {  	v1 =	vld [tilespmem:s18+$0x0]  }
0x37e: {  	v2 =	vld [tilespmem:s18+$0x10]  }
0x37f: {  	v3 =	vld [tilespmem:s18+$0x20]  }
0x380: {  	v4 =	vld [tilespmem:s18+$0x30]  }
0x381: {  	[tilespmem:s18+$0x8070] =	vst.add.f32.msk $0xffff, v0  }
0x382: {  	v5 =	vld [tilespmem:s18+$0x40]  }
0x383: {  	v6 =	vld [tilespmem:s18+$0x50]  }
0x384: {  	v0 =	vld [tilespmem:s18+$0x60]  }
0x385: {  	[tilespmem:s18+$0x8000] =	vst.add.f32.msk $0xffff, v1  }
.Ltmp19:
0x386: {  	[tilespmem:s18+$0x8010] =	vst.add.f32.msk $0xffff, v2;
	(pc) =	sbr.rel @p0 .LBB2_40-.Ltmp19, $4  }
0x387: {  	[tilespmem:s18+$0x8020] =	vst.add.f32.msk $0xffff, v3  }
0x388: {  	[tilespmem:s18+$0x8030] =	vst.add.f32.msk $0xffff, v4  }
0x389: {  	[tilespmem:s18+$0x8040] =	vst.add.f32.msk $0xffff, v5  }
0x38a: {  	s20 =	sadd.s32 $0x200, s20;
	[tilespmem:s18+$0x8050] =	vst.add.f32.msk $0xffff, v6  }
0x38b: {  	[tilespmem:s18+$0x8060] =	vst.add.f32.msk $0xffff, v0  }
0x38c: {  	s19 =	sld [smem:$0x7F6];
	_ =	sdelay $0x1  }
0x38d: {  	s18 =	simm.s32 $0x0  }
0x38e: {  	[hbm4b:s19+s18] =	stream.linear.scatter [tilespmem:s16], [sflag:$0x1], $0x8000, $0x38;
	[tilespmem:$0x10000] =	vst v63  }
0x38f: {  	_ =	swait.ge [sflag:s15], $0x8000  }
0x390: {  	s20 =	sld [smem:$0x7F7]  }
0x391: {  	[sflag:s15] =	ssyncset.done $0x0  }
0x392: {  	[sflag:s15] =	ssyncadd.s32 $0xFFFF8000  }
0x393: {  	[tilespmem:s18], [sflag:$0x1] =	stream.linear.gather [hbm4b:s20+s18], $0x8000, $0x38;
	[tilespmem:$0x10000] =	vst v63  }
0x394: {  	_ =	swait.ge [sflag:s15], $0x8000  }
0x395: {  	s20 =	sld [smem:$0x7F8]  }
0x396: {  	[sflag:s15] =	ssyncset.done $0x0  }
0x397: {  	[sflag:s15] =	ssyncadd.s32 $0xFFFF8000  }
0x398: {  	[tilespmem:s16], [sflag:$0x1] =	stream.linear.gather [hbm4b:s20+s18], $0x8000, $0x38;
	[tilespmem:$0x10000] =	vst v63  }
0x399: {  	_ =	swait.ge [sflag:s15], $0x8000  }
0x39a: {  	[sflag:s15] =	ssyncset.done $0x0  }
0x39b: {  	s18 =	simm.s32 $0x0;
	[sflag:s15] =	ssyncadd.s32 $0xFFFF8000  }
0x39c: {  	v0 =	vld [tilespmem:s18+$0x70]  }
0x39d: {  	v1 =	vld [tilespmem:s18+$0x0]  }
0x39e: {  	v2 =	vld [tilespmem:s18+$0x10]  }
0x39f: {  	v3 =	vld [tilespmem:s18+$0x20]  }
0x3a0: {  	v4 =	vld [tilespmem:s18+$0x30]  }
0x3a1: {  	v5 =	vld [tilespmem:s18+$0x40]  }
0x3a2: {  	v6 =	vld [tilespmem:s18+$0x50]  }
0x3a3: {  	[tilespmem:s18+$0x8070] =	vst.add.f32.msk $0xffff, v0  }
0x3a4: {  	v0 =	vld [tilespmem:s18+$0x60]  }
0x3a5: {  	[tilespmem:s18+$0x8000] =	vst.add.f32.msk $0xffff, v1  }
0x3a6: {  	[tilespmem:s18+$0x8010] =	vst.add.f32.msk $0xffff, v2  }
0x3a7: {  	[tilespmem:s18+$0x8020] =	vst.add.f32.msk $0xffff, v3  }
0x3a8: {  	[tilespmem:s18+$0x8030] =	vst.add.f32.msk $0xffff, v4  }
0x3a9: {  	[tilespmem:s18+$0x8040] =	vst.add.f32.msk $0xffff, v5  }
0x3aa: {  	s19 =	simm.s32 $0x0;
	s20 =	simm.s32 $0x200;
	[tilespmem:s18+$0x8050] =	vst.add.f32.msk $0xffff, v6  }
.LBB2_42:
0x3ab: {  	s19 =	sadd.s32 $0x80, s19;
	[tilespmem:s18+$0x8060] =	vst.add.f32.msk $0xffff, v0;
	s18 =	sshra.s32 s20, $0x2  }
0x3ac: {  	v0 =	vld [tilespmem:s18+$0x70];
	p0 =	slt.u32 s19, $0x7F80  }
0x3ad: {  	v1 =	vld [tilespmem:s18+$0x0]  }
0x3ae: {  	v2 =	vld [tilespmem:s18+$0x10]  }
0x3af: {  	v3 =	vld [tilespmem:s18+$0x20]  }
0x3b0: {  	v4 =	vld [tilespmem:s18+$0x30]  }
0x3b1: {  	[tilespmem:s18+$0x8070] =	vst.add.f32.msk $0xffff, v0  }
0x3b2: {  	v5 =	vld [tilespmem:s18+$0x40]  }
0x3b3: {  	v6 =	vld [tilespmem:s18+$0x50]  }
0x3b4: {  	v0 =	vld [tilespmem:s18+$0x60]  }
0x3b5: {  	[tilespmem:s18+$0x8000] =	vst.add.f32.msk $0xffff, v1  }
.Ltmp20:
0x3b6: {  	[tilespmem:s18+$0x8010] =	vst.add.f32.msk $0xffff, v2;
	(pc) =	sbr.rel @p0 .LBB2_42-.Ltmp20, $4  }
0x3b7: {  	[tilespmem:s18+$0x8020] =	vst.add.f32.msk $0xffff, v3  }
0x3b8: {  	[tilespmem:s18+$0x8030] =	vst.add.f32.msk $0xffff, v4  }
0x3b9: {  	[tilespmem:s18+$0x8040] =	vst.add.f32.msk $0xffff, v5  }
0x3ba: {  	s20 =	sadd.s32 $0x200, s20;
	[tilespmem:s18+$0x8050] =	vst.add.f32.msk $0xffff, v6  }
0x3bb: {  	[tilespmem:s18+$0x8060] =	vst.add.f32.msk $0xffff, v0  }
0x3bc: {  	s19 =	sld [smem:$0x7F9];
	_ =	sdelay $0x1  }
0x3bd: {  	s18 =	simm.s32 $0x0  }
0x3be: {  	[hbm4b:s19+s18] =	stream.linear.scatter [tilespmem:s16], [sflag:$0x1], $0x8000, $0x38;
	[tilespmem:$0x10000] =	vst v63  }
0x3bf: {  	_ =	swait.ge [sflag:s15], $0x8000  }
0x3c0: {  	s20 =	sld [smem:$0x7FA]  }
0x3c1: {  	[sflag:s15] =	ssyncset.done $0x0  }
0x3c2: {  	[sflag:s15] =	ssyncadd.s32 $0xFFFF8000  }
0x3c3: {  	[tilespmem:s16], [sflag:$0x1] =	stream.linear.gather [hbm4b:s20+s18], $0x8000, $0x38;
	[tilespmem:$0x10000] =	vst v63  }
0x3c4: {  	_ =	swait.ge [sflag:s15], $0x8000  }
0x3c5: {  	[sflag:s15] =	ssyncset.done $0x0  }
0x3c6: {  	s18 =	simm.s32 $0x0;
	[sflag:s15] =	ssyncadd.s32 $0xFFFF8000  }
0x3c7: {  	v0 =	vld [tilespmem:s18+$0x70]  }
0x3c8: {  	v1 =	vld [tilespmem:s18+$0x0]  }
0x3c9: {  	v2 =	vld [tilespmem:s18+$0x10]  }
0x3ca: {  	v3 =	vld [tilespmem:s18+$0x20]  }
0x3cb: {  	v4 =	vld [tilespmem:s18+$0x30]  }
0x3cc: {  	v5 =	vld [tilespmem:s18+$0x40]  }
0x3cd: {  	v6 =	vld [tilespmem:s18+$0x50]  }
0x3ce: {  	[tilespmem:s18+$0x8070] =	vst.add.f32.msk $0xffff, v0  }
0x3cf: {  	v0 =	vld [tilespmem:s18+$0x60]  }
0x3d0: {  	[tilespmem:s18+$0x8000] =	vst.add.f32.msk $0xffff, v1  }
0x3d1: {  	[tilespmem:s18+$0x8010] =	vst.add.f32.msk $0xffff, v2  }
0x3d2: {  	[tilespmem:s18+$0x8020] =	vst.add.f32.msk $0xffff, v3  }
0x3d3: {  	[tilespmem:s18+$0x8030] =	vst.add.f32.msk $0xffff, v4  }
0x3d4: {  	[tilespmem:s18+$0x8040] =	vst.add.f32.msk $0xffff, v5  }
0x3d5: {  	s19 =	simm.s32 $0x0;
	s20 =	simm.s32 $0x200;
	[tilespmem:s18+$0x8050] =	vst.add.f32.msk $0xffff, v6  }
.LBB2_44:
0x3d6: {  	s19 =	sadd.s32 $0x80, s19;
	[tilespmem:s18+$0x8060] =	vst.add.f32.msk $0xffff, v0;
	s18 =	sshra.s32 s20, $0x2  }
0x3d7: {  	v0 =	vld [tilespmem:s18+$0x70];
	p0 =	slt.u32 s19, $0x7F80  }
0x3d8: {  	v1 =	vld [tilespmem:s18+$0x0]  }
0x3d9: {  	v2 =	vld [tilespmem:s18+$0x10]  }
0x3da: {  	v3 =	vld [tilespmem:s18+$0x20]  }
0x3db: {  	v4 =	vld [tilespmem:s18+$0x30]  }
0x3dc: {  	[tilespmem:s18+$0x8070] =	vst.add.f32.msk $0xffff, v0  }
0x3dd: {  	v5 =	vld [tilespmem:s18+$0x40]  }
0x3de: {  	v6 =	vld [tilespmem:s18+$0x50]  }
0x3df: {  	v0 =	vld [tilespmem:s18+$0x60]  }
0x3e0: {  	[tilespmem:s18+$0x8000] =	vst.add.f32.msk $0xffff, v1  }
.Ltmp21:
0x3e1: {  	[tilespmem:s18+$0x8010] =	vst.add.f32.msk $0xffff, v2;
	(pc) =	sbr.rel @p0 .LBB2_44-.Ltmp21, $4  }
0x3e2: {  	[tilespmem:s18+$0x8020] =	vst.add.f32.msk $0xffff, v3  }
0x3e3: {  	[tilespmem:s18+$0x8030] =	vst.add.f32.msk $0xffff, v4  }
0x3e4: {  	[tilespmem:s18+$0x8040] =	vst.add.f32.msk $0xffff, v5  }
0x3e5: {  	s20 =	sadd.s32 $0x200, s20;
	[tilespmem:s18+$0x8050] =	vst.add.f32.msk $0xffff, v6  }
0x3e6: {  	[tilespmem:s18+$0x8060] =	vst.add.f32.msk $0xffff, v0  }
0x3e7: {  	s19 =	sld [smem:$0x7FB];
	_ =	sdelay $0x1  }
0x3e8: {  	s18 =	simm.s32 $0x0  }
0x3e9: {  	[hbm4b:s19+s18] =	stream.linear.scatter [tilespmem:s16], [sflag:$0x1], $0x8000, $0x38;
	[tilespmem:$0x10000] =	vst v63  }
0x3ea: {  	_ =	swait.ge [sflag:s15], $0x8000  }
0x3eb: {  	s20 =	sld [smem:$0x7FC]  }
0x3ec: {  	[sflag:s15] =	ssyncset.done $0x0  }
0x3ed: {  	[sflag:s15] =	ssyncadd.s32 $0xFFFF8000  }
0x3ee: {  	[tilespmem:s16], [sflag:$0x1] =	stream.linear.gather [hbm4b:s20+s18], $0x8000, $0x38;
	[tilespmem:$0x10000] =	vst v63  }
0x3ef: {  	_ =	swait.ge [sflag:s15], $0x8000  }
0x3f0: {  	[sflag:s15] =	ssyncset.done $0x0  }
0x3f1: {  	s18 =	simm.s32 $0x0;
	[sflag:s15] =	ssyncadd.s32 $0xFFFF8000  }
0x3f2: {  	v0 =	vld [tilespmem:s18+$0x70]  }
0x3f3: {  	v1 =	vld [tilespmem:s18+$0x0]  }
0x3f4: {  	v2 =	vld [tilespmem:s18+$0x10]  }
0x3f5: {  	v3 =	vld [tilespmem:s18+$0x20]  }
0x3f6: {  	v4 =	vld [tilespmem:s18+$0x30]  }
0x3f7: {  	v5 =	vld [tilespmem:s18+$0x40]  }
0x3f8: {  	v6 =	vld [tilespmem:s18+$0x50]  }
0x3f9: {  	[tilespmem:s18+$0x8070] =	vst.add.f32.msk $0xffff, v0  }
0x3fa: {  	v0 =	vld [tilespmem:s18+$0x60]  }
0x3fb: {  	[tilespmem:s18+$0x8000] =	vst.add.f32.msk $0xffff, v1  }
0x3fc: {  	[tilespmem:s18+$0x8010] =	vst.add.f32.msk $0xffff, v2  }
0x3fd: {  	[tilespmem:s18+$0x8020] =	vst.add.f32.msk $0xffff, v3  }
0x3fe: {  	[tilespmem:s18+$0x8030] =	vst.add.f32.msk $0xffff, v4  }
0x3ff: {  	[tilespmem:s18+$0x8040] =	vst.add.f32.msk $0xffff, v5  }
0x400: {  	s19 =	simm.s32 $0x0;
	s20 =	simm.s32 $0x200;
	[tilespmem:s18+$0x8050] =	vst.add.f32.msk $0xffff, v6  }
.LBB2_46:
0x401: {  	s19 =	sadd.s32 $0x80, s19;
	[tilespmem:s18+$0x8060] =	vst.add.f32.msk $0xffff, v0;
	s18 =	sshra.s32 s20, $0x2  }
0x402: {  	v0 =	vld [tilespmem:s18+$0x70];
	p0 =	slt.u32 s19, $0x7F80  }
0x403: {  	v1 =	vld [tilespmem:s18+$0x0]  }
0x404: {  	v2 =	vld [tilespmem:s18+$0x10]  }
0x405: {  	v3 =	vld [tilespmem:s18+$0x20]  }
0x406: {  	v4 =	vld [tilespmem:s18+$0x30]  }
0x407: {  	[tilespmem:s18+$0x8070] =	vst.add.f32.msk $0xffff, v0  }
0x408: {  	v5 =	vld [tilespmem:s18+$0x40]  }
0x409: {  	v6 =	vld [tilespmem:s18+$0x50]  }
0x40a: {  	v0 =	vld [tilespmem:s18+$0x60]  }
0x40b: {  	[tilespmem:s18+$0x8000] =	vst.add.f32.msk $0xffff, v1  }
.Ltmp22:
0x40c: {  	[tilespmem:s18+$0x8010] =	vst.add.f32.msk $0xffff, v2;
	(pc) =	sbr.rel @p0 .LBB2_46-.Ltmp22, $4  }
0x40d: {  	[tilespmem:s18+$0x8020] =	vst.add.f32.msk $0xffff, v3  }
0x40e: {  	[tilespmem:s18+$0x8030] =	vst.add.f32.msk $0xffff, v4  }
0x40f: {  	[tilespmem:s18+$0x8040] =	vst.add.f32.msk $0xffff, v5  }
0x410: {  	s20 =	sadd.s32 $0x200, s20;
	[tilespmem:s18+$0x8050] =	vst.add.f32.msk $0xffff, v6  }
0x411: {  	[tilespmem:s18+$0x8060] =	vst.add.f32.msk $0xffff, v0  }
0x412: {  	s19 =	sld [smem:$0x7FD];
	_ =	sdelay $0x1  }
0x413: {  	s20 =	simm.s32 $0x0  }
0x414: {  	[hbm4b:s19+s20] =	stream.linear.scatter [tilespmem:s16], [sflag:$0x1], $0x8000, $0x38;
	[tilespmem:$0x10000] =	vst v63  }
0x415: {  	_ =	swait.ge [sflag:s15], $0x8000  }
0x416: {  	[sflag:s15] =	ssyncset.done $0x0  }
0x417: {  	[sflag:s15] =	ssyncadd.s32 $0xFFFF8000  }
0x418: {  	[tilespmem:s16], [sflag:$0x1] =	stream.linear.gather [hbm4b:s21+s20], $0x8000, $0x38;
	[tilespmem:$0x10000] =	vst v63  }
0x419: {  	_ =	swait.ge [sflag:s15], $0x8000  }
0x41a: {  	[sflag:s15] =	ssyncset.done $0x0  }
0x41b: {  	s18 =	simm.s32 $0x0;
	[sflag:s15] =	ssyncadd.s32 $0xFFFF8000  }
0x41c: {  	v0 =	vld [tilespmem:s18+$0x70]  }
0x41d: {  	v1 =	vld [tilespmem:s18+$0x0]  }
0x41e: {  	v2 =	vld [tilespmem:s18+$0x10]  }
0x41f: {  	v3 =	vld [tilespmem:s18+$0x20]  }
0x420: {  	v4 =	vld [tilespmem:s18+$0x30]  }
0x421: {  	v5 =	vld [tilespmem:s18+$0x40]  }
0x422: {  	v6 =	vld [tilespmem:s18+$0x50]  }
0x423: {  	[tilespmem:s18+$0x8070] =	vst.add.f32.msk $0xffff, v0  }
0x424: {  	v0 =	vld [tilespmem:s18+$0x60]  }
0x425: {  	[tilespmem:s18+$0x8000] =	vst.add.f32.msk $0xffff, v1  }
0x426: {  	[tilespmem:s18+$0x8010] =	vst.add.f32.msk $0xffff, v2  }
0x427: {  	[tilespmem:s18+$0x8020] =	vst.add.f32.msk $0xffff, v3  }
0x428: {  	[tilespmem:s18+$0x8030] =	vst.add.f32.msk $0xffff, v4  }
0x429: {  	[tilespmem:s18+$0x8040] =	vst.add.f32.msk $0xffff, v5  }
0x42a: {  	s19 =	simm.s32 $0x0;
	s20 =	simm.s32 $0x200;
	[tilespmem:s18+$0x8050] =	vst.add.f32.msk $0xffff, v6  }
.LBB2_48:
0x42b: {  	s19 =	sadd.s32 $0x80, s19;
	[tilespmem:s18+$0x8060] =	vst.add.f32.msk $0xffff, v0;
	s18 =	sshra.s32 s20, $0x2  }
0x42c: {  	v0 =	vld [tilespmem:s18+$0x70];
	p0 =	slt.u32 s19, $0x7F80  }
0x42d: {  	v1 =	vld [tilespmem:s18+$0x0]  }
0x42e: {  	v2 =	vld [tilespmem:s18+$0x10]  }
0x42f: {  	v3 =	vld [tilespmem:s18+$0x20]  }
0x430: {  	v4 =	vld [tilespmem:s18+$0x30]  }
0x431: {  	[tilespmem:s18+$0x8070] =	vst.add.f32.msk $0xffff, v0  }
0x432: {  	v5 =	vld [tilespmem:s18+$0x40]  }
0x433: {  	v6 =	vld [tilespmem:s18+$0x50]  }
0x434: {  	v0 =	vld [tilespmem:s18+$0x60]  }
0x435: {  	[tilespmem:s18+$0x8000] =	vst.add.f32.msk $0xffff, v1  }
.Ltmp23:
0x436: {  	[tilespmem:s18+$0x8010] =	vst.add.f32.msk $0xffff, v2;
	(pc) =	sbr.rel @p0 .LBB2_48-.Ltmp23, $4  }
0x437: {  	[tilespmem:s18+$0x8020] =	vst.add.f32.msk $0xffff, v3  }
0x438: {  	[tilespmem:s18+$0x8030] =	vst.add.f32.msk $0xffff, v4  }
0x439: {  	[tilespmem:s18+$0x8040] =	vst.add.f32.msk $0xffff, v5  }
0x43a: {  	s20 =	sadd.s32 $0x200, s20;
	[tilespmem:s18+$0x8050] =	vst.add.f32.msk $0xffff, v6  }
0x43b: {  	[tilespmem:s18+$0x8060] =	vst.add.f32.msk $0xffff, v0;
	s20 =	simm.s32 $0x0  }
0x43c: {  	[hbm4b:s22+s20] =	stream.linear.scatter [tilespmem:s16], [sflag:$0x1], $0x8000, $0x38;
	[tilespmem:$0x10000] =	vst v63  }
0x43d: {  	_ =	swait.ge [sflag:s15], $0x8000  }
0x43e: {  	[sflag:s15] =	ssyncset.done $0x0  }
0x43f: {  	[sflag:s15] =	ssyncadd.s32 $0xFFFF8000  }
0x440: {  	[tilespmem:s20], [sflag:$0x1] =	stream.linear.gather [hbm4b:s23+s20], $0x8000, $0x38;
	[tilespmem:$0x10000] =	vst v63  }
0x441: {  	_ =	swait.ge [sflag:s15], $0x8000  }
0x442: {  	[sflag:s15] =	ssyncset.done $0x0  }
0x443: {  	[sflag:s15] =	ssyncadd.s32 $0xFFFF8000  }
0x444: {  	[tilespmem:s16], [sflag:$0x1] =	stream.linear.gather [hbm4b:s24+s20], $0x8000, $0x38;
	[tilespmem:$0x10000] =	vst v63  }
0x445: {  	_ =	swait.ge [sflag:s15], $0x8000  }
0x446: {  	[sflag:s15] =	ssyncset.done $0x0  }
0x447: {  	s18 =	simm.s32 $0x0;
	[sflag:s15] =	ssyncadd.s32 $0xFFFF8000  }
0x448: {  	v0 =	vld [tilespmem:s18+$0x70]  }
0x449: {  	v1 =	vld [tilespmem:s18+$0x0]  }
0x44a: {  	v2 =	vld [tilespmem:s18+$0x10]  }
0x44b: {  	v3 =	vld [tilespmem:s18+$0x20]  }
0x44c: {  	v4 =	vld [tilespmem:s18+$0x30]  }
0x44d: {  	v5 =	vld [tilespmem:s18+$0x40]  }
0x44e: {  	v6 =	vld [tilespmem:s18+$0x50]  }
0x44f: {  	[tilespmem:s18+$0x8070] =	vst.add.f32.msk $0xffff, v0  }
0x450: {  	v0 =	vld [tilespmem:s18+$0x60]  }
0x451: {  	[tilespmem:s18+$0x8000] =	vst.add.f32.msk $0xffff, v1  }
0x452: {  	[tilespmem:s18+$0x8010] =	vst.add.f32.msk $0xffff, v2  }
0x453: {  	[tilespmem:s18+$0x8020] =	vst.add.f32.msk $0xffff, v3  }
0x454: {  	[tilespmem:s18+$0x8030] =	vst.add.f32.msk $0xffff, v4  }
0x455: {  	[tilespmem:s18+$0x8040] =	vst.add.f32.msk $0xffff, v5  }
0x456: {  	s19 =	simm.s32 $0x0;
	s20 =	simm.s32 $0x200;
	[tilespmem:s18+$0x8050] =	vst.add.f32.msk $0xffff, v6  }
.LBB2_50:
0x457: {  	s19 =	sadd.s32 $0x80, s19;
	[tilespmem:s18+$0x8060] =	vst.add.f32.msk $0xffff, v0;
	s18 =	sshra.s32 s20, $0x2  }
0x458: {  	v0 =	vld [tilespmem:s18+$0x70];
	p0 =	slt.u32 s19, $0x7F80  }
0x459: {  	v1 =	vld [tilespmem:s18+$0x0]  }
0x45a: {  	v2 =	vld [tilespmem:s18+$0x10]  }
0x45b: {  	v3 =	vld [tilespmem:s18+$0x20]  }
0x45c: {  	v4 =	vld [tilespmem:s18+$0x30]  }
0x45d: {  	[tilespmem:s18+$0x8070] =	vst.add.f32.msk $0xffff, v0  }
0x45e: {  	v5 =	vld [tilespmem:s18+$0x40]  }
0x45f: {  	v6 =	vld [tilespmem:s18+$0x50]  }
0x460: {  	v0 =	vld [tilespmem:s18+$0x60]  }
0x461: {  	[tilespmem:s18+$0x8000] =	vst.add.f32.msk $0xffff, v1  }
.Ltmp24:
0x462: {  	[tilespmem:s18+$0x8010] =	vst.add.f32.msk $0xffff, v2;
	(pc) =	sbr.rel @p0 .LBB2_50-.Ltmp24, $4  }
0x463: {  	[tilespmem:s18+$0x8020] =	vst.add.f32.msk $0xffff, v3  }
0x464: {  	[tilespmem:s18+$0x8030] =	vst.add.f32.msk $0xffff, v4  }
0x465: {  	[tilespmem:s18+$0x8040] =	vst.add.f32.msk $0xffff, v5  }
0x466: {  	s20 =	sadd.s32 $0x200, s20;
	[tilespmem:s18+$0x8050] =	vst.add.f32.msk $0xffff, v6  }
0x467: {  	[tilespmem:s18+$0x8060] =	vst.add.f32.msk $0xffff, v0;
	s20 =	simm.s32 $0x0  }
0x468: {  	[hbm4b:s25+s20] =	stream.linear.scatter [tilespmem:s16], [sflag:$0x1], $0x8000, $0x38;
	[tilespmem:$0x10000] =	vst v63  }
0x469: {  	_ =	swait.ge [sflag:s15], $0x8000  }
0x46a: {  	[sflag:s15] =	ssyncset.done $0x0  }
0x46b: {  	[sflag:s15] =	ssyncadd.s32 $0xFFFF8000  }
0x46c: {  	[tilespmem:s16], [sflag:$0x1] =	stream.linear.gather [hbm4b:s26+s20], $0x8000, $0x38;
	[tilespmem:$0x10000] =	vst v63  }
0x46d: {  	_ =	swait.ge [sflag:s15], $0x8000  }
0x46e: {  	[sflag:s15] =	ssyncset.done $0x0  }
0x46f: {  	s18 =	simm.s32 $0x0;
	[sflag:s15] =	ssyncadd.s32 $0xFFFF8000  }
0x470: {  	v0 =	vld [tilespmem:s18+$0x70]  }
0x471: {  	v1 =	vld [tilespmem:s18+$0x0]  }
0x472: {  	v2 =	vld [tilespmem:s18+$0x10]  }
0x473: {  	v3 =	vld [tilespmem:s18+$0x20]  }
0x474: {  	v4 =	vld [tilespmem:s18+$0x30]  }
0x475: {  	v5 =	vld [tilespmem:s18+$0x40]  }
0x476: {  	v6 =	vld [tilespmem:s18+$0x50]  }
0x477: {  	[tilespmem:s18+$0x8070] =	vst.add.f32.msk $0xffff, v0  }
0x478: {  	v0 =	vld [tilespmem:s18+$0x60]  }
0x479: {  	[tilespmem:s18+$0x8000] =	vst.add.f32.msk $0xffff, v1  }
0x47a: {  	[tilespmem:s18+$0x8010] =	vst.add.f32.msk $0xffff, v2  }
0x47b: {  	[tilespmem:s18+$0x8020] =	vst.add.f32.msk $0xffff, v3  }
0x47c: {  	[tilespmem:s18+$0x8030] =	vst.add.f32.msk $0xffff, v4  }
0x47d: {  	[tilespmem:s18+$0x8040] =	vst.add.f32.msk $0xffff, v5  }
0x47e: {  	s19 =	simm.s32 $0x0;
	s20 =	simm.s32 $0x200;
	[tilespmem:s18+$0x8050] =	vst.add.f32.msk $0xffff, v6  }
.LBB2_52:
0x47f: {  	s19 =	sadd.s32 $0x80, s19;
	[tilespmem:s18+$0x8060] =	vst.add.f32.msk $0xffff, v0;
	s18 =	sshra.s32 s20, $0x2  }
0x480: {  	v0 =	vld [tilespmem:s18+$0x70];
	p0 =	slt.u32 s19, $0x7F80  }
0x481: {  	v1 =	vld [tilespmem:s18+$0x0]  }
0x482: {  	v2 =	vld [tilespmem:s18+$0x10]  }
0x483: {  	v3 =	vld [tilespmem:s18+$0x20]  }
0x484: {  	v4 =	vld [tilespmem:s18+$0x30]  }
0x485: {  	[tilespmem:s18+$0x8070] =	vst.add.f32.msk $0xffff, v0  }
0x486: {  	v5 =	vld [tilespmem:s18+$0x40]  }
0x487: {  	v6 =	vld [tilespmem:s18+$0x50]  }
0x488: {  	v0 =	vld [tilespmem:s18+$0x60]  }
0x489: {  	[tilespmem:s18+$0x8000] =	vst.add.f32.msk $0xffff, v1  }
.Ltmp25:
0x48a: {  	[tilespmem:s18+$0x8010] =	vst.add.f32.msk $0xffff, v2;
	(pc) =	sbr.rel @p0 .LBB2_52-.Ltmp25, $4  }
0x48b: {  	[tilespmem:s18+$0x8020] =	vst.add.f32.msk $0xffff, v3  }
0x48c: {  	[tilespmem:s18+$0x8030] =	vst.add.f32.msk $0xffff, v4  }
0x48d: {  	[tilespmem:s18+$0x8040] =	vst.add.f32.msk $0xffff, v5  }
0x48e: {  	s20 =	sadd.s32 $0x200, s20;
	[tilespmem:s18+$0x8050] =	vst.add.f32.msk $0xffff, v6  }
0x48f: {  	[tilespmem:s18+$0x8060] =	vst.add.f32.msk $0xffff, v0;
	s20 =	simm.s32 $0x0  }
0x490: {  	[hbm4b:s28+s20] =	stream.linear.scatter [tilespmem:s16], [sflag:$0x1], $0x8000, $0x38;
	[tilespmem:$0x10000] =	vst v63  }
0x491: {  	_ =	swait.ge [sflag:s15], $0x8000  }
0x492: {  	[sflag:s15] =	ssyncset.done $0x0  }
0x493: {  	[sflag:s15] =	ssyncadd.s32 $0xFFFF8000  }
0x494: {  	[tilespmem:s16], [sflag:$0x1] =	stream.linear.gather [hbm4b:s29+s20], $0x8000, $0x38;
	[tilespmem:$0x10000] =	vst v63  }
0x495: {  	_ =	swait.ge [sflag:s15], $0x8000  }
0x496: {  	[sflag:s15] =	ssyncset.done $0x0  }
0x497: {  	s18 =	simm.s32 $0x0;
	[sflag:s15] =	ssyncadd.s32 $0xFFFF8000  }
0x498: {  	v0 =	vld [tilespmem:s18+$0x70]  }
0x499: {  	v1 =	vld [tilespmem:s18+$0x0]  }
0x49a: {  	v2 =	vld [tilespmem:s18+$0x10]  }
0x49b: {  	v3 =	vld [tilespmem:s18+$0x20]  }
0x49c: {  	v4 =	vld [tilespmem:s18+$0x30]  }
0x49d: {  	v5 =	vld [tilespmem:s18+$0x40]  }
0x49e: {  	v6 =	vld [tilespmem:s18+$0x50]  }
0x49f: {  	[tilespmem:s18+$0x8070] =	vst.add.f32.msk $0xffff, v0  }
0x4a0: {  	v0 =	vld [tilespmem:s18+$0x60]  }
0x4a1: {  	[tilespmem:s18+$0x8000] =	vst.add.f32.msk $0xffff, v1  }
0x4a2: {  	[tilespmem:s18+$0x8010] =	vst.add.f32.msk $0xffff, v2  }
0x4a3: {  	[tilespmem:s18+$0x8020] =	vst.add.f32.msk $0xffff, v3  }
0x4a4: {  	[tilespmem:s18+$0x8030] =	vst.add.f32.msk $0xffff, v4  }
0x4a5: {  	[tilespmem:s18+$0x8040] =	vst.add.f32.msk $0xffff, v5  }
0x4a6: {  	s19 =	simm.s32 $0x0;
	s20 =	simm.s32 $0x200;
	[tilespmem:s18+$0x8050] =	vst.add.f32.msk $0xffff, v6  }
.LBB2_54:
0x4a7: {  	s19 =	sadd.s32 $0x80, s19;
	[tilespmem:s18+$0x8060] =	vst.add.f32.msk $0xffff, v0;
	s18 =	sshra.s32 s20, $0x2  }
0x4a8: {  	v0 =	vld [tilespmem:s18+$0x70];
	p0 =	slt.u32 s19, $0x7F80  }
0x4a9: {  	v1 =	vld [tilespmem:s18+$0x0]  }
0x4aa: {  	v2 =	vld [tilespmem:s18+$0x10]  }
0x4ab: {  	v3 =	vld [tilespmem:s18+$0x20]  }
0x4ac: {  	v4 =	vld [tilespmem:s18+$0x30]  }
0x4ad: {  	[tilespmem:s18+$0x8070] =	vst.add.f32.msk $0xffff, v0  }
0x4ae: {  	v5 =	vld [tilespmem:s18+$0x40]  }
0x4af: {  	v6 =	vld [tilespmem:s18+$0x50]  }
0x4b0: {  	v0 =	vld [tilespmem:s18+$0x60]  }
0x4b1: {  	[tilespmem:s18+$0x8000] =	vst.add.f32.msk $0xffff, v1  }
.Ltmp26:
0x4b2: {  	[tilespmem:s18+$0x8010] =	vst.add.f32.msk $0xffff, v2;
	(pc) =	sbr.rel @p0 .LBB2_54-.Ltmp26, $4  }
0x4b3: {  	[tilespmem:s18+$0x8020] =	vst.add.f32.msk $0xffff, v3  }
0x4b4: {  	[tilespmem:s18+$0x8030] =	vst.add.f32.msk $0xffff, v4  }
0x4b5: {  	[tilespmem:s18+$0x8040] =	vst.add.f32.msk $0xffff, v5  }
0x4b6: {  	s20 =	sadd.s32 $0x200, s20;
	[tilespmem:s18+$0x8050] =	vst.add.f32.msk $0xffff, v6  }
0x4b7: {  	[tilespmem:s18+$0x8060] =	vst.add.f32.msk $0xffff, v0;
	s20 =	simm.s32 $0x0  }
0x4b8: {  	[hbm4b:s30+s20] =	stream.linear.scatter [tilespmem:s16], [sflag:$0x1], $0x8000, $0x38;
	[tilespmem:$0x10000] =	vst v63  }
0x4b9: {  	_ =	swait.ge [sflag:s15], $0x8000  }
0x4ba: {  	[sflag:s15] =	ssyncset.done $0x0  }
0x4bb: {  	[sflag:s15] =	ssyncadd.s32 $0xFFFF8000  }
0x4bc: {  	[tilespmem:s16], [sflag:$0x1] =	stream.linear.gather [hbm4b:s31+s20], $0x8000, $0x38;
	[tilespmem:$0x10000] =	vst v63  }
0x4bd: {  	_ =	swait.ge [sflag:s15], $0x8000  }
0x4be: {  	[sflag:s15] =	ssyncset.done $0x0  }
0x4bf: {  	s18 =	simm.s32 $0x0;
	[sflag:s15] =	ssyncadd.s32 $0xFFFF8000  }
0x4c0: {  	v0 =	vld [tilespmem:s18+$0x70]  }
0x4c1: {  	v1 =	vld [tilespmem:s18+$0x0]  }
0x4c2: {  	v2 =	vld [tilespmem:s18+$0x10]  }
0x4c3: {  	v3 =	vld [tilespmem:s18+$0x20]  }
0x4c4: {  	v4 =	vld [tilespmem:s18+$0x30]  }
0x4c5: {  	v5 =	vld [tilespmem:s18+$0x40]  }
0x4c6: {  	v6 =	vld [tilespmem:s18+$0x50]  }
0x4c7: {  	[tilespmem:s18+$0x8070] =	vst.add.f32.msk $0xffff, v0  }
0x4c8: {  	v0 =	vld [tilespmem:s18+$0x60]  }
0x4c9: {  	[tilespmem:s18+$0x8000] =	vst.add.f32.msk $0xffff, v1  }
0x4ca: {  	[tilespmem:s18+$0x8010] =	vst.add.f32.msk $0xffff, v2  }
0x4cb: {  	[tilespmem:s18+$0x8020] =	vst.add.f32.msk $0xffff, v3  }
0x4cc: {  	[tilespmem:s18+$0x8030] =	vst.add.f32.msk $0xffff, v4  }
0x4cd: {  	[tilespmem:s18+$0x8040] =	vst.add.f32.msk $0xffff, v5  }
0x4ce: {  	s19 =	simm.s32 $0x0;
	s20 =	simm.s32 $0x200;
	[tilespmem:s18+$0x8050] =	vst.add.f32.msk $0xffff, v6  }
.LBB2_56:
0x4cf: {  	s19 =	sadd.s32 $0x80, s19;
	[tilespmem:s18+$0x8060] =	vst.add.f32.msk $0xffff, v0;
	s18 =	sshra.s32 s20, $0x2  }
0x4d0: {  	v0 =	vld [tilespmem:s18+$0x70];
	p0 =	slt.u32 s19, $0x7F80  }
0x4d1: {  	v1 =	vld [tilespmem:s18+$0x0]  }
0x4d2: {  	v2 =	vld [tilespmem:s18+$0x10]  }
0x4d3: {  	v3 =	vld [tilespmem:s18+$0x20]  }
0x4d4: {  	v4 =	vld [tilespmem:s18+$0x30]  }
0x4d5: {  	[tilespmem:s18+$0x8070] =	vst.add.f32.msk $0xffff, v0  }
0x4d6: {  	v5 =	vld [tilespmem:s18+$0x40]  }
0x4d7: {  	v6 =	vld [tilespmem:s18+$0x50]  }
0x4d8: {  	v0 =	vld [tilespmem:s18+$0x60]  }
0x4d9: {  	[tilespmem:s18+$0x8000] =	vst.add.f32.msk $0xffff, v1  }
.Ltmp27:
0x4da: {  	[tilespmem:s18+$0x8010] =	vst.add.f32.msk $0xffff, v2;
	(pc) =	sbr.rel @p0 .LBB2_56-.Ltmp27, $4  }
0x4db: {  	[tilespmem:s18+$0x8020] =	vst.add.f32.msk $0xffff, v3  }
0x4dc: {  	[tilespmem:s18+$0x8030] =	vst.add.f32.msk $0xffff, v4  }
0x4dd: {  	[tilespmem:s18+$0x8040] =	vst.add.f32.msk $0xffff, v5  }
0x4de: {  	s20 =	sadd.s32 $0x200, s20;
	[tilespmem:s18+$0x8050] =	vst.add.f32.msk $0xffff, v6  }
0x4df: {  	[tilespmem:s18+$0x8060] =	vst.add.f32.msk $0xffff, v0;
	s20 =	simm.s32 $0x0  }
0x4e0: {  	[hbm4b:s0+s20] =	stream.linear.scatter [tilespmem:s16], [sflag:$0x1], $0x8000, $0x38;
	[tilespmem:$0x10000] =	vst v63  }
0x4e1: {  	_ =	swait.ge [sflag:s15], $0x8000  }
0x4e2: {  	[sflag:s15] =	ssyncset.done $0x0  }
0x4e3: {  	[sflag:s15] =	ssyncadd.s32 $0xFFFF8000  }
0x4e4: {  	[tilespmem:s20], [sflag:$0x1] =	stream.linear.gather [hbm4b:s3+s20], $0x8000, $0x38;
	[tilespmem:$0x10000] =	vst v63  }
0x4e5: {  	_ =	swait.ge [sflag:s15], $0x8000  }
0x4e6: {  	[sflag:s15] =	ssyncset.done $0x0  }
0x4e7: {  	[sflag:s15] =	ssyncadd.s32 $0xFFFF8000  }
0x4e8: {  	[tilespmem:s16], [sflag:$0x1] =	stream.linear.gather [hbm4b:s4+s20], $0x8000, $0x38;
	[tilespmem:$0x10000] =	vst v63  }
0x4e9: {  	_ =	swait.ge [sflag:s15], $0x8000  }
0x4ea: {  	[sflag:s15] =	ssyncset.done $0x0  }
0x4eb: {  	s18 =	simm.s32 $0x0;
	[sflag:s15] =	ssyncadd.s32 $0xFFFF8000  }
0x4ec: {  	v0 =	vld [tilespmem:s18+$0x70]  }
0x4ed: {  	v1 =	vld [tilespmem:s18+$0x0]  }
0x4ee: {  	v2 =	vld [tilespmem:s18+$0x10]  }
0x4ef: {  	v3 =	vld [tilespmem:s18+$0x20]  }
0x4f0: {  	v4 =	vld [tilespmem:s18+$0x30]  }
0x4f1: {  	v5 =	vld [tilespmem:s18+$0x40]  }
0x4f2: {  	v6 =	vld [tilespmem:s18+$0x50]  }
0x4f3: {  	[tilespmem:s18+$0x8070] =	vst.add.f32.msk $0xffff, v0  }
0x4f4: {  	v0 =	vld [tilespmem:s18+$0x60]  }
0x4f5: {  	[tilespmem:s18+$0x8000] =	vst.add.f32.msk $0xffff, v1  }
0x4f6: {  	[tilespmem:s18+$0x8010] =	vst.add.f32.msk $0xffff, v2  }
0x4f7: {  	[tilespmem:s18+$0x8020] =	vst.add.f32.msk $0xffff, v3  }
0x4f8: {  	[tilespmem:s18+$0x8030] =	vst.add.f32.msk $0xffff, v4  }
0x4f9: {  	[tilespmem:s18+$0x8040] =	vst.add.f32.msk $0xffff, v5  }
0x4fa: {  	s19 =	simm.s32 $0x0;
	s20 =	simm.s32 $0x200;
	[tilespmem:s18+$0x8050] =	vst.add.f32.msk $0xffff, v6  }
.LBB2_58:
0x4fb: {  	s19 =	sadd.s32 $0x80, s19;
	[tilespmem:s18+$0x8060] =	vst.add.f32.msk $0xffff, v0;
	s18 =	sshra.s32 s20, $0x2  }
0x4fc: {  	v0 =	vld [tilespmem:s18+$0x70];
	p0 =	slt.u32 s19, $0x7F80  }
0x4fd: {  	v1 =	vld [tilespmem:s18+$0x0]  }
0x4fe: {  	v2 =	vld [tilespmem:s18+$0x10]  }
0x4ff: {  	v3 =	vld [tilespmem:s18+$0x20]  }
0x500: {  	v4 =	vld [tilespmem:s18+$0x30]  }
0x501: {  	[tilespmem:s18+$0x8070] =	vst.add.f32.msk $0xffff, v0  }
0x502: {  	v5 =	vld [tilespmem:s18+$0x40]  }
0x503: {  	v6 =	vld [tilespmem:s18+$0x50]  }
0x504: {  	v0 =	vld [tilespmem:s18+$0x60]  }
0x505: {  	[tilespmem:s18+$0x8000] =	vst.add.f32.msk $0xffff, v1  }
.Ltmp28:
0x506: {  	[tilespmem:s18+$0x8010] =	vst.add.f32.msk $0xffff, v2;
	(pc) =	sbr.rel @p0 .LBB2_58-.Ltmp28, $4  }
0x507: {  	[tilespmem:s18+$0x8020] =	vst.add.f32.msk $0xffff, v3  }
0x508: {  	[tilespmem:s18+$0x8030] =	vst.add.f32.msk $0xffff, v4  }
0x509: {  	[tilespmem:s18+$0x8040] =	vst.add.f32.msk $0xffff, v5  }
0x50a: {  	s20 =	sadd.s32 $0x200, s20;
	[tilespmem:s18+$0x8050] =	vst.add.f32.msk $0xffff, v6  }
0x50b: {  	[tilespmem:s18+$0x8060] =	vst.add.f32.msk $0xffff, v0;
	s20 =	simm.s32 $0x0  }
0x50c: {  	[hbm4b:s5+s20] =	stream.linear.scatter [tilespmem:s16], [sflag:$0x1], $0x8000, $0x38;
	[tilespmem:$0x10000] =	vst v63  }
0x50d: {  	_ =	swait.ge [sflag:s15], $0x8000  }
0x50e: {  	[sflag:s15] =	ssyncset.done $0x0  }
0x50f: {  	[sflag:s15] =	ssyncadd.s32 $0xFFFF8000  }
0x510: {  	[tilespmem:s16], [sflag:$0x1] =	stream.linear.gather [hbm4b:s6+s20], $0x8000, $0x38;
	[tilespmem:$0x10000] =	vst v63  }
0x511: {  	_ =	swait.ge [sflag:s15], $0x8000  }
0x512: {  	[sflag:s15] =	ssyncset.done $0x0  }
0x513: {  	s18 =	simm.s32 $0x0;
	[sflag:s15] =	ssyncadd.s32 $0xFFFF8000  }
0x514: {  	v0 =	vld [tilespmem:s18+$0x70]  }
0x515: {  	v1 =	vld [tilespmem:s18+$0x0]  }
0x516: {  	v2 =	vld [tilespmem:s18+$0x10]  }
0x517: {  	v3 =	vld [tilespmem:s18+$0x20]  }
0x518: {  	v4 =	vld [tilespmem:s18+$0x30]  }
0x519: {  	v5 =	vld [tilespmem:s18+$0x40]  }
0x51a: {  	v6 =	vld [tilespmem:s18+$0x50]  }
0x51b: {  	[tilespmem:s18+$0x8070] =	vst.add.f32.msk $0xffff, v0  }
0x51c: {  	v0 =	vld [tilespmem:s18+$0x60]  }
0x51d: {  	[tilespmem:s18+$0x8000] =	vst.add.f32.msk $0xffff, v1  }
0x51e: {  	[tilespmem:s18+$0x8010] =	vst.add.f32.msk $0xffff, v2  }
0x51f: {  	[tilespmem:s18+$0x8020] =	vst.add.f32.msk $0xffff, v3  }
0x520: {  	[tilespmem:s18+$0x8030] =	vst.add.f32.msk $0xffff, v4  }
0x521: {  	[tilespmem:s18+$0x8040] =	vst.add.f32.msk $0xffff, v5  }
0x522: {  	s19 =	simm.s32 $0x0;
	s20 =	simm.s32 $0x200;
	[tilespmem:s18+$0x8050] =	vst.add.f32.msk $0xffff, v6  }
.LBB2_60:
0x523: {  	s19 =	sadd.s32 $0x80, s19;
	[tilespmem:s18+$0x8060] =	vst.add.f32.msk $0xffff, v0;
	s18 =	sshra.s32 s20, $0x2  }
0x524: {  	v0 =	vld [tilespmem:s18+$0x70];
	p0 =	slt.u32 s19, $0x7F80  }
0x525: {  	v1 =	vld [tilespmem:s18+$0x0]  }
0x526: {  	v2 =	vld [tilespmem:s18+$0x10]  }
0x527: {  	v3 =	vld [tilespmem:s18+$0x20]  }
0x528: {  	v4 =	vld [tilespmem:s18+$0x30]  }
0x529: {  	[tilespmem:s18+$0x8070] =	vst.add.f32.msk $0xffff, v0  }
0x52a: {  	v5 =	vld [tilespmem:s18+$0x40]  }
0x52b: {  	v6 =	vld [tilespmem:s18+$0x50]  }
0x52c: {  	v0 =	vld [tilespmem:s18+$0x60]  }
0x52d: {  	[tilespmem:s18+$0x8000] =	vst.add.f32.msk $0xffff, v1  }
.Ltmp29:
0x52e: {  	[tilespmem:s18+$0x8010] =	vst.add.f32.msk $0xffff, v2;
	(pc) =	sbr.rel @p0 .LBB2_60-.Ltmp29, $4  }
0x52f: {  	[tilespmem:s18+$0x8020] =	vst.add.f32.msk $0xffff, v3  }
0x530: {  	[tilespmem:s18+$0x8030] =	vst.add.f32.msk $0xffff, v4  }
0x531: {  	[tilespmem:s18+$0x8040] =	vst.add.f32.msk $0xffff, v5  }
0x532: {  	s20 =	sadd.s32 $0x200, s20;
	[tilespmem:s18+$0x8050] =	vst.add.f32.msk $0xffff, v6  }
0x533: {  	[tilespmem:s18+$0x8060] =	vst.add.f32.msk $0xffff, v0;
	s20 =	simm.s32 $0x0  }
0x534: {  	[hbm4b:s7+s20] =	stream.linear.scatter [tilespmem:s16], [sflag:$0x1], $0x8000, $0x38;
	[tilespmem:$0x10000] =	vst v63  }
0x535: {  	_ =	swait.ge [sflag:s15], $0x8000  }
0x536: {  	[sflag:s15] =	ssyncset.done $0x0  }
0x537: {  	[sflag:s15] =	ssyncadd.s32 $0xFFFF8000  }
0x538: {  	[tilespmem:s16], [sflag:$0x1] =	stream.linear.gather [hbm4b:s10+s20], $0x8000, $0x38;
	[tilespmem:$0x10000] =	vst v63  }
0x539: {  	_ =	swait.ge [sflag:s15], $0x8000  }
0x53a: {  	[sflag:s15] =	ssyncset.done $0x0  }
0x53b: {  	s18 =	simm.s32 $0x0;
	[sflag:s15] =	ssyncadd.s32 $0xFFFF8000  }
0x53c: {  	v0 =	vld [tilespmem:s18+$0x70]  }
0x53d: {  	v1 =	vld [tilespmem:s18+$0x0]  }
0x53e: {  	v2 =	vld [tilespmem:s18+$0x10]  }
0x53f: {  	v3 =	vld [tilespmem:s18+$0x20]  }
0x540: {  	v4 =	vld [tilespmem:s18+$0x30]  }
0x541: {  	v5 =	vld [tilespmem:s18+$0x40]  }
0x542: {  	v6 =	vld [tilespmem:s18+$0x50]  }
0x543: {  	[tilespmem:s18+$0x8070] =	vst.add.f32.msk $0xffff, v0  }
0x544: {  	v0 =	vld [tilespmem:s18+$0x60]  }
0x545: {  	[tilespmem:s18+$0x8000] =	vst.add.f32.msk $0xffff, v1  }
0x546: {  	[tilespmem:s18+$0x8010] =	vst.add.f32.msk $0xffff, v2  }
0x547: {  	[tilespmem:s18+$0x8020] =	vst.add.f32.msk $0xffff, v3  }
0x548: {  	[tilespmem:s18+$0x8030] =	vst.add.f32.msk $0xffff, v4  }
0x549: {  	[tilespmem:s18+$0x8040] =	vst.add.f32.msk $0xffff, v5  }
0x54a: {  	s19 =	simm.s32 $0x0;
	s20 =	simm.s32 $0x200;
	[tilespmem:s18+$0x8050] =	vst.add.f32.msk $0xffff, v6  }
.LBB2_62:
0x54b: {  	s19 =	sadd.s32 $0x80, s19;
	[tilespmem:s18+$0x8060] =	vst.add.f32.msk $0xffff, v0;
	s18 =	sshra.s32 s20, $0x2  }
0x54c: {  	v0 =	vld [tilespmem:s18+$0x70];
	p0 =	slt.u32 s19, $0x7F80  }
0x54d: {  	v1 =	vld [tilespmem:s18+$0x0]  }
0x54e: {  	v2 =	vld [tilespmem:s18+$0x10]  }
0x54f: {  	v3 =	vld [tilespmem:s18+$0x20]  }
0x550: {  	v4 =	vld [tilespmem:s18+$0x30]  }
0x551: {  	[tilespmem:s18+$0x8070] =	vst.add.f32.msk $0xffff, v0  }
0x552: {  	v5 =	vld [tilespmem:s18+$0x40]  }
0x553: {  	v6 =	vld [tilespmem:s18+$0x50]  }
0x554: {  	v0 =	vld [tilespmem:s18+$0x60]  }
0x555: {  	[tilespmem:s18+$0x8000] =	vst.add.f32.msk $0xffff, v1  }
.Ltmp30:
0x556: {  	[tilespmem:s18+$0x8010] =	vst.add.f32.msk $0xffff, v2;
	(pc) =	sbr.rel @p0 .LBB2_62-.Ltmp30, $4  }
0x557: {  	[tilespmem:s18+$0x8020] =	vst.add.f32.msk $0xffff, v3  }
0x558: {  	[tilespmem:s18+$0x8030] =	vst.add.f32.msk $0xffff, v4  }
0x559: {  	[tilespmem:s18+$0x8040] =	vst.add.f32.msk $0xffff, v5  }
0x55a: {  	s20 =	sadd.s32 $0x200, s20;
	[tilespmem:s18+$0x8050] =	vst.add.f32.msk $0xffff, v6  }
0x55b: {  	[tilespmem:s18+$0x8060] =	vst.add.f32.msk $0xffff, v0;
	s20 =	simm.s32 $0x0  }
0x55c: {  	[hbm4b:s11+s20] =	stream.linear.scatter [tilespmem:s16], [sflag:$0x1], $0x8000, $0x38;
	[tilespmem:$0x10000] =	vst v63  }
0x55d: {  	_ =	swait.ge [sflag:s15], $0x8000  }
0x55e: {  	[sflag:s15] =	ssyncset.done $0x0  }
0x55f: {  	[sflag:s15] =	ssyncadd.s32 $0xFFFF8000  }
0x560: {  	[tilespmem:s16], [sflag:$0x1] =	stream.linear.gather [hbm4b:s12+s20], $0x8000, $0x38;
	[tilespmem:$0x10000] =	vst v63  }
0x561: {  	_ =	swait.ge [sflag:s15], $0x8000  }
0x562: {  	[sflag:s15] =	ssyncset.done $0x0  }
0x563: {  	s18 =	simm.s32 $0x0;
	[sflag:s15] =	ssyncadd.s32 $0xFFFF8000  }
0x564: {  	v0 =	vld [tilespmem:s18+$0x70]  }
0x565: {  	v1 =	vld [tilespmem:s18+$0x0]  }
0x566: {  	v2 =	vld [tilespmem:s18+$0x10]  }
0x567: {  	v3 =	vld [tilespmem:s18+$0x20]  }
0x568: {  	v4 =	vld [tilespmem:s18+$0x30]  }
0x569: {  	v5 =	vld [tilespmem:s18+$0x40]  }
0x56a: {  	v6 =	vld [tilespmem:s18+$0x50]  }
0x56b: {  	[tilespmem:s18+$0x8070] =	vst.add.f32.msk $0xffff, v0  }
0x56c: {  	v0 =	vld [tilespmem:s18+$0x60]  }
0x56d: {  	[tilespmem:s18+$0x8000] =	vst.add.f32.msk $0xffff, v1  }
0x56e: {  	[tilespmem:s18+$0x8010] =	vst.add.f32.msk $0xffff, v2  }
0x56f: {  	[tilespmem:s18+$0x8020] =	vst.add.f32.msk $0xffff, v3  }
0x570: {  	[tilespmem:s18+$0x8030] =	vst.add.f32.msk $0xffff, v4  }
0x571: {  	[tilespmem:s18+$0x8040] =	vst.add.f32.msk $0xffff, v5  }
0x572: {  	s19 =	simm.s32 $0x0;
	s20 =	simm.s32 $0x200;
	[tilespmem:s18+$0x8050] =	vst.add.f32.msk $0xffff, v6  }
.LBB2_64:
0x573: {  	s19 =	sadd.s32 $0x80, s19;
	[tilespmem:s18+$0x8060] =	vst.add.f32.msk $0xffff, v0;
	s18 =	sshra.s32 s20, $0x2  }
0x574: {  	v0 =	vld [tilespmem:s18+$0x70];
	p0 =	slt.u32 s19, $0x7F80  }
0x575: {  	v1 =	vld [tilespmem:s18+$0x0]  }
0x576: {  	v2 =	vld [tilespmem:s18+$0x10]  }
0x577: {  	v3 =	vld [tilespmem:s18+$0x20]  }
0x578: {  	v4 =	vld [tilespmem:s18+$0x30]  }
0x579: {  	[tilespmem:s18+$0x8070] =	vst.add.f32.msk $0xffff, v0  }
0x57a: {  	v5 =	vld [tilespmem:s18+$0x40]  }
0x57b: {  	v6 =	vld [tilespmem:s18+$0x50]  }
0x57c: {  	v0 =	vld [tilespmem:s18+$0x60]  }
0x57d: {  	[tilespmem:s18+$0x8000] =	vst.add.f32.msk $0xffff, v1  }
.Ltmp31:
0x57e: {  	[tilespmem:s18+$0x8010] =	vst.add.f32.msk $0xffff, v2;
	(pc) =	sbr.rel @p0 .LBB2_64-.Ltmp31, $4  }
0x57f: {  	[tilespmem:s18+$0x8020] =	vst.add.f32.msk $0xffff, v3  }
0x580: {  	[tilespmem:s18+$0x8030] =	vst.add.f32.msk $0xffff, v4  }
0x581: {  	[tilespmem:s18+$0x8040] =	vst.add.f32.msk $0xffff, v5  }
0x582: {  	s20 =	sadd.s32 $0x200, s20;
	[tilespmem:s18+$0x8050] =	vst.add.f32.msk $0xffff, v6  }
0x583: {  	s17 =	sadd.s32 $0x1, s17  }
0x584: {  	p0 =	sne.s32 s17, s14  }
.Ltmp32:
0x585: {  	[tilespmem:s18+$0x8060] =	vst.add.f32.msk $0xffff, v0;
	(pc) =	sbr.rel @p0 .LBB2_1-.Ltmp32, $4  }
0x586: {  	[hbm4b:s13+s1] =	stream.linear.scatter [tilespmem:s16], [sflag:$0x1], $0x8000, $0x38;
	[tilespmem:$0x10000] =	vst v63  }
0x587: {  	_ =	swait.ge [sflag:s15], $0x8000  }
0x588: {  	[sflag:s15] =	ssyncset.done $0x0  }
0x589: {  	[sflag:s15] =	ssyncadd.s32 $0xFFFF8000  }
0x58a: {  	_ =	sfence.sel $0x180000  }
0x58b: {  	[bflag:$0x0] =	sbarrier.arrive $0xFFFF  }
0x58c: {  	_ =	strace $0x9000004D  }
0x58d: {  	s0 =	stileid.u32;
	[bflag:$0x2] =	sbarrier.arrive $0xFFFF  }
0x58e: {  	p0 =	sne.s32 s0, $0x0;
	s0 =	rddreg [dreg:$0x2]  }
0x58f: {  	s0 =	sadd.s32 @!p0 $0x100000, s0  }
0x590: {  	[sflag:s0] =	ssyncadd.tile.s32 @!p0 $0x1;
	_ =	shalt  }
.Lfunc_end2:
_tile_overlayer_lowered:
.L_overlay_start_2:
0x591: {  	(tag) =	ssettag $0x2  }
0x592: {  	s0 =	rddreg [dreg:$0x0];
	s2 =	stileid.u32  }
0x593: {  	s1 =	rddreg [dreg:$0x1];
	p0 =	sne.s32 s2, $0x0  }
0x594: {  	s3 =	rddreg [dreg:$0x2];
	[bflag:$0x3] =	sbarrier.arrive $0xFFFF;
	s2 =	simm.s32 @!p0 $0x1C01  }
0x595: {  	[timem:s3], [sflag:s2] =	dma.local @!p0 [hbm:s0], s1  }
0x596: {  	s0 =	simm.s32 @!p0 $0x1  }
0x597: {  	_ =	swait.ge @!p0 [sflag:s0], s1  }
0x598: {  	s1 =	ssub.s32 @!p0 $0x0, s1;
	[sflag:s0] =	ssyncset.done @!p0 $0x0  }
0x599: {  	[sflag:s0] =	ssyncadd.s32 @!p0 s1  }
0x59a: {  	[bflag:$0x3] =	sbarrier.arrive $0xFFFF  }
0x59b: {  	_ =	shalt  }

// kernel: sparse-core-data-format-call.1.cloned.1.call-start
scs
called_computation.1_lowered:
.L_overlay_start_0:
0x0: {  	s2 =	sld [smem:$0x3FD9]  }
0x1: {  	s3 =	sld [smem:$0x3FFE];
	_ =	sdelay $0x1  }
0x2: {  	s1 =	srdreg.scid  }
0x3: {  	s0 =	sand.u32 $0x1, s1  }
0x4: {  	s19 =	sshll.u32 s0, $0xA;
	s2 =	sadd.s32 s3, s2  }
0x5: {  	s2 =	sadd.s32 s2, s19  }
0x6: {  	[smem:$0x3FC6] =	sst s2  }
0x7: {  	_ = 	snop  }
0x8: {  	s20 =	sld [smem:$0x3FC9]  }
0x9: {  	s4 =	sld [smem:$0x3FD0];
	(tm) =	ssettm $0x1  }
0xa: {  	s21 =	sld [smem:$0x3FFB];
	_ =	sdelay $0x3  }
0xb: {  	_ =	strace s21  }
0xc: {  	s2 =	sld [smem:$0x3FFC];
	_ =	sdelay $0x3  }
0xd: {  	_ =	strace s2  }
0xe: {  	s2 =	sld [smem:$0x3FFD];
	_ =	sdelay $0x3  }
0xf: {  	_ =	strace s2  }
0x10: {  	_ =	strace $0x8FFFFFFF  }
0x11: {  	s22 =	sld [smem:$0x3FDB];
	_ =	sdelay $0x1  }
0x12: {  	s5 =	simm.s32 $_scs_section_size  }
0x13: {  	s6 =	simm.s32 $_size__tile_overlayer_lowered;
	s7 =	simm.s32 $_tile_overlayer_lowered  }
0x14: {  	s8 =	simm.s32 $0x1BFF;
	s23 =	sshll.u32 s7, $0x1;
	s5 =	sadd.s32 s5, s22  }
0x15: {  	s24 =	simm.s32 $0x0;
	s6 =	sshll.u32 s6, $0x1;
	s7 =	sadd.s32 s23, s5  }
0x16: {  	[timem:s24], [sflag:s8] =	dma.local [hbm:s7], s6  }
0x17: {  	_ =	swait.ge [sflag:s8], s6  }
0x18: {  	s6 =	ssub.s32 $0x0, s6;
	[sflag:s8] =	ssyncset.done $0x0  }
0x19: {  	[sflag:s8] =	ssyncadd.s32 s6;
	_ =	sdelay $0x1  }
0x1a: {  	s25 =	simm.s32 $0x1B8B  }
0x1b: {  	_ =	swait.ge [sflag:s25], $0x1  }
0x1c: {  	[sflag:s25] =	ssyncset.done $0x0  }
0x1d: {  	[sflag:s25] =	ssyncadd.s32 $0xFFFFFFFF  }
0x1e: {  	s6 =	sld [smem:$0x0]  }
0x1f: {  	s7 =	sand.u32 $0xFFFFFFFE, s1  }
0x20: {  	p0 =	sne.s32 s1, s7  }
0x21: {  	s7 =	sshll.u32 @p0 s7, $0xE  }
0x22: {  	s7 =	sadd.s32 @p0 $0x11B8D, s7;
	s8 =	sshll.u32 @p0 s6, $0x11  }
0x23: {  	s7 =	sor.u32 @p0 s8, s7  }
0x24: {  	[sflag:s7] =	ssyncadd.remote.s32 @p0 $0x1;
	_ =	sdelay $0x1  }
0x25: {  	s7 =	simm.s32 @p0 $0x1B8D  }
0x26: {  	_ =	swait.eq @p0 [sflag:s7], $0x1  }
0x27: {  	[sflag:s7] =	ssyncadd.s32 @p0 $0xFFFFFFFF  }
0x28: {  	s8 =	sshll.u32 @!p0 s1, $0xE  }
0x29: {  	s8 =	sor.u32 @!p0 $0x4000, s8;
	s7 =	simm.s32 @!p0 $0x1B8D  }
0x2a: {  	s6 =	sshll.u32 @!p0 s6, $0x11;
	s8 =	sadd.s32 @!p0 $0x11B8D, s8;
	_ =	swait.eq @!p0 [sflag:s7], $0x1  }
0x2b: {  	s6 =	sor.u32 @!p0 s6, s8;
	[sflag:s7] =	ssyncadd.s32 @!p0 $0xFFFFFFFF  }
0x2c: {  	s26 =	simm.s32 $0x1B8E;
	[sflag:s6] =	ssyncadd.remote.s32 @!p0 $0x1  }
0x2d: {  	s27 =	simm.s32 $execute0_lowered;
	[smem:$0x3FD2] =	sst s26  }
0x2e: {  	s6 =	sshll.u32 s27, $0x1;
	_ =	strace $0x80000049;
	[dreg:$0x1] =	wrdreg $0xFFFFFFFF  }
0x2f: {  	s28 =	simm.s32 $_size_execute0_lowered;
	s5 =	sadd.s32 s5, s6;
	[dreg:$0x0] =	wrdreg $0x0  }
0x30: {  	s6 =	sshll.u32 s28, $0x1;
	[dreg:$0x2] =	wrdreg s5  }
0x31: {  	[dreg:$0x3] =	wrdreg s6  }
0x32: {  	[dreg:$0x4] =	wrdreg $0xC0  }
0x33: {  	_ =	task [dreg:s24], $0x5FFFF  }
0x34: {  	[dreg:$0x1] =	wrdreg $0xFFFFFFFF  }
0x35: {  	[dreg:$0x0] =	wrdreg $0x60  }
0x36: {  	[dreg:$0x2] =	wrdreg s20  }
0x37: {  	[dreg:$0x3] =	wrdreg s4  }
0x38: {  	[dreg:$0x4] =	wrdreg $0xA  }
0x39: {  	_ =	task.clear_ibuf [dreg:s24], $0x5FFFF;
	_ =	strace $0x90000049  }
0x3a: {  	s29 =	simm.s32 $0xA;
	_ =	strace $0x8000004B  }
0x3b: {  	_ =	swait.ge [sflag:s29], $0x1  }
0x3c: {  	[sflag:s29] =	ssyncadd.s32 $0xFFFFFFFF  }
0x3d: {  	_ =	strace $0x9000004B  }
0x3e: {  	_ =	sfence  }
0x3f: {  	s30 =	sld [smem:$0x0];
	_ =	sdelay $0x2  }
0x40: {  	s31 =	sshll.u32 s1, $0xD;
	s1 =	sshrl.u32 s1, $0x2  }
0x41: {  	s4 =	sand.u32 $0x4000, s31;
	s1 =	sadd.s32 s1, s30  }
0x42: {  	s0 =	sor.u32 s4, s0;
	s1 =	sshll.u32 s1, $0x11  }
0x43: {  	s0 =	sor.u32 s1, s0  }
0x44: {  	s0 =	sadd.s32 $0x8F2B, s0  }
0x45: {  	[sflag:s0] =	ssyncadd.remote.s32 $0x1  }
0x46: {  	_ =	sfence.sel $0xFFFF  }
0x47: {  	[dreg:$0x0] =	wrdreg $0xFFFFFFFF;
	(pc) =	sbr.abs _section_cstart, $3  }
0x48: {  	[dreg:$0x1] =	wrdreg $0xFFFFFFFF  }
0x49: {  	_ =	task.clear_ibuf [dreg:s24], $0x2FFFF;
	_ =	strace $0x9FFFFFFF  }
0x4a: {  	(tm) =	ssettm $0x7FFFFFFF  }
0x4b: {  	_ =	shalt  }
tec
execute0_lowered:
.L_overlay_start_1:
0x0: {  	(tag) =	ssettag $0x1  }
0x1: {  	s0 =	srdreg.scid  }
0x2: {  	s1 =	sshll.u32 s0, $0x4  }
0x3: {  	s2 =	rddreg [dreg:$0x0];
	s0 =	stileid.u32;
	s1 =	sand.u32 $0x10, s1  }
0x4: {  	s4 =	rddreg [dreg:$0x1];
	s1 =	sor.u32 s0, s1  }
0x5: {  	s7 =	simm.s32 $0x1;
	s8 =	simm.s32 $0x2;
	s3 =	sshll.u32 s1, $0x1  }
0x6: {  	s9 =	simm.s32 $0x0;
	s12 =	simm.s32 $0x0;
	s6 =	ssub.s32 $0x1000, s3  }
.Ltmp0:
0x7: {  	s11 =	simm.s32 $0x0;
	s5 =	sand.u32 $0x3E, s6;
	(pc) =	sbr.rel .LBB1_1-.Ltmp0, $4  }
0x8: {  	s1 =	rddreg [dreg:$0x2];
	_ =	strace $0x8000004A;
	p0 =	sne.s32 s5, $0x0  }
0x9: {  	s6 =	sshrl.u32 s6, $0x6;
	s5 =	simm.s32 $0x1;
	s7 =	simm.s32 @!p0 $0x0  }
0xa: {  	s10 =	smov.u32 s3;
	[sflag:s5] =	ssyncpa.u1 $0x0;
	s6 =	sadd.s32 s7, s6  }
0xb: {  	[sflag:s8] =	ssyncpa.u1 $0x0;
	s8 =	simm.s32 $0x0;
	s7 =	sadd.s32 $0x1, s6  }
.LBB1_9:
0xc: {  	s14 =	sadd.s32 $0x40, s10  }
0xd: {  	p1 =	sgt.s32 s14, $0xFFF  }
0xe: {  	s14 =	smov.u32 @p1 s3;
	p1 =	sne.s32 s11, s7  }
.Ltmp1:
0xf: {  	p0 =	slt.u32 s11, $0x2;
	(pc) =	sbr.rel @!p1 .LBB1_10-.Ltmp1, $4  }
0x10: {  	s13 =	simm.s32 @!p0 $0x2  }
0x11: {  	s15 =	sadd.s32 $0x1, s11;
	_ =	swait.ge @!p0 [sflag:s13], $0x4000  }
0x12: {  	s12 =	smov.u32 s10;
	s9 =	sadd.s32 $0x4000, s9;
	[sflag:s13] =	ssyncset.done @!p0 $0x0  }
0x13: {  	s11 =	smov.u32 s15;
	s10 =	smov.u32 s14;
	[sflag:s13] =	ssyncadd.s32 @!p0 $0xFFFFC000  }
.LBB1_1:
0x14: {  	p0 =	sge.u32 s11, s6  }
0x15: {  	s13 =	sxor.u32 @!p0 $0xFFFFFFFF, s11  }
0x16: {  	s31 =	sadd.s32 $0xFFFFFFFF, s11;
	s14 =	sshll.u32 @!p0 s10, $0xA;
	s13 =	sshll.u32 @!p0 s13, $0xE  }
0x17: {  	s15 =	simm.s32 @!p0 $0x0;
	s14 =	sadd.s32 @!p0 s2, s14;
	s13 =	sand.u32 @!p0 $0x4000, s13  }
0x18: {  	[tilespmem:s13], [sflag:$0x1] =	stream.linear.gather @!p0 [hbm4b:s14+s15], $0x4000, $0x38;
	[tilespmem:$0x10000] =	vst v63  }
0x19: {  	p0 =	sge.u32 s31, s6  }
.Ltmp2:
0x1a: {  	_ = 	snop;
	(pc) =	sbr.rel @p0 .LBB1_9-.Ltmp2, $1  }
0x1b: {  	_ =	sdelay $0x3  }
0x1c: {  	s13 =	sshll.u32 s9, $0x2  }
0x1d: {  	_ =	swait.ge [sflag:s5], $0x4000;
	s14 =	sshll.u32 s11, $0xE;
	s16 =	simm.s32 $0x0  }
0x1e: {  	p1 =	por $0x1, $0x1;
	s13 =	sand.u32 $0x10000, s13;
	[sflag:s5] =	ssyncset.done $0x0  }
0x1f: {  	s14 =	sand.u32 $0x4000, s14;
	s15 =	sshrl.u32 s13, $0x2;
	[sflag:s5] =	ssyncadd.s32 $0xFFFFC000  }
0x20: {  	s13 =	sor.u32 $0x8000, s14;
	s14 =	sadd.s32 $0x8040, s15;
	s15 =	sadd.s32 $0x40, s15  }
.LBB1_3:
0x21: {  	s16 =	sshll.u32 s16, $0x2  }
0x22: {  	p0 =	por p1, p1;
	s17 =	sshra.s32 s16, $0x2  }
0x23: {  	s18 =	simm.s32 $0x0;
	s16 =	sadd.s32 s17, s14;
	s17 =	sadd.s32 s17, s15  }
.LBB1_4:
0x24: {  	v0 =	vmov s17;
	_ =	sdelay $0x3  }
0x25: {  	s20 =	simm.s32 $0x0  }
0x26: {  	v6 =	vld.idx.msk [tilespmem:v0+s20+$0x30 ss:$0x1], $0xffff  }
0x27: {  	v7 =	vld.idx.msk [tilespmem:v0+s20+$0xFFFFFFC0 ss:$0x1], $0xffff  }
0x28: {  	v5 =	vld.idx.msk [tilespmem:v0+s20+$0xFFFFFFD0 ss:$0x1], $0xffff  }
0x29: {  	v4 =	vld.idx.msk [tilespmem:v0+s20+$0xFFFFFFE0 ss:$0x1], $0xffff  }
0x2a: {  	v3 =	vld.idx.msk [tilespmem:v0+s20+$0xFFFFFFF0 ss:$0x1], $0xffff  }
0x2b: {  	v1 =	vld.idx.msk [tilespmem:v0+s20+$0x0 ss:$0x1], $0xffff  }
0x2c: {  	v2 =	vld.idx.msk [tilespmem:v0+s20+$0x10 ss:$0x1], $0xffff;
	[tilespmem:s16+$0x30] =	vst v6  }
0x2d: {  	s19 =	simm.s32 $0x80;
	s21 =	simm.s32 $0x400;
	[tilespmem:s16+$0xFFFFFFC0] =	vst v7;
	v6 =	vld.idx.msk [tilespmem:v0+s20+$0x20 ss:$0x1], $0xffff;
	s20 =	smov.u32 s16  }
.LBB1_5:
0x2e: {  	p1 =	sne.s32 s21, $0xE00;
	v7 =	vld.idx.msk [tilespmem:v0+s19+$0x30 ss:$0x1], $0xffff;
	[tilespmem:s20+$0xFFFFFFD0] =	vst v5  }
0x2f: {  	v8 =	vld.idx.msk [tilespmem:v0+s19+$0xFFFFFFC0 ss:$0x1], $0xffff;
	[tilespmem:s20+$0xFFFFFFE0] =	vst v4  }
0x30: {  	v5 =	vld.idx.msk [tilespmem:v0+s19+$0xFFFFFFD0 ss:$0x1], $0xffff;
	[tilespmem:s20+$0xFFFFFFF0] =	vst v3  }
.Ltmp3:
0x31: {  	v4 =	vld.idx.msk [tilespmem:v0+s19+$0xFFFFFFE0 ss:$0x1], $0xffff;
	[tilespmem:s20+$0x0] =	vst v1;
	(pc) =	sbr.rel @p1 .LBB1_5-.Ltmp3, $4  }
0x32: {  	v3 =	vld.idx.msk [tilespmem:v0+s19+$0xFFFFFFF0 ss:$0x1], $0xffff;
	[tilespmem:s20+$0x10] =	vst v2  }
0x33: {  	v1 =	vld.idx.msk [tilespmem:v0+s19+$0x0 ss:$0x1], $0xffff;
	[tilespmem:s20+$0x20] =	vst v6;
	s20 =	sadd.s32 $0x400, s20  }
0x34: {  	v2 =	vld.idx.msk [tilespmem:v0+s19+$0x10 ss:$0x1], $0xffff;
	[tilespmem:s20+$0x30] =	vst v7  }
0x35: {  	[tilespmem:s20+$0xFFFFFFC0] =	vst v8;
	v6 =	vld.idx.msk [tilespmem:v0+s19+$0x20 ss:$0x1], $0xffff;
	s19 =	sshra.s32 s21, $0x2;
	s21 =	sadd.s32 $0x200, s21  }
0x36: {  	_ =	sdelay $0x2  }
0x37: {  	[tilespmem:s20+$0xFFFFFFD0] =	vst v5  }
0x38: {  	v56 =	vld.idx.msk [tilespmem:v0+s19+$0x30 ss:$0x1], $0xffff;
	[tilespmem:s20+$0xFFFFFFE0] =	vst v4  }
0x39: {  	v57 =	vld.idx.msk [tilespmem:v0+s19+$0xFFFFFFC0 ss:$0x1], $0xffff;
	[tilespmem:s20+$0xFFFFFFF0] =	vst v3  }
0x3a: {  	v58 =	vld.idx.msk [tilespmem:v0+s19+$0xFFFFFFD0 ss:$0x1], $0xffff;
	[tilespmem:s20+$0x0] =	vst v1  }
0x3b: {  	v59 =	vld.idx.msk [tilespmem:v0+s19+$0xFFFFFFE0 ss:$0x1], $0xffff;
	[tilespmem:s20+$0x10] =	vst v2  }
0x3c: {  	v60 =	vld.idx.msk [tilespmem:v0+s19+$0xFFFFFFF0 ss:$0x1], $0xffff;
	s31 =	sadd.s32 $0x400, s20;
	[tilespmem:s20+$0x20] =	vst v6  }
0x3d: {  	v61 =	vld.idx.msk [tilespmem:v0+s19+$0x0 ss:$0x1], $0xffff;
	[tilespmem:s31+$0x30] =	vst v56  }
0x3e: {  	v62 =	vld.idx.msk [tilespmem:v0+s19+$0x10 ss:$0x1], $0xffff;
	s18 =	sadd.s32 $0x1, s18;
	[tilespmem:s31+$0xFFFFFFC0] =	vst v57  }
0x3f: {  	v63 =	vld.idx.msk [tilespmem:v0+s19+$0x20 ss:$0x1], $0xffff;
	p1 =	sne.s32 s18, $0x8;
	[tilespmem:s31+$0xFFFFFFD0] =	vst v58  }
.Ltmp4:
0x40: {  	[tilespmem:s31+$0xFFFFFFE0] =	vst v59;
	(pc) =	sbr.rel @p1 .LBB1_4-.Ltmp4, $4  }
0x41: {  	[tilespmem:s31+$0xFFFFFFF0] =	vst v60  }
0x42: {  	[tilespmem:s31+$0x0] =	vst v61  }
0x43: {  	[tilespmem:s31+$0x10] =	vst v62  }
0x44: {  	s16 =	sadd.s32 $0x80, s16;
	s17 =	sadd.s32 $0x400, s17;
	[tilespmem:s31+$0x20] =	vst v63  }
.Ltmp5:
0x45: {  	(pc) =	sbr.rel @p0 .LBB1_3-.Ltmp5, $2  }
0x46: {  	_ =	sdelay $0x2  }
0x47: {  	s16 =	simm.s32 $0x2000;
	p1 =	por $0x0, $0x0  }
.Ltmp6:
0x48: {  	(pc) =	sbr.rel .LBB1_9-.Ltmp6, $4  }
0x49: {  	_ = 	snop  }
0x4a: {  	s12 =	sshll.u32 s12, $0xA  }
0x4b: {  	s12 =	sadd.s32 s4, s12  }
0x4c: {  	[hbm4b:s12+s8] =	stream.linear.scatter [tilespmem:s13], [sflag:$0x2], $0x4000, $0x38;
	[tilespmem:$0x10000] =	vst v63  }
.LBB1_10:
0x4d: {  	_ =	sfence.sel $0x180000  }
0x4e: {  	s2 =	simm.s32 $0x1;
	[bflag:$0x0] =	sbarrier.arrive $0xFFFF  }
0x4f: {  	s31 =	simm.s32 $0x2;
	[sflag:s2] =	ssyncpa.u1 $0x1  }
0x50: {  	[sflag:s31] =	ssyncpa.u1 $0x1  }
0x51: {  	p0 =	sne.s32 s0, $0x0;
	_ =	strace $0x9000004A  }
0x52: {  	s0 =	sadd.s32 @!p0 $0x100000, s1;
	[bflag:$0x2] =	sbarrier.arrive $0xFFFF  }
0x53: {  	[sflag:s0] =	ssyncadd.tile.s32 @!p0 $0x1;
	_ =	shalt  }
.Lfunc_end1:
_tile_overlayer_lowered:
.L_overlay_start_2:
0x54: {  	(tag) =	ssettag $0x2  }
0x55: {  	s0 =	rddreg [dreg:$0x0];
	s2 =	stileid.u32  }
0x56: {  	s1 =	rddreg [dreg:$0x1];
	p0 =	sne.s32 s2, $0x0  }
0x57: {  	s3 =	rddreg [dreg:$0x2];
	[bflag:$0x3] =	sbarrier.arrive $0xFFFF;
	s2 =	simm.s32 @!p0 $0x1C01  }
0x58: {  	[timem:s3], [sflag:s2] =	dma.local @!p0 [hbm:s0], s1  }
0x59: {  	s0 =	simm.s32 @!p0 $0x1  }
0x5a: {  	_ =	swait.ge @!p0 [sflag:s0], s1  }
0x5b: {  	s1 =	ssub.s32 @!p0 $0x0, s1;
	[sflag:s0] =	ssyncset.done @!p0 $0x0  }
0x5c: {  	[sflag:s0] =	ssyncadd.s32 @!p0 s1  }
0x5d: {  	[bflag:$0x3] =	sbarrier.arrive $0xFFFF  }
0x5e: {  	_ =	shalt  }

// kernel: sparse-core-data-format-call.cloned.1.call-start
scs
called_computation_lowered:
.L_overlay_start_0:
0x0: {  	s2 =	sld [smem:$0x3FD9]  }
0x1: {  	s3 =	sld [smem:$0x3FFE];
	_ =	sdelay $0x1  }
0x2: {  	s1 =	srdreg.scid  }
0x3: {  	s0 =	sand.u32 $0x1, s1  }
0x4: {  	s18 =	sshll.u32 s0, $0xA;
	s2 =	sadd.s32 s3, s2  }
0x5: {  	s2 =	sadd.s32 s2, s18  }
0x6: {  	[smem:$0x3FC6] =	sst s2  }
0x7: {  	_ = 	snop  }
0x8: {  	s2 =	sld [smem:$0x3FC8];
	(tm) =	ssettm $0x1  }
0x9: {  	s19 =	sld [smem:$0x3FFB];
	_ =	sdelay $0x3  }
0xa: {  	_ =	strace s19  }
0xb: {  	s3 =	sld [smem:$0x3FFC];
	_ =	sdelay $0x3  }
0xc: {  	_ =	strace s3  }
0xd: {  	s3 =	sld [smem:$0x3FFD];
	_ =	sdelay $0x3  }
0xe: {  	_ =	strace s3  }
0xf: {  	_ =	strace $0x8FFFFFFF  }
0x10: {  	s20 =	sld [smem:$0x3FDB];
	_ =	sdelay $0x1  }
0x11: {  	s4 =	simm.s32 $_scs_section_size  }
0x12: {  	s5 =	simm.s32 $_size__tile_overlayer_lowered;
	s6 =	simm.s32 $_tile_overlayer_lowered  }
0x13: {  	s23 =	simm.s32 $0x1BFF;
	s22 =	sshll.u32 s6, $0x1;
	s3 =	sadd.s32 s4, s20  }
0x14: {  	s7 =	simm.s32 $0x0;
	s21 =	sshll.u32 s5, $0x1;
	s5 =	sadd.s32 s22, s3  }
0x15: {  	[timem:s7], [sflag:s23] =	dma.local [hbm:s5], s21  }
0x16: {  	_ =	swait.ge [sflag:s23], s21  }
0x17: {  	s4 =	ssub.s32 $0x0, s21;
	[sflag:s23] =	ssyncset.done $0x0  }
0x18: {  	[sflag:s23] =	ssyncadd.s32 s4;
	_ =	sdelay $0x1  }
0x19: {  	s24 =	simm.s32 $0x1B8B  }
0x1a: {  	_ =	swait.ge [sflag:s24], $0x1  }
0x1b: {  	[sflag:s24] =	ssyncset.done $0x0  }
0x1c: {  	s26 =	simm.s32 $0x1B8E;
	s25 =	sld [smem:$0x3FFE];
	[sflag:s24] =	ssyncadd.s32 $0xFFFFFFFF  }
0x1d: {  	s27 =	simm.s32 $execute0_lowered;
	[smem:$0x3FD2] =	sst s26  }
0x1e: {  	s5 =	sshll.u32 s27, $0x1;
	_ =	strace $0x80000046;
	[dreg:$0x1] =	wrdreg $0xFFFFFFFF  }
0x1f: {  	s28 =	simm.s32 $_size_execute0_lowered;
	s3 =	sadd.s32 s3, s5;
	[dreg:$0x0] =	wrdreg $0x0  }
0x20: {  	s5 =	sshll.u32 s28, $0x1;
	[dreg:$0x2] =	wrdreg s3  }
0x21: {  	[dreg:$0x3] =	wrdreg s5  }
0x22: {  	[dreg:$0x4] =	wrdreg $0xC0  }
0x23: {  	_ =	task [dreg:s7], $0x5FFFF  }
0x24: {  	[dreg:$0x1] =	wrdreg $0xFFFFFFFF  }
0x25: {  	[dreg:$0x0] =	wrdreg $0x60  }
0x26: {  	[dreg:$0x2] =	wrdreg s2  }
0x27: {  	[dreg:$0x3] =	wrdreg s25  }
0x28: {  	[dreg:$0x4] =	wrdreg $0x9  }
0x29: {  	_ =	task.clear_ibuf [dreg:s7], $0x5FFFF;
	_ =	strace $0x90000046  }
0x2a: {  	s29 =	simm.s32 $0x9;
	_ =	strace $0x80000048  }
0x2b: {  	_ =	swait.ge [sflag:s29], $0x1  }
0x2c: {  	[sflag:s29] =	ssyncadd.s32 $0xFFFFFFFF  }
0x2d: {  	_ =	strace $0x90000048  }
0x2e: {  	_ =	sfence  }
0x2f: {  	s30 =	sld [smem:$0x0];
	_ =	sdelay $0x2  }
0x30: {  	s31 =	sshll.u32 s1, $0xD;
	s1 =	sshrl.u32 s1, $0x2  }
0x31: {  	s3 =	sand.u32 $0x4000, s31;
	s1 =	sadd.s32 s1, s30  }
0x32: {  	s0 =	sor.u32 s3, s0;
	s1 =	sshll.u32 s1, $0x11  }
0x33: {  	s0 =	sor.u32 s1, s0  }
0x34: {  	s0 =	sadd.s32 $0x8F2B, s0  }
0x35: {  	[sflag:s0] =	ssyncadd.remote.s32 $0x1  }
0x36: {  	_ =	sfence.sel $0xFFFF  }
0x37: {  	[dreg:$0x0] =	wrdreg $0xFFFFFFFF;
	(pc) =	sbr.abs _section_cstart, $3  }
0x38: {  	[dreg:$0x1] =	wrdreg $0xFFFFFFFF  }
0x39: {  	_ =	task.clear_ibuf [dreg:s7], $0x2FFFF;
	_ =	strace $0x9FFFFFFF  }
0x3a: {  	(tm) =	ssettm $0x7FFFFFFF  }
0x3b: {  	_ =	shalt  }
tec
execute0_lowered:
.L_overlay_start_1:
0x0: {  	(tag) =	ssettag $0x1  }
0x1: {  	s0 =	srdreg.scid  }
0x2: {  	s1 =	sshll.u32 s0, $0x4  }
0x3: {  	s2 =	rddreg [dreg:$0x0];
	s0 =	stileid.u32;
	s1 =	sand.u32 $0x10, s1  }
0x4: {  	s4 =	rddreg [dreg:$0x1];
	s7 =	simm.s32 $0x1;
	s1 =	sor.u32 s0, s1  }
0x5: {  	s8 =	simm.s32 $0x2;
	s9 =	simm.s32 $0x0;
	s3 =	sshll.u32 s1, $0x1  }
0x6: {  	s12 =	simm.s32 $0x0;
	s11 =	simm.s32 $0x0;
	s6 =	ssub.s32 $0x400, s3  }
.Ltmp0:
0x7: {  	s4 =	sadd.s32 $0xC00, s4;
	s5 =	sand.u32 $0x3E, s6;
	(pc) =	sbr.rel .LBB1_1-.Ltmp0, $4  }
0x8: {  	s1 =	rddreg [dreg:$0x2];
	_ =	strace $0x80000047;
	p0 =	sne.s32 s5, $0x0  }
0x9: {  	s6 =	sshrl.u32 s6, $0x6;
	s5 =	simm.s32 $0x1;
	s7 =	simm.s32 @!p0 $0x0  }
0xa: {  	s10 =	smov.u32 s3;
	[sflag:s5] =	ssyncpa.u1 $0x0;
	s6 =	sadd.s32 s7, s6  }
0xb: {  	[sflag:s8] =	ssyncpa.u1 $0x0;
	s8 =	simm.s32 $0x0;
	s7 =	sadd.s32 $0x1, s6  }
.LBB1_9:
0xc: {  	s14 =	sadd.s32 $0x40, s10  }
0xd: {  	p1 =	sgt.s32 s14, $0x3FF  }
0xe: {  	s14 =	smov.u32 @p1 s3;
	p1 =	sne.s32 s11, s7  }
.Ltmp1:
0xf: {  	p0 =	slt.u32 s11, $0x2;
	(pc) =	sbr.rel @!p1 .LBB1_10-.Ltmp1, $4  }
0x10: {  	s13 =	simm.s32 @!p0 $0x2  }
0x11: {  	s15 =	sadd.s32 $0x1, s11;
	_ =	swait.ge @!p0 [sflag:s13], $0x4000  }
0x12: {  	s12 =	smov.u32 s10;
	s9 =	sadd.s32 $0x4000, s9;
	[sflag:s13] =	ssyncset.done @!p0 $0x0  }
0x13: {  	s11 =	smov.u32 s15;
	s10 =	smov.u32 s14;
	[sflag:s13] =	ssyncadd.s32 @!p0 $0xFFFFC000  }
.LBB1_1:
0x14: {  	p0 =	sge.u32 s11, s6  }
0x15: {  	s13 =	sxor.u32 @!p0 $0xFFFFFFFF, s11  }
0x16: {  	s31 =	sadd.s32 $0xFFFFFFFF, s11;
	s14 =	sshll.u32 @!p0 s10, $0xA;
	s13 =	sshll.u32 @!p0 s13, $0xE  }
0x17: {  	s15 =	simm.s32 @!p0 $0x0;
	s14 =	sadd.s32 @!p0 s2, s14;
	s13 =	sand.u32 @!p0 $0x4000, s13  }
0x18: {  	[tilespmem:s13], [sflag:$0x1] =	stream.linear.gather @!p0 [hbm4b:s14+s15], $0x4000, $0x38;
	[tilespmem:$0x10000] =	vst v63  }
0x19: {  	p0 =	sge.u32 s31, s6  }
.Ltmp2:
0x1a: {  	_ = 	snop;
	(pc) =	sbr.rel @p0 .LBB1_9-.Ltmp2, $1  }
0x1b: {  	_ =	sdelay $0x3  }
0x1c: {  	s13 =	sshll.u32 s9, $0x2  }
0x1d: {  	_ =	swait.ge [sflag:s5], $0x4000;
	s14 =	sshll.u32 s11, $0xE;
	s16 =	simm.s32 $0x0  }
0x1e: {  	p1 =	por $0x1, $0x1;
	s13 =	sand.u32 $0x10000, s13;
	[sflag:s5] =	ssyncset.done $0x0  }
0x1f: {  	s14 =	sand.u32 $0x4000, s14;
	s15 =	sshrl.u32 s13, $0x2;
	[sflag:s5] =	ssyncadd.s32 $0xFFFFC000  }
0x20: {  	s13 =	sor.u32 $0x8000, s14;
	s14 =	sadd.s32 $0x8040, s15;
	s15 =	sadd.s32 $0x40, s15  }
.LBB1_3:
0x21: {  	s16 =	sshll.u32 s16, $0x2  }
0x22: {  	p0 =	por p1, p1;
	s17 =	sshra.s32 s16, $0x2  }
0x23: {  	s18 =	simm.s32 $0x0;
	s16 =	sadd.s32 s17, s14;
	s17 =	sadd.s32 s17, s15  }
.LBB1_4:
0x24: {  	v0 =	vmov s17;
	_ =	sdelay $0x3  }
0x25: {  	s20 =	simm.s32 $0x0  }
0x26: {  	v6 =	vld.idx.msk [tilespmem:v0+s20+$0x30 ss:$0x1], $0xffff  }
0x27: {  	v7 =	vld.idx.msk [tilespmem:v0+s20+$0xFFFFFFC0 ss:$0x1], $0xffff  }
0x28: {  	v5 =	vld.idx.msk [tilespmem:v0+s20+$0xFFFFFFD0 ss:$0x1], $0xffff  }
0x29: {  	v4 =	vld.idx.msk [tilespmem:v0+s20+$0xFFFFFFE0 ss:$0x1], $0xffff  }
0x2a: {  	v3 =	vld.idx.msk [tilespmem:v0+s20+$0xFFFFFFF0 ss:$0x1], $0xffff  }
0x2b: {  	v1 =	vld.idx.msk [tilespmem:v0+s20+$0x0 ss:$0x1], $0xffff  }
0x2c: {  	v2 =	vld.idx.msk [tilespmem:v0+s20+$0x10 ss:$0x1], $0xffff;
	[tilespmem:s16+$0x30] =	vst v6  }
0x2d: {  	s19 =	simm.s32 $0x80;
	s21 =	simm.s32 $0x400;
	[tilespmem:s16+$0xFFFFFFC0] =	vst v7;
	v6 =	vld.idx.msk [tilespmem:v0+s20+$0x20 ss:$0x1], $0xffff;
	s20 =	smov.u32 s16  }
.LBB1_5:
0x2e: {  	p1 =	sne.s32 s21, $0xE00;
	v7 =	vld.idx.msk [tilespmem:v0+s19+$0x30 ss:$0x1], $0xffff;
	[tilespmem:s20+$0xFFFFFFD0] =	vst v5  }
0x2f: {  	v8 =	vld.idx.msk [tilespmem:v0+s19+$0xFFFFFFC0 ss:$0x1], $0xffff;
	[tilespmem:s20+$0xFFFFFFE0] =	vst v4  }
0x30: {  	v5 =	vld.idx.msk [tilespmem:v0+s19+$0xFFFFFFD0 ss:$0x1], $0xffff;
	[tilespmem:s20+$0xFFFFFFF0] =	vst v3  }
.Ltmp3:
0x31: {  	v4 =	vld.idx.msk [tilespmem:v0+s19+$0xFFFFFFE0 ss:$0x1], $0xffff;
	[tilespmem:s20+$0x0] =	vst v1;
	(pc) =	sbr.rel @p1 .LBB1_5-.Ltmp3, $4  }
0x32: {  	v3 =	vld.idx.msk [tilespmem:v0+s19+$0xFFFFFFF0 ss:$0x1], $0xffff;
	[tilespmem:s20+$0x10] =	vst v2  }
0x33: {  	v1 =	vld.idx.msk [tilespmem:v0+s19+$0x0 ss:$0x1], $0xffff;
	[tilespmem:s20+$0x20] =	vst v6;
	s20 =	sadd.s32 $0x400, s20  }
0x34: {  	v2 =	vld.idx.msk [tilespmem:v0+s19+$0x10 ss:$0x1], $0xffff;
	[tilespmem:s20+$0x30] =	vst v7  }
0x35: {  	[tilespmem:s20+$0xFFFFFFC0] =	vst v8;
	v6 =	vld.idx.msk [tilespmem:v0+s19+$0x20 ss:$0x1], $0xffff;
	s19 =	sshra.s32 s21, $0x2;
	s21 =	sadd.s32 $0x200, s21  }
0x36: {  	_ =	sdelay $0x2  }
0x37: {  	[tilespmem:s20+$0xFFFFFFD0] =	vst v5  }
0x38: {  	v56 =	vld.idx.msk [tilespmem:v0+s19+$0x30 ss:$0x1], $0xffff;
	[tilespmem:s20+$0xFFFFFFE0] =	vst v4  }
0x39: {  	v57 =	vld.idx.msk [tilespmem:v0+s19+$0xFFFFFFC0 ss:$0x1], $0xffff;
	[tilespmem:s20+$0xFFFFFFF0] =	vst v3  }
0x3a: {  	v58 =	vld.idx.msk [tilespmem:v0+s19+$0xFFFFFFD0 ss:$0x1], $0xffff;
	[tilespmem:s20+$0x0] =	vst v1  }
0x3b: {  	v59 =	vld.idx.msk [tilespmem:v0+s19+$0xFFFFFFE0 ss:$0x1], $0xffff;
	[tilespmem:s20+$0x10] =	vst v2  }
0x3c: {  	v60 =	vld.idx.msk [tilespmem:v0+s19+$0xFFFFFFF0 ss:$0x1], $0xffff;
	s31 =	sadd.s32 $0x400, s20;
	[tilespmem:s20+$0x20] =	vst v6  }
0x3d: {  	v61 =	vld.idx.msk [tilespmem:v0+s19+$0x0 ss:$0x1], $0xffff;
	[tilespmem:s31+$0x30] =	vst v56  }
0x3e: {  	v62 =	vld.idx.msk [tilespmem:v0+s19+$0x10 ss:$0x1], $0xffff;
	s18 =	sadd.s32 $0x1, s18;
	[tilespmem:s31+$0xFFFFFFC0] =	vst v57  }
0x3f: {  	v63 =	vld.idx.msk [tilespmem:v0+s19+$0x20 ss:$0x1], $0xffff;
	p1 =	sne.s32 s18, $0x8;
	[tilespmem:s31+$0xFFFFFFD0] =	vst v58  }
.Ltmp4:
0x40: {  	[tilespmem:s31+$0xFFFFFFE0] =	vst v59;
	(pc) =	sbr.rel @p1 .LBB1_4-.Ltmp4, $4  }
0x41: {  	[tilespmem:s31+$0xFFFFFFF0] =	vst v60  }
0x42: {  	[tilespmem:s31+$0x0] =	vst v61  }
0x43: {  	[tilespmem:s31+$0x10] =	vst v62  }
0x44: {  	s16 =	sadd.s32 $0x80, s16;
	s17 =	sadd.s32 $0x400, s17;
	[tilespmem:s31+$0x20] =	vst v63  }
.Ltmp5:
0x45: {  	(pc) =	sbr.rel @p0 .LBB1_3-.Ltmp5, $2  }
0x46: {  	_ =	sdelay $0x2  }
0x47: {  	s16 =	simm.s32 $0x2000;
	p1 =	por $0x0, $0x0  }
.Ltmp6:
0x48: {  	(pc) =	sbr.rel .LBB1_9-.Ltmp6, $4  }
0x49: {  	_ = 	snop  }
0x4a: {  	s12 =	sshll.u32 s12, $0xA  }
0x4b: {  	s12 =	sadd.s32 s4, s12  }
0x4c: {  	[hbm4b:s12+s8] =	stream.linear.scatter [tilespmem:s13], [sflag:$0x2], $0x4000, $0x38;
	[tilespmem:$0x10000] =	vst v63  }
.LBB1_10:
0x4d: {  	_ =	sfence.sel $0x180000  }
0x4e: {  	s2 =	simm.s32 $0x1;
	[bflag:$0x0] =	sbarrier.arrive $0xFFFF  }
0x4f: {  	s31 =	simm.s32 $0x2;
	[sflag:s2] =	ssyncpa.u1 $0x1  }
0x50: {  	[sflag:s31] =	ssyncpa.u1 $0x1  }
0x51: {  	p0 =	sne.s32 s0, $0x0;
	_ =	strace $0x90000047  }
0x52: {  	s0 =	sadd.s32 @!p0 $0x100000, s1;
	[bflag:$0x2] =	sbarrier.arrive $0xFFFF  }
0x53: {  	[sflag:s0] =	ssyncadd.tile.s32 @!p0 $0x1;
	_ =	shalt  }
.Lfunc_end1:
_tile_overlayer_lowered:
.L_overlay_start_2:
0x54: {  	(tag) =	ssettag $0x2  }
0x55: {  	s0 =	rddreg [dreg:$0x0];
	s2 =	stileid.u32  }
0x56: {  	s1 =	rddreg [dreg:$0x1];
	p0 =	sne.s32 s2, $0x0  }
0x57: {  	s3 =	rddreg [dreg:$0x2];
	[bflag:$0x3] =	sbarrier.arrive $0xFFFF;
	s2 =	simm.s32 @!p0 $0x1C01  }
0x58: {  	[timem:s3], [sflag:s2] =	dma.local @!p0 [hbm:s0], s1  }
0x59: {  	s0 =	simm.s32 @!p0 $0x1  }
0x5a: {  	_ =	swait.ge @!p0 [sflag:s0], s1  }
0x5b: {  	s1 =	ssub.s32 @!p0 $0x0, s1;
	[sflag:s0] =	ssyncset.done @!p0 $0x0  }
0x5c: {  	[sflag:s0] =	ssyncadd.s32 @!p0 s1  }
0x5d: {  	[bflag:$0x3] =	sbarrier.arrive $0xFFFF  }
0x5e: {  	_ =	shalt  }

</sc_bundles>
